<compile_context>
chip_gen: v7x
topology: tpu7x:2x2x1
jax: 0.10.2.dev20260603
libtpu: 0.0.44.dev20260713+nightly
codegen_flags: <defaults>
</compile_context>

<pallas_src>
import functools

import jax
import jax.numpy as jnp
from jax import lax
from jax.experimental import pallas as pl
from jax.experimental.pallas import tpu as pltpu
from jax.experimental.pallas import tpu_sc as plsc

_N = 10000
_E = 320000
_D = 128
_DE = 16
_EPS = 1e-5

_NCORES = 2
_NSUB = 16
_NW = _NCORES * _NSUB
_EPW = _E // _NW
_C = 400
_CHUNKS = _EPW // _C
_G = 400
_NSUBC = _C // _G
_NBLK = _C // _DE
_IDXR = _EPW // _G
_NPAD = 10240
_RPT = _NPAD // _NSUB



def _proj_body(sx_ref, rx_ref, wes_ref, wer_ref, ps_ref, pr_ref):
    ps_ref[...] = jnp.dot(sx_ref[...], wes_ref[...],
                          preferred_element_type=jnp.float32)
    pr_ref[...] = jnp.dot(rx_ref[...], wer_ref[...],
                          preferred_element_type=jnp.float32)


def _a2_body(ea_ref, wea_ref, be_ref, a2_ref):
    a2_ref[...] = (jnp.dot(ea_ref[...], wea_ref[...],
                           preferred_element_type=jnp.float32) + be_ref[...])


def _silu(z):
    return z / (1.0 + jnp.exp(-z))


def _norm_tail(x, z, g, bt):
    z = _silu(_silu(z))
    mu = jnp.mean(z, axis=-1, keepdims=True)
    var = jnp.mean((z - mu) ** 2, axis=-1, keepdims=True)
    zn = (z - mu) * lax.rsqrt(var + _EPS)
    return x + zn * g + bt


def _sender_body(x_ref, w_ref, b_ref, g_ref, bt_ref, o_ref):
    x = x_ref[...]
    z = jnp.dot(x, w_ref[...], preferred_element_type=jnp.float32) + b_ref[...]
    o_ref[...] = _norm_tail(x, z, g_ref[...], bt_ref[...])


def _node_body(x_ref, a0_ref, a1_ref, w1_ref, w2_ref, b_ref, g_ref, bt_ref,
               o_ref):
    x = x_ref[...]
    agg = a0_ref[...] + a1_ref[...]
    z = (jnp.dot(x, w1_ref[...], preferred_element_type=jnp.float32)
         + jnp.dot(agg, w2_ref[...], preferred_element_type=jnp.float32)
         + b_ref[...])
    o_ref[...] = _norm_tail(x, z, g_ref[...], bt_ref[...])


_BM = 1000


def _tc_proj(sender_x, receiver_x, wes_t, wer_t):
    grid = (_N // _BM,)
    return pl.pallas_call(
        _proj_body,
        grid=grid,
        in_specs=[
            pl.BlockSpec((_BM, _D), lambda i: (i, 0)),
            pl.BlockSpec((_BM, _D), lambda i: (i, 0)),
            pl.BlockSpec((_D, _DE), lambda i: (0, 0)),
            pl.BlockSpec((_D, _DE), lambda i: (0, 0)),
        ],
        out_specs=[
            pl.BlockSpec((_BM, _DE), lambda i: (i, 0)),
            pl.BlockSpec((_BM, _DE), lambda i: (i, 0)),
        ],
        out_shape=[
            jax.ShapeDtypeStruct((_N, _DE), jnp.float32),
            jax.ShapeDtypeStruct((_N, _DE), jnp.float32),
        ],
    )(sender_x, receiver_x, wes_t, wer_t)


_BE = 2000


def _tc_a2(edge_attr, wea_t, be2):
    grid = (_E // _BE,)
    return pl.pallas_call(
        _a2_body,
        grid=grid,
        in_specs=[
            pl.BlockSpec((_BE, _DE), lambda i: (i, 0)),
            pl.BlockSpec((_DE, _DE), lambda i: (0, 0)),
            pl.BlockSpec((1, _DE), lambda i: (0, 0)),
        ],
        out_specs=pl.BlockSpec((_BE, _DE), lambda i: (i, 0)),
        out_shape=jax.ShapeDtypeStruct((_E, _DE), jnp.float32),
    )(edge_attr, wea_t, be2)


def _tc_sender(x, ws_t, bs2, gs2, bts2):
    grid = (_N // _BM,)
    return pl.pallas_call(
        _sender_body,
        grid=grid,
        in_specs=[
            pl.BlockSpec((_BM, _D), lambda i: (i, 0)),
            pl.BlockSpec((_D, _D), lambda i: (0, 0)),
            pl.BlockSpec((1, _D), lambda i: (0, 0)),
            pl.BlockSpec((1, _D), lambda i: (0, 0)),
            pl.BlockSpec((1, _D), lambda i: (0, 0)),
        ],
        out_specs=pl.BlockSpec((_BM, _D), lambda i: (i, 0)),
        out_shape=jax.ShapeDtypeStruct((_N, _D), jnp.float32),
    )(x, ws_t, bs2, gs2, bts2)


def _tc_node(x, a0, a1, wn1_t, wn2_t, bn2, gn2, btn2):
    grid = (_N // _BM,)
    return pl.pallas_call(
        _node_body,
        grid=grid,
        in_specs=[
            pl.BlockSpec((_BM, _D), lambda i: (i, 0)),
            pl.BlockSpec((_BM, _DE), lambda i: (i, 0)),
            pl.BlockSpec((_BM, _DE), lambda i: (i, 0)),
            pl.BlockSpec((_D, _D), lambda i: (0, 0)),
            pl.BlockSpec((_DE, _D), lambda i: (0, 0)),
            pl.BlockSpec((1, _D), lambda i: (0, 0)),
            pl.BlockSpec((1, _D), lambda i: (0, 0)),
            pl.BlockSpec((1, _D), lambda i: (0, 0)),
        ],
        out_specs=pl.BlockSpec((_BM, _D), lambda i: (i, 0)),
        out_shape=jax.ShapeDtypeStruct((_N, _D), jnp.float32),
    )(x, a0, a1, wn1_t, wn2_t, bn2, gn2, btn2)



def _sc_edge_body(ps_hbm, pr_hbm, a2_hbm, ea_hbm, src_hbm, dst_hbm,
                  g_hbm, bt_hbm, zeros_hbm,
                  eo_hbm, aggr_hbm,
                  idx_s, idx_d, ps_v, pr_v, a2_v, ea_v, p_v, gv, btv,
                  shared, sem, sem_out):
    cid = lax.axis_index("c")
    sid = lax.axis_index("s")
    wid = cid * _NSUB + sid

    pltpu.sync_copy(g_hbm, gv)
    pltpu.sync_copy(bt_hbm, btv)

    pltpu.sync_copy(src_hbm.at[wid], idx_s)
    pltpu.sync_copy(dst_hbm.at[wid], idx_d)

    pltpu.sync_copy(zeros_hbm.at[pl.ds(sid * _RPT, _RPT)],
                    shared.at[pl.ds(sid * _RPT, _RPT)])
    plsc.subcore_barrier()

    lane = jnp.arange(_DE, dtype=jnp.int32)
    half = jnp.float32(1.5)

    def issue_inputs(c):
        base = wid * _EPW + c * _C
        poff = (c % 2) * _C
        for j in range(_NSUBC):
            pltpu.async_copy(ps_hbm.at[idx_s.at[c * _NSUBC + j]],
                             ps_v.at[pl.ds(poff + j * _G, _G)], sem)
        for j in range(_NSUBC):
            pltpu.async_copy(pr_hbm.at[idx_d.at[c * _NSUBC + j]],
                             pr_v.at[pl.ds(poff + j * _G, _G)], sem)
        pltpu.async_copy(a2_hbm.at[pl.ds(base, _C)],
                         a2_v.at[pl.ds(poff, _C)], sem)
        pltpu.async_copy(ea_hbm.at[pl.ds(base, _C)],
                         ea_v.at[pl.ds(poff, _C)], sem)

    issue_inputs(jnp.int32(0))

    def chunk_body(c, carry):
        base = wid * _EPW + c * _C
        poff = (c % 2) * _C

        @pl.when(c + 1 < _CHUNKS)
        def _prefetch():
            issue_inputs(c + 1)

        for _ in range(4):
            pltpu.make_async_copy(a2_hbm.at[pl.ds(base, _C)],
                                  a2_v.at[pl.ds(poff, _C)], sem).wait()

        @plsc.parallel_loop(0, _NBLK, unroll=2)
        def block_body(j):
            rows = j * _DE + lane
            rows_p = poff + rows
            h = []
            for f in range(_DE):
                colf = jnp.full((_DE,), f, jnp.int32)
                zf = (plsc.load_gather(ps_v, [rows_p, colf])
                      + plsc.load_gather(pr_v, [rows_p, colf])
                      + plsc.load_gather(a2_v, [rows_p, colf]))
                zf = zf / (1.0 + jnp.exp(-zf))
                zf = zf / (1.0 + jnp.exp(-zf))
                h.append(zf)
            ssum = h[0]
            for f in range(1, _DE):
                ssum = ssum + h[f]
            mu = ssum * (1.0 / _DE)
            d = [h[f] - mu for f in range(_DE)]
            vs = d[0] * d[0]
            for f in range(1, _DE):
                vs = vs + d[f] * d[f]
            var = vs * (1.0 / _DE) + _EPS
            vi = plsc.bitcast(var, jnp.int32)
            y = plsc.bitcast(jnp.int32(0x5F3759DF) - (vi >> 1), jnp.float32)
            hv = var * (-0.5)
            for _ in range(3):
                y = y * (half + hv * (y * y))
            for f in range(_DE):
                colf = jnp.full((_DE,), f, jnp.int32)
                gf = plsc.load_gather(gv, [colf])
                btf = plsc.load_gather(btv, [colf])
                pf = d[f] * y * gf + btf
                plsc.store_scatter(p_v, [rows, colf], pf)
                eof = plsc.load_gather(ea_v, [rows_p, colf]) + pf
                plsc.store_scatter(ea_v, [rows_p, colf], eof)

        eo_cp = pltpu.async_copy(ea_v.at[pl.ds(poff, _C)],
                                 eo_hbm.at[pl.ds(base, _C)], sem_out)
        for j in range(_NSUBC):
            pltpu.sync_copy(p_v.at[pl.ds(j * _G, _G)],
                            shared.at[idx_d.at[c * _NSUBC + j]], add=True)
        eo_cp.wait()
        return carry

    lax.fori_loop(0, _CHUNKS, chunk_body, 0)

    plsc.subcore_barrier()
    pltpu.sync_copy(shared.at[pl.ds(sid * _RPT, _RPT)],
                    aggr_hbm.at[cid, pl.ds(sid * _RPT, _RPT)])


@functools.partial(
    pl.kernel,
    out_type=[
        jax.ShapeDtypeStruct((_E, _DE), jnp.float32),
        jax.ShapeDtypeStruct((_NCORES, _NPAD, _DE), jnp.float32),
    ],
    mesh=plsc.VectorSubcoreMesh(core_axis_name="c", subcore_axis_name="s"),
    scratch_types=[
        pltpu.VMEM((_IDXR, _G), jnp.int32),
        pltpu.VMEM((_IDXR, _G), jnp.int32),
        pltpu.VMEM((2 * _C, _DE), jnp.float32),
        pltpu.VMEM((2 * _C, _DE), jnp.float32),
        pltpu.VMEM((2 * _C, _DE), jnp.float32),
        pltpu.VMEM((2 * _C, _DE), jnp.float32),
        pltpu.VMEM((_C, _DE), jnp.float32),
        pltpu.VMEM((_DE,), jnp.float32),
        pltpu.VMEM((_DE,), jnp.float32),
        pltpu.VMEM_SHARED((_NPAD, _DE), jnp.float32),
        pltpu.SemaphoreType.DMA,
        pltpu.SemaphoreType.DMA,
    ],
    compiler_params=pltpu.CompilerParams(needs_layout_passes=False,
                                         use_tc_tiling_on_sc=False),
)
def _sc_edge(ps_hbm, pr_hbm, a2_hbm, ea_hbm, src_hbm, dst_hbm, g_hbm, bt_hbm,
             zeros_hbm, eo_hbm, aggr_hbm, *scratch):
    _sc_edge_body(ps_hbm, pr_hbm, a2_hbm, ea_hbm, src_hbm, dst_hbm,
                  g_hbm, bt_hbm, zeros_hbm, eo_hbm, aggr_hbm, *scratch)



def kernel(sender_x, receiver_x, edge_index, edge_attr,
           We, be, ge, bte, Wn, bn, gn, btn, Ws, bs, gs, bts):
    f32 = jnp.float32
    wes_t = We[:, :_D].T.astype(f32)
    wer_t = We[:, _D:2 * _D].T.astype(f32)
    wea_t = We[:, 2 * _D:].T.astype(f32)
    ws_t = Ws.T.astype(f32)
    wn1_t = Wn[:, :_D].T.astype(f32)
    wn2_t = Wn[:, _D:].T.astype(f32)

    src2 = edge_index[0].astype(jnp.int32).reshape(_NW, _IDXR, _G)
    dst2 = edge_index[1].astype(jnp.int32).reshape(_NW, _IDXR, _G)
    zeros_n = jnp.zeros((_NPAD, _DE), f32)

    ps, pr = _tc_proj(sender_x, receiver_x, wes_t, wer_t)
    a2 = _tc_a2(edge_attr, wea_t, be.reshape(1, _DE))
    sender_out = _tc_sender(sender_x, ws_t, bs.reshape(1, _D),
                            gs.reshape(1, _D), bts.reshape(1, _D))

    edge_out, aggr = _sc_edge(ps, pr, a2, edge_attr, src2, dst2,
                              ge.astype(f32), bte.astype(f32), zeros_n)

    receiver_out = _tc_node(receiver_x, aggr[0, :_N], aggr[1, :_N],
                            wn1_t, wn2_t,
                            bn.reshape(1, _D), gn.reshape(1, _D),
                            btn.reshape(1, _D))
    return (sender_out, receiver_out, edge_out)

# --- scband reference (transcript-rebuilt; emitter-appended) ---
"""Pipeline reference for scband-gcast-heterocoder-9191230013922 (READ-ONLY COPY).

The authoritative reference and input builder live on the scoring server;
editing this copy changes nothing except your own understanding.
"""

import jax, jax.numpy as jnp
import numpy as np

N_SEND = 10000
N_RECV = 10000
E = 320000
D_NODE = 128
D_EDGE = 16
EPS = 1e-5


def _gcast_mlp(x, W, b, g, beta):
    # GCastMLP.forward: z = linear(x); z = silu(z) [activate]; z = LayerNorm(silu(z)) [norm]
    z = x @ W.T + b
    z = jax.nn.silu(z)
    z = jax.nn.silu(z)
    mu = jnp.mean(z, axis=-1, keepdims=True)
    var = jnp.mean((z - mu) ** 2, axis=-1, keepdims=True)
    zn = (z - mu) / jnp.sqrt(var + EPS)
    return zn * g + beta


def setup_inputs(seed: int = 0) -> dict:
    key = jax.random.key(seed)
    ks = jax.random.split(key, 16)
    inp = {}
    inp["sender_x"] = jax.random.normal(ks[0], (N_SEND, D_NODE), dtype=jnp.float32)
    inp["receiver_x"] = jax.random.normal(ks[1], (N_RECV, D_NODE), dtype=jnp.float32)
    inp["edge_index"] = jax.random.randint(ks[2], (2, E), 0, N_SEND)
    inp["edge_attr"] = jax.random.normal(ks[3], (E, D_EDGE), dtype=jnp.float32)
    # edges_encoder: GCastMLP(in=sender_dim+receiver_dim+edge_dim=272, out=edge_dim=16)
    d_in_e = 2 * D_NODE + D_EDGE
    inp["We"] = jax.random.normal(ks[4], (D_EDGE, d_in_e), dtype=jnp.float32) / np.sqrt(d_in_e)
    inp["be"] = jnp.zeros((D_EDGE,), dtype=jnp.float32)
    inp["ge"] = jnp.ones((D_EDGE,), dtype=jnp.float32)
    inp["bte"] = jnp.zeros((D_EDGE,), dtype=jnp.float32)
    # receivers_encoder node_proj: GCastMLP(in=receiver_dim+edge_dim=144, out=receiver_dim=128)
    d_in_n = D_NODE + D_EDGE
    inp["Wn"] = jax.random.normal(ks[5], (D_NODE, d_in_n), dtype=jnp.float32) / np.sqrt(d_in_n)
    inp["bn"] = jnp.zeros((D_NODE,), dtype=jnp.float32)
    inp["gn"] = jnp.ones((D_NODE,), dtype=jnp.float32)
    inp["btn"] = jnp.zeros((D_NODE,), dtype=jnp.float32)
    # senders_encoder: GCastMLP(in=sender_dim=128, out=sender_dim=128)
    inp["Ws"] = jax.random.normal(ks[6], (D_NODE, D_NODE), dtype=jnp.float32) / np.sqrt(D_NODE)
    inp["bs"] = jnp.zeros((D_NODE,), dtype=jnp.float32)
    inp["gs"] = jnp.ones((D_NODE,), dtype=jnp.float32)
    inp["bts"] = jnp.zeros((D_NODE,), dtype=jnp.float32)
    return inp


def reference(sender_x, receiver_x, edge_index, edge_attr,
              We, be, ge, bte, Wn, bn, gn, btn, Ws, bs, gs, bts):
    src = edge_index[0]
    dst = edge_index[1]
    # GCastEdgeEncoder: MLP(concat(sender_x[src], receiver_x[dst], edge_attr))
    edge_in = jnp.concatenate([jnp.take(sender_x, src, axis=0),
                               jnp.take(receiver_x, dst, axis=0),
                               edge_attr], axis=-1)
    edge_attr_p = _gcast_mlp(edge_in, We, be, ge, bte)
    # GCastNodeEncoder: propagate aggr='sum', message = edge_attr -> scatter-add by dst
    edge_aggr = jax.ops.segment_sum(edge_attr_p, dst, num_segments=receiver_x.shape[0])
    mesh_x_p = _gcast_mlp(jnp.concatenate([receiver_x, edge_aggr], axis=-1), Wn, bn, gn, btn)
    # residual updates
    sender_out = sender_x + _gcast_mlp(sender_x, Ws, bs, gs, bts)
    receiver_out = receiver_x + mesh_x_p
    edge_out = edge_attr + edge_attr_p
    return (sender_out, receiver_out, edge_out)

if __name__ == "__main__":
    import jax
    _d = setup_inputs()
    print(jax.jit(kernel)(*tuple(_d.values())))

</pallas_src>

<mosaic_0001>
#map = affine_map<(d0, d1) -> (0, 0)>
#map1 = affine_map<(d0, d1) -> (0, 0, 0)>
#map2 = affine_map<(d0, d1) -> (0)>
module attributes {stable_mosaic.version = 14 : i64} {
  func.func @_sc_edge(%arg0: i32, %arg1: i32, %arg2: memref<10000x16xf32, #tpu.memory_space<hbm>>, %arg3: memref<10000x16xf32, #tpu.memory_space<hbm>>, %arg4: memref<320000x16xf32, #tpu.memory_space<hbm>>, %arg5: memref<320000x16xf32, #tpu.memory_space<hbm>>, %arg6: memref<32x25x400xi32, #tpu.memory_space<hbm>>, %arg7: memref<32x25x400xi32, #tpu.memory_space<hbm>>, %arg8: memref<16xf32, #tpu.memory_space<hbm>>, %arg9: memref<16xf32, #tpu.memory_space<hbm>>, %arg10: memref<10240x16xf32, #tpu.memory_space<hbm>>, %arg11: memref<320000x16xf32, #tpu.memory_space<hbm>>, %arg12: memref<2x10240x16xf32, #tpu.memory_space<hbm>>, %arg13: memref<25x400xi32, #tpu.memory_space<vmem>>, %arg14: memref<25x400xi32, #tpu.memory_space<vmem>>, %arg15: memref<800x16xf32, #tpu.memory_space<vmem>>, %arg16: memref<800x16xf32, #tpu.memory_space<vmem>>, %arg17: memref<800x16xf32, #tpu.memory_space<vmem>>, %arg18: memref<800x16xf32, #tpu.memory_space<vmem>>, %arg19: memref<400x16xf32, #tpu.memory_space<vmem>>, %arg20: memref<16xf32, #tpu.memory_space<vmem>>, %arg21: memref<16xf32, #tpu.memory_space<vmem>>, %arg22: memref<10240x16xf32, #tpu.memory_space<vmem_shared>>, %arg23: memref<!tpu.dma_semaphore, #tpu.memory_space<semaphore_mem>>, %arg24: memref<!tpu.dma_semaphore, #tpu.memory_space<semaphore_mem>>) attributes {dimension_semantics = [#tpu.dimension_semantics<core_parallel>, #tpu.dimension_semantics<subcore_parallel>], iteration_bounds = array<i64: 2, 16>, scalar_prefetch = 0 : i64, scratch_operands = 12 : i64, tpu.core_type = #tpu.core_type<sc_vector_subcore>, window_params = [{transform_indices = #map}, {transform_indices = #map}, {transform_indices = #map}, {transform_indices = #map}, {transform_indices = #map1}, {transform_indices = #map1}, {transform_indices = #map2}, {transform_indices = #map2}, {transform_indices = #map}, {transform_indices = #map}, {transform_indices = #map1}]} {
    %mul3A = arith.constant 16 : i32
    %mul3A_0 = arith.muli %arg0, %mul3A : i32
    %add3A = arith.addi %mul3A_0, %arg1 : i32
    "tpu.region"() ({
      %run_scoped3A = tpu.sem_alloc : memref<!tpu.dma_semaphore, #tpu.memory_space<semaphore_mem>>
      tpu.enqueue_dma source(%arg8 : memref<16xf32, #tpu.memory_space<hbm>>) target(%arg20 : memref<16xf32, #tpu.memory_space<vmem>>) target_semaphore(%run_scoped3A : memref<!tpu.dma_semaphore, #tpu.memory_space<semaphore_mem>>)
      tpu.wait_dma2 semaphore(%run_scoped3A : memref<!tpu.dma_semaphore, #tpu.memory_space<semaphore_mem>>) src(%arg8 : memref<16xf32, #tpu.memory_space<hbm>>) dst(%arg20 : memref<16xf32, #tpu.memory_space<vmem>>)
      tpu.yield
    }) : () -> ()
    "tpu.region"() ({
      %run_scoped3A = tpu.sem_alloc : memref<!tpu.dma_semaphore, #tpu.memory_space<semaphore_mem>>
      tpu.enqueue_dma source(%arg9 : memref<16xf32, #tpu.memory_space<hbm>>) target(%arg21 : memref<16xf32, #tpu.memory_space<vmem>>) target_semaphore(%run_scoped3A : memref<!tpu.dma_semaphore, #tpu.memory_space<semaphore_mem>>)
      tpu.wait_dma2 semaphore(%run_scoped3A : memref<!tpu.dma_semaphore, #tpu.memory_space<semaphore_mem>>) src(%arg9 : memref<16xf32, #tpu.memory_space<hbm>>) dst(%arg21 : memref<16xf32, #tpu.memory_space<vmem>>)
      tpu.yield
    }) : () -> ()
    "tpu.region"() ({
      %run_scoped3A = tpu.sem_alloc : memref<!tpu.dma_semaphore, #tpu.memory_space<semaphore_mem>>
      %dma_start3A_79 = arith.constant 0 : i32
      %dma_start3A_80 = arith.constant 0 : i32
      %dma_start3A_81 = tpu.memref_slice %arg6[%add3A, %dma_start3A_79, %dma_start3A_80] : memref<32x25x400xi32, #tpu.memory_space<hbm>> -> memref<1x25x400xi32, #tpu.memory_space<hbm>>
      %dma_start3A_82 = tpu.memref_squeeze %dma_start3A_81 : memref<1x25x400xi32, #tpu.memory_space<hbm>> -> memref<25x400xi32, #tpu.memory_space<hbm>>
      %dma_start3A_83 = arith.constant 0 : i32
      %dma_start3A_84 = arith.constant 0 : i32
      %dma_start3A_85 = tpu.memref_slice %arg6[%add3A, %dma_start3A_83, %dma_start3A_84] : memref<32x25x400xi32, #tpu.memory_space<hbm>> -> memref<1x25x400xi32, #tpu.memory_space<hbm>>
      %dma_start3A_86 = tpu.memref_squeeze %dma_start3A_85 : memref<1x25x400xi32, #tpu.memory_space<hbm>> -> memref<25x400xi32, #tpu.memory_space<hbm>>
      tpu.enqueue_dma source(%dma_start3A_86 : memref<25x400xi32, #tpu.memory_space<hbm>>) target(%arg13 : memref<25x400xi32, #tpu.memory_space<vmem>>) target_semaphore(%run_scoped3A : memref<!tpu.dma_semaphore, #tpu.memory_space<semaphore_mem>>)
      %dma_wait3A = arith.constant 0 : i32
      %dma_wait3A_87 = arith.constant 0 : i32
      %dma_wait3A_88 = tpu.memref_slice %arg6[%add3A, %dma_wait3A, %dma_wait3A_87] : memref<32x25x400xi32, #tpu.memory_space<hbm>> -> memref<1x25x400xi32, #tpu.memory_space<hbm>>
      %dma_wait3A_89 = tpu.memref_squeeze %dma_wait3A_88 : memref<1x25x400xi32, #tpu.memory_space<hbm>> -> memref<25x400xi32, #tpu.memory_space<hbm>>
      %dma_wait3A_90 = arith.constant 0 : i32
      %dma_wait3A_91 = arith.constant 0 : i32
      %dma_wait3A_92 = tpu.memref_slice %arg6[%add3A, %dma_wait3A_90, %dma_wait3A_91] : memref<32x25x400xi32, #tpu.memory_space<hbm>> -> memref<1x25x400xi32, #tpu.memory_space<hbm>>
      %dma_wait3A_93 = tpu.memref_squeeze %dma_wait3A_92 : memref<1x25x400xi32, #tpu.memory_space<hbm>> -> memref<25x400xi32, #tpu.memory_space<hbm>>
      tpu.wait_dma2 semaphore(%run_scoped3A : memref<!tpu.dma_semaphore, #tpu.memory_space<semaphore_mem>>) src(%dma_wait3A_93 : memref<25x400xi32, #tpu.memory_space<hbm>>) dst(%arg13 : memref<25x400xi32, #tpu.memory_space<vmem>>)
      tpu.yield
    }) : () -> ()
    "tpu.region"() ({
      %run_scoped3A = tpu.sem_alloc : memref<!tpu.dma_semaphore, #tpu.memory_space<semaphore_mem>>
      %dma_start3A_79 = arith.constant 0 : i32
      %dma_start3A_80 = arith.constant 0 : i32
      %dma_start3A_81 = tpu.memref_slice %arg7[%add3A, %dma_start3A_79, %dma_start3A_80] : memref<32x25x400xi32, #tpu.memory_space<hbm>> -> memref<1x25x400xi32, #tpu.memory_space<hbm>>
      %dma_start3A_82 = tpu.memref_squeeze %dma_start3A_81 : memref<1x25x400xi32, #tpu.memory_space<hbm>> -> memref<25x400xi32, #tpu.memory_space<hbm>>
      %dma_start3A_83 = arith.constant 0 : i32
      %dma_start3A_84 = arith.constant 0 : i32
      %dma_start3A_85 = tpu.memref_slice %arg7[%add3A, %dma_start3A_83, %dma_start3A_84] : memref<32x25x400xi32, #tpu.memory_space<hbm>> -> memref<1x25x400xi32, #tpu.memory_space<hbm>>
      %dma_start3A_86 = tpu.memref_squeeze %dma_start3A_85 : memref<1x25x400xi32, #tpu.memory_space<hbm>> -> memref<25x400xi32, #tpu.memory_space<hbm>>
      tpu.enqueue_dma source(%dma_start3A_86 : memref<25x400xi32, #tpu.memory_space<hbm>>) target(%arg14 : memref<25x400xi32, #tpu.memory_space<vmem>>) target_semaphore(%run_scoped3A : memref<!tpu.dma_semaphore, #tpu.memory_space<semaphore_mem>>)
      %dma_wait3A = arith.constant 0 : i32
      %dma_wait3A_87 = arith.constant 0 : i32
      %dma_wait3A_88 = tpu.memref_slice %arg7[%add3A, %dma_wait3A, %dma_wait3A_87] : memref<32x25x400xi32, #tpu.memory_space<hbm>> -> memref<1x25x400xi32, #tpu.memory_space<hbm>>
      %dma_wait3A_89 = tpu.memref_squeeze %dma_wait3A_88 : memref<1x25x400xi32, #tpu.memory_space<hbm>> -> memref<25x400xi32, #tpu.memory_space<hbm>>
      %dma_wait3A_90 = arith.constant 0 : i32
      %dma_wait3A_91 = arith.constant 0 : i32
      %dma_wait3A_92 = tpu.memref_slice %arg7[%add3A, %dma_wait3A_90, %dma_wait3A_91] : memref<32x25x400xi32, #tpu.memory_space<hbm>> -> memref<1x25x400xi32, #tpu.memory_space<hbm>>
      %dma_wait3A_93 = tpu.memref_squeeze %dma_wait3A_92 : memref<1x25x400xi32, #tpu.memory_space<hbm>> -> memref<25x400xi32, #tpu.memory_space<hbm>>
      tpu.wait_dma2 semaphore(%run_scoped3A : memref<!tpu.dma_semaphore, #tpu.memory_space<semaphore_mem>>) src(%dma_wait3A_93 : memref<25x400xi32, #tpu.memory_space<hbm>>) dst(%arg14 : memref<25x400xi32, #tpu.memory_space<vmem>>)
      tpu.yield
    }) : () -> ()
    %mul3A_1 = arith.constant 640 : i32
    %mul3A_2 = arith.muli %arg1, %mul3A_1 : i32
    %mul3A_3 = arith.constant 640 : i32
    %mul3A_4 = arith.muli %arg1, %mul3A_3 : i32
    "tpu.region"() ({
      %run_scoped3A = tpu.sem_alloc : memref<!tpu.dma_semaphore, #tpu.memory_space<semaphore_mem>>
      %dma_start3A_79 = arith.constant 0 : i32
      %dma_start3A_80 = tpu.memref_slice %arg22[%mul3A_4, %dma_start3A_79] : memref<10240x16xf32, #tpu.memory_space<vmem_shared>> -> memref<640x16xf32, #tpu.memory_space<vmem_shared>>
      %dma_start3A_81 = arith.constant 0 : i32
      %dma_start3A_82 = tpu.memref_slice %arg10[%mul3A_2, %dma_start3A_81] : memref<10240x16xf32, #tpu.memory_space<hbm>> -> memref<640x16xf32, #tpu.memory_space<hbm>>
      tpu.enqueue_dma source(%dma_start3A_82 : memref<640x16xf32, #tpu.memory_space<hbm>>) target(%dma_start3A_80 : memref<640x16xf32, #tpu.memory_space<vmem_shared>>) target_semaphore(%run_scoped3A : memref<!tpu.dma_semaphore, #tpu.memory_space<semaphore_mem>>)
      %dma_wait3A = arith.constant 0 : i32
      %dma_wait3A_83 = tpu.memref_slice %arg22[%mul3A_4, %dma_wait3A] : memref<10240x16xf32, #tpu.memory_space<vmem_shared>> -> memref<640x16xf32, #tpu.memory_space<vmem_shared>>
      %dma_wait3A_84 = arith.constant 0 : i32
      %dma_wait3A_85 = tpu.memref_slice %arg10[%mul3A_2, %dma_wait3A_84] : memref<10240x16xf32, #tpu.memory_space<hbm>> -> memref<640x16xf32, #tpu.memory_space<hbm>>
      tpu.wait_dma2 semaphore(%run_scoped3A : memref<!tpu.dma_semaphore, #tpu.memory_space<semaphore_mem>>) src(%dma_wait3A_85 : memref<640x16xf32, #tpu.memory_space<hbm>>) dst(%dma_wait3A_83 : memref<640x16xf32, #tpu.memory_space<vmem_shared>>)
      tpu.yield
    }) : () -> ()
    %barrier3A = arith.constant 0 : index
    tpu.barrier barrier_id(%barrier3A)
    %iota3A = tpu.iota {dimensions = array<i32: 0>} : vector<16xi32>
    %mul3A_5 = arith.constant 10000 : i32
    %mul3A_6 = arith.muli %add3A, %mul3A_5 : i32
    %mul3A_7 = arith.constant 0 : i32
    %mul3A_8 = arith.constant 400 : i32
    %mul3A_9 = arith.muli %mul3A_7, %mul3A_8 : i32
    %add3A_10 = arith.addi %mul3A_6, %mul3A_9 : i32
    %jit3A = arith.constant 0 : i32
    %jit3A_11 = arith.constant 2 : i32
    %eq3A = arith.constant 0 : i32
    %eq3A_12 = arith.cmpi eq, %jit3A_11, %eq3A : i32
    %jit3A_13 = arith.constant 1 : i32
    %select_n3A = arith.select %eq3A_12, %jit3A_13, %jit3A_11 : i32
    %rem3A = arith.remsi %jit3A, %select_n3A : i32
    %ne3A = arith.constant 0 : i32
    %ne3A_14 = arith.cmpi ne, %rem3A, %ne3A : i32
    %lt3A = arith.constant 0 : i32
    %lt3A_15 = arith.cmpi slt, %rem3A, %lt3A : i32
    %lt3A_16 = arith.constant 0 : i32
    %lt3A_17 = arith.cmpi slt, %select_n3A, %lt3A_16 : i32
    %ne3A_18 = arith.xori %lt3A_15, %lt3A_17 : i1
    %and3A = arith.andi %ne3A_18, %ne3A_14 : i1
    %add3A_19 = arith.addi %rem3A, %select_n3A : i32
    %select_n3A_20 = arith.select %and3A, %add3A_19, %rem3A : i32
    %mul3A_21 = arith.constant 400 : i32
    %mul3A_22 = arith.muli %select_n3A_20, %mul3A_21 : i32
    %mul3A_23 = arith.constant 0 : i32
    %mul3A_24 = arith.constant 1 : i32
    %mul3A_25 = arith.muli %mul3A_23, %mul3A_24 : i32
    %add3A_26 = arith.constant 0 : i32
    %add3A_27 = arith.addi %mul3A_25, %add3A_26 : i32
    %add3A_28 = arith.constant 0 : i32
    %add3A_29 = arith.addi %mul3A_22, %add3A_28 : i32
    %dma_start3A = arith.constant 0 : i32
    %dma_start3A_30 = tpu.memref_slice %arg15[%add3A_29, %dma_start3A] : memref<800x16xf32, #tpu.memory_space<vmem>> -> memref<400x16xf32, #tpu.memory_space<vmem>>
    %dma_start3A_31 = arith.constant 0 : i32
    %dma_start3A_32 = tpu.memref_slice %arg13[%add3A_27, %dma_start3A_31] : memref<25x400xi32, #tpu.memory_space<vmem>> -> memref<1x400xi32, #tpu.memory_space<vmem>>
    %dma_start3A_33 = tpu.memref_squeeze %dma_start3A_32 : memref<1x400xi32, #tpu.memory_space<vmem>> -> memref<400xi32, #tpu.memory_space<vmem>>
    %dma_start3A_34 = arith.constant 0 : i32
    %dma_start3A_35 = arith.constant 0 : i32
    %dma_start3A_36 = tpu.memref_slice %arg2[%dma_start3A_34, %dma_start3A_35] : memref<10000x16xf32, #tpu.memory_space<hbm>> -> memref<10000x16xf32, #tpu.memory_space<hbm>>
    tpu.enqueue_indirect_dma source(%dma_start3A_36 : memref<10000x16xf32, #tpu.memory_space<hbm>>) target(%dma_start3A_30 : memref<400x16xf32, #tpu.memory_space<vmem>>) offsets(%dma_start3A_33 : memref<400xi32, #tpu.memory_space<vmem>>) semaphore(%arg23 : memref<!tpu.dma_semaphore, #tpu.memory_space<semaphore_mem>>)
    %mul3A_37 = arith.constant 0 : i32
    %mul3A_38 = arith.constant 1 : i32
    %mul3A_39 = arith.muli %mul3A_37, %mul3A_38 : i32
    %add3A_40 = arith.constant 0 : i32
    %add3A_41 = arith.addi %mul3A_39, %add3A_40 : i32
    %add3A_42 = arith.constant 0 : i32
    %add3A_43 = arith.addi %mul3A_22, %add3A_42 : i32
    %dma_start3A_44 = arith.constant 0 : i32
    %dma_start3A_45 = tpu.memref_slice %arg16[%add3A_43, %dma_start3A_44] : memref<800x16xf32, #tpu.memory_space<vmem>> -> memref<400x16xf32, #tpu.memory_space<vmem>>
    %dma_start3A_46 = arith.constant 0 : i32
    %dma_start3A_47 = tpu.memref_slice %arg14[%add3A_41, %dma_start3A_46] : memref<25x400xi32, #tpu.memory_space<vmem>> -> memref<1x400xi32, #tpu.memory_space<vmem>>
    %dma_start3A_48 = tpu.memref_squeeze %dma_start3A_47 : memref<1x400xi32, #tpu.memory_space<vmem>> -> memref<400xi32, #tpu.memory_space<vmem>>
    %dma_start3A_49 = arith.constant 0 : i32
    %dma_start3A_50 = arith.constant 0 : i32
    %dma_start3A_51 = tpu.memref_slice %arg3[%dma_start3A_49, %dma_start3A_50] : memref<10000x16xf32, #tpu.memory_space<hbm>> -> memref<10000x16xf32, #tpu.memory_space<hbm>>
    tpu.enqueue_indirect_dma source(%dma_start3A_51 : memref<10000x16xf32, #tpu.memory_space<hbm>>) target(%dma_start3A_45 : memref<400x16xf32, #tpu.memory_space<vmem>>) offsets(%dma_start3A_48 : memref<400xi32, #tpu.memory_space<vmem>>) semaphore(%arg23 : memref<!tpu.dma_semaphore, #tpu.memory_space<semaphore_mem>>)
    %dma_start3A_52 = arith.constant 0 : i32
    %dma_start3A_53 = tpu.memref_slice %arg17[%mul3A_22, %dma_start3A_52] : memref<800x16xf32, #tpu.memory_space<vmem>> -> memref<400x16xf32, #tpu.memory_space<vmem>>
    %dma_start3A_54 = arith.constant 0 : i32
    %dma_start3A_55 = tpu.memref_slice %arg4[%add3A_10, %dma_start3A_54] : memref<320000x16xf32, #tpu.memory_space<hbm>> -> memref<400x16xf32, #tpu.memory_space<hbm>>
    %dma_start3A_56 = arith.constant 0 : i32
    %dma_start3A_57 = tpu.memref_slice %arg17[%mul3A_22, %dma_start3A_56] : memref<800x16xf32, #tpu.memory_space<vmem>> -> memref<400x16xf32, #tpu.memory_space<vmem>>
    %dma_start3A_58 = arith.constant 0 : i32
    %dma_start3A_59 = tpu.memref_slice %arg4[%add3A_10, %dma_start3A_58] : memref<320000x16xf32, #tpu.memory_space<hbm>> -> memref<400x16xf32, #tpu.memory_space<hbm>>
    tpu.enqueue_dma source(%dma_start3A_59 : memref<400x16xf32, #tpu.memory_space<hbm>>) target(%dma_start3A_57 : memref<400x16xf32, #tpu.memory_space<vmem>>) target_semaphore(%arg23 : memref<!tpu.dma_semaphore, #tpu.memory_space<semaphore_mem>>)
    %dma_start3A_60 = arith.constant 0 : i32
    %dma_start3A_61 = tpu.memref_slice %arg18[%mul3A_22, %dma_start3A_60] : memref<800x16xf32, #tpu.memory_space<vmem>> -> memref<400x16xf32, #tpu.memory_space<vmem>>
    %dma_start3A_62 = arith.constant 0 : i32
    %dma_start3A_63 = tpu.memref_slice %arg5[%add3A_10, %dma_start3A_62] : memref<320000x16xf32, #tpu.memory_space<hbm>> -> memref<400x16xf32, #tpu.memory_space<hbm>>
    %dma_start3A_64 = arith.constant 0 : i32
    %dma_start3A_65 = tpu.memref_slice %arg18[%mul3A_22, %dma_start3A_64] : memref<800x16xf32, #tpu.memory_space<vmem>> -> memref<400x16xf32, #tpu.memory_space<vmem>>
    %dma_start3A_66 = arith.constant 0 : i32
    %dma_start3A_67 = tpu.memref_slice %arg5[%add3A_10, %dma_start3A_66] : memref<320000x16xf32, #tpu.memory_space<hbm>> -> memref<400x16xf32, #tpu.memory_space<hbm>>
    tpu.enqueue_dma source(%dma_start3A_67 : memref<400x16xf32, #tpu.memory_space<hbm>>) target(%dma_start3A_65 : memref<400x16xf32, #tpu.memory_space<vmem>>) target_semaphore(%arg23 : memref<!tpu.dma_semaphore, #tpu.memory_space<semaphore_mem>>)
    %scan3A = arith.constant 0 : i32
    %scan3A_68 = arith.constant 1.500000e+00 : f32
    %scan3A_69 = arith.constant 0 : i32
    %scan3A_70 = arith.constant 25 : i32
    %scan3A_71 = arith.addi %scan3A_69, %scan3A_70 : i32
    %scan3A_72 = arith.constant 1 : i32
    scf.for %scan3A_79 = %scan3A_69 to %scan3A_71 step %scan3A_72  : i32 {
      %mul3A_80 = arith.constant 10000 : i32
      %mul3A_81 = arith.muli %add3A, %mul3A_80 : i32
      %mul3A_82 = arith.constant 400 : i32
      %mul3A_83 = arith.muli %scan3A_79, %mul3A_82 : i32
      %add3A_84 = arith.addi %mul3A_81, %mul3A_83 : i32
      %jit3A_85 = arith.constant 2 : i32
      %eq3A_86 = arith.constant 0 : i32
      %eq3A_87 = arith.cmpi eq, %jit3A_85, %eq3A_86 : i32
      %jit3A_88 = arith.constant 1 : i32
      %select_n3A_89 = arith.select %eq3A_87, %jit3A_88, %jit3A_85 : i32
      %rem3A_90 = arith.remsi %scan3A_79, %select_n3A_89 : i32
      %ne3A_91 = arith.constant 0 : i32
      %ne3A_92 = arith.cmpi ne, %rem3A_90, %ne3A_91 : i32
      %lt3A_93 = arith.constant 0 : i32
      %lt3A_94 = arith.cmpi slt, %rem3A_90, %lt3A_93 : i32
      %lt3A_95 = arith.constant 0 : i32
      %lt3A_96 = arith.cmpi slt, %select_n3A_89, %lt3A_95 : i32
      %ne3A_97 = arith.xori %lt3A_94, %lt3A_96 : i1
      %and3A_98 = arith.andi %ne3A_97, %ne3A_92 : i1
      %add3A_99 = arith.addi %rem3A_90, %select_n3A_89 : i32
      %select_n3A_100 = arith.select %and3A_98, %add3A_99, %rem3A_90 : i32
      %mul3A_101 = arith.constant 400 : i32
      %mul3A_102 = arith.muli %select_n3A_100, %mul3A_101 : i32
      %add3A_103 = arith.constant 1 : i32
      %add3A_104 = arith.addi %scan3A_79, %add3A_103 : i32
      %lt3A_105 = arith.constant 25 : i32
      %lt3A_106 = arith.cmpi slt, %add3A_104, %lt3A_105 : i32
      %convert_element_type3A = arith.extui %lt3A_106 : i1 to i32
      %cond3A = arith.constant 0 : i32
      %cond3A_107 = arith.cmpi ne, %convert_element_type3A, %cond3A : i32
      scf.if %cond3A_107 {
        %add3A_161 = arith.constant 1 : i32
        %add3A_162 = arith.addi %scan3A_79, %add3A_161 : i32
        %mul3A_163 = arith.constant 10000 : i32
        %mul3A_164 = arith.muli %add3A, %mul3A_163 : i32
        %mul3A_165 = arith.constant 400 : i32
        %mul3A_166 = arith.muli %add3A_162, %mul3A_165 : i32
        %add3A_167 = arith.addi %mul3A_164, %mul3A_166 : i32
        %jit3A_168 = arith.constant 2 : i32
        %eq3A_169 = arith.constant 0 : i32
        %eq3A_170 = arith.cmpi eq, %jit3A_168, %eq3A_169 : i32
        %jit3A_171 = arith.constant 1 : i32
        %select_n3A_172 = arith.select %eq3A_170, %jit3A_171, %jit3A_168 : i32
        %rem3A_173 = arith.remsi %add3A_162, %select_n3A_172 : i32
        %ne3A_174 = arith.constant 0 : i32
        %ne3A_175 = arith.cmpi ne, %rem3A_173, %ne3A_174 : i32
        %lt3A_176 = arith.constant 0 : i32
        %lt3A_177 = arith.cmpi slt, %rem3A_173, %lt3A_176 : i32
        %lt3A_178 = arith.constant 0 : i32
        %lt3A_179 = arith.cmpi slt, %select_n3A_172, %lt3A_178 : i32
        %ne3A_180 = arith.xori %lt3A_177, %lt3A_179 : i1
        %and3A_181 = arith.andi %ne3A_180, %ne3A_175 : i1
        %add3A_182 = arith.addi %rem3A_173, %select_n3A_172 : i32
        %select_n3A_183 = arith.select %and3A_181, %add3A_182, %rem3A_173 : i32
        %mul3A_184 = arith.constant 400 : i32
        %mul3A_185 = arith.muli %select_n3A_183, %mul3A_184 : i32
        %mul3A_186 = arith.constant 1 : i32
        %mul3A_187 = arith.muli %add3A_162, %mul3A_186 : i32
        %add3A_188 = arith.constant 0 : i32
        %add3A_189 = arith.addi %mul3A_187, %add3A_188 : i32
        %add3A_190 = arith.constant 0 : i32
        %add3A_191 = arith.addi %mul3A_185, %add3A_190 : i32
        %dma_start3A_192 = arith.constant 0 : i32
        %dma_start3A_193 = tpu.memref_slice %arg15[%add3A_191, %dma_start3A_192] : memref<800x16xf32, #tpu.memory_space<vmem>> -> memref<400x16xf32, #tpu.memory_space<vmem>>
        %dma_start3A_194 = arith.constant 0 : i32
        %dma_start3A_195 = tpu.memref_slice %arg13[%add3A_189, %dma_start3A_194] : memref<25x400xi32, #tpu.memory_space<vmem>> -> memref<1x400xi32, #tpu.memory_space<vmem>>
        %dma_start3A_196 = tpu.memref_squeeze %dma_start3A_195 : memref<1x400xi32, #tpu.memory_space<vmem>> -> memref<400xi32, #tpu.memory_space<vmem>>
        %dma_start3A_197 = arith.constant 0 : i32
        %dma_start3A_198 = arith.constant 0 : i32
        %dma_start3A_199 = tpu.memref_slice %arg2[%dma_start3A_197, %dma_start3A_198] : memref<10000x16xf32, #tpu.memory_space<hbm>> -> memref<10000x16xf32, #tpu.memory_space<hbm>>
        tpu.enqueue_indirect_dma source(%dma_start3A_199 : memref<10000x16xf32, #tpu.memory_space<hbm>>) target(%dma_start3A_193 : memref<400x16xf32, #tpu.memory_space<vmem>>) offsets(%dma_start3A_196 : memref<400xi32, #tpu.memory_space<vmem>>) semaphore(%arg23 : memref<!tpu.dma_semaphore, #tpu.memory_space<semaphore_mem>>)
        %mul3A_200 = arith.constant 1 : i32
        %mul3A_201 = arith.muli %add3A_162, %mul3A_200 : i32
        %add3A_202 = arith.constant 0 : i32
        %add3A_203 = arith.addi %mul3A_201, %add3A_202 : i32
        %add3A_204 = arith.constant 0 : i32
        %add3A_205 = arith.addi %mul3A_185, %add3A_204 : i32
        %dma_start3A_206 = arith.constant 0 : i32
        %dma_start3A_207 = tpu.memref_slice %arg16[%add3A_205, %dma_start3A_206] : memref<800x16xf32, #tpu.memory_space<vmem>> -> memref<400x16xf32, #tpu.memory_space<vmem>>
        %dma_start3A_208 = arith.constant 0 : i32
        %dma_start3A_209 = tpu.memref_slice %arg14[%add3A_203, %dma_start3A_208] : memref<25x400xi32, #tpu.memory_space<vmem>> -> memref<1x400xi32, #tpu.memory_space<vmem>>
        %dma_start3A_210 = tpu.memref_squeeze %dma_start3A_209 : memref<1x400xi32, #tpu.memory_space<vmem>> -> memref<400xi32, #tpu.memory_space<vmem>>
        %dma_start3A_211 = arith.constant 0 : i32
        %dma_start3A_212 = arith.constant 0 : i32
        %dma_start3A_213 = tpu.memref_slice %arg3[%dma_start3A_211, %dma_start3A_212] : memref<10000x16xf32, #tpu.memory_space<hbm>> -> memref<10000x16xf32, #tpu.memory_space<hbm>>
        tpu.enqueue_indirect_dma source(%dma_start3A_213 : memref<10000x16xf32, #tpu.memory_space<hbm>>) target(%dma_start3A_207 : memref<400x16xf32, #tpu.memory_space<vmem>>) offsets(%dma_start3A_210 : memref<400xi32, #tpu.memory_space<vmem>>) semaphore(%arg23 : memref<!tpu.dma_semaphore, #tpu.memory_space<semaphore_mem>>)
        %dma_start3A_214 = arith.constant 0 : i32
        %dma_start3A_215 = tpu.memref_slice %arg17[%mul3A_185, %dma_start3A_214] : memref<800x16xf32, #tpu.memory_space<vmem>> -> memref<400x16xf32, #tpu.memory_space<vmem>>
        %dma_start3A_216 = arith.constant 0 : i32
        %dma_start3A_217 = tpu.memref_slice %arg4[%add3A_167, %dma_start3A_216] : memref<320000x16xf32, #tpu.memory_space<hbm>> -> memref<400x16xf32, #tpu.memory_space<hbm>>
        %dma_start3A_218 = arith.constant 0 : i32
        %dma_start3A_219 = tpu.memref_slice %arg17[%mul3A_185, %dma_start3A_218] : memref<800x16xf32, #tpu.memory_space<vmem>> -> memref<400x16xf32, #tpu.memory_space<vmem>>
        %dma_start3A_220 = arith.constant 0 : i32
        %dma_start3A_221 = tpu.memref_slice %arg4[%add3A_167, %dma_start3A_220] : memref<320000x16xf32, #tpu.memory_space<hbm>> -> memref<400x16xf32, #tpu.memory_space<hbm>>
        tpu.enqueue_dma source(%dma_start3A_221 : memref<400x16xf32, #tpu.memory_space<hbm>>) target(%dma_start3A_219 : memref<400x16xf32, #tpu.memory_space<vmem>>) target_semaphore(%arg23 : memref<!tpu.dma_semaphore, #tpu.memory_space<semaphore_mem>>)
        %dma_start3A_222 = arith.constant 0 : i32
        %dma_start3A_223 = tpu.memref_slice %arg18[%mul3A_185, %dma_start3A_222] : memref<800x16xf32, #tpu.memory_space<vmem>> -> memref<400x16xf32, #tpu.memory_space<vmem>>
        %dma_start3A_224 = arith.constant 0 : i32
        %dma_start3A_225 = tpu.memref_slice %arg5[%add3A_167, %dma_start3A_224] : memref<320000x16xf32, #tpu.memory_space<hbm>> -> memref<400x16xf32, #tpu.memory_space<hbm>>
        %dma_start3A_226 = arith.constant 0 : i32
        %dma_start3A_227 = tpu.memref_slice %arg18[%mul3A_185, %dma_start3A_226] : memref<800x16xf32, #tpu.memory_space<vmem>> -> memref<400x16xf32, #tpu.memory_space<vmem>>
        %dma_start3A_228 = arith.constant 0 : i32
        %dma_start3A_229 = tpu.memref_slice %arg5[%add3A_167, %dma_start3A_228] : memref<320000x16xf32, #tpu.memory_space<hbm>> -> memref<400x16xf32, #tpu.memory_space<hbm>>
        tpu.enqueue_dma source(%dma_start3A_229 : memref<400x16xf32, #tpu.memory_space<hbm>>) target(%dma_start3A_227 : memref<400x16xf32, #tpu.memory_space<vmem>>) target_semaphore(%arg23 : memref<!tpu.dma_semaphore, #tpu.memory_space<semaphore_mem>>)
      } else {
      }
      %dma_wait3A = arith.constant 0 : i32
      %dma_wait3A_108 = tpu.memref_slice %arg17[%mul3A_102, %dma_wait3A] : memref<800x16xf32, #tpu.memory_space<vmem>> -> memref<400x16xf32, #tpu.memory_space<vmem>>
      %dma_wait3A_109 = arith.constant 0 : i32
      %dma_wait3A_110 = tpu.memref_slice %arg4[%add3A_84, %dma_wait3A_109] : memref<320000x16xf32, #tpu.memory_space<hbm>> -> memref<400x16xf32, #tpu.memory_space<hbm>>
      %dma_wait3A_111 = arith.constant 0 : i32
      %dma_wait3A_112 = tpu.memref_slice %arg17[%mul3A_102, %dma_wait3A_111] : memref<800x16xf32, #tpu.memory_space<vmem>> -> memref<400x16xf32, #tpu.memory_space<vmem>>
      %dma_wait3A_113 = arith.constant 0 : i32
      %dma_wait3A_114 = tpu.memref_slice %arg4[%add3A_84, %dma_wait3A_113] : memref<320000x16xf32, #tpu.memory_space<hbm>> -> memref<400x16xf32, #tpu.memory_space<hbm>>
      tpu.wait_dma2 semaphore(%arg23 : memref<!tpu.dma_semaphore, #tpu.memory_space<semaphore_mem>>) src(%dma_wait3A_114 : memref<400x16xf32, #tpu.memory_space<hbm>>) dst(%dma_wait3A_112 : memref<400x16xf32, #tpu.memory_space<vmem>>)
      %dma_wait3A_115 = arith.constant 0 : i32
      %dma_wait3A_116 = tpu.memref_slice %arg17[%mul3A_102, %dma_wait3A_115] : memref<800x16xf32, #tpu.memory_space<vmem>> -> memref<400x16xf32, #tpu.memory_space<vmem>>
      %dma_wait3A_117 = arith.constant 0 : i32
      %dma_wait3A_118 = tpu.memref_slice %arg4[%add3A_84, %dma_wait3A_117] : memref<320000x16xf32, #tpu.memory_space<hbm>> -> memref<400x16xf32, #tpu.memory_space<hbm>>
      %dma_wait3A_119 = arith.constant 0 : i32
      %dma_wait3A_120 = tpu.memref_slice %arg17[%mul3A_102, %dma_wait3A_119] : memref<800x16xf32, #tpu.memory_space<vmem>> -> memref<400x16xf32, #tpu.memory_space<vmem>>
      %dma_wait3A_121 = arith.constant 0 : i32
      %dma_wait3A_122 = tpu.memref_slice %arg4[%add3A_84, %dma_wait3A_121] : memref<320000x16xf32, #tpu.memory_space<hbm>> -> memref<400x16xf32, #tpu.memory_space<hbm>>
      tpu.wait_dma2 semaphore(%arg23 : memref<!tpu.dma_semaphore, #tpu.memory_space<semaphore_mem>>) src(%dma_wait3A_122 : memref<400x16xf32, #tpu.memory_space<hbm>>) dst(%dma_wait3A_120 : memref<400x16xf32, #tpu.memory_space<vmem>>)
      %dma_wait3A_123 = arith.constant 0 : i32
      %dma_wait3A_124 = tpu.memref_slice %arg17[%mul3A_102, %dma_wait3A_123] : memref<800x16xf32, #tpu.memory_space<vmem>> -> memref<400x16xf32, #tpu.memory_space<vmem>>
      %dma_wait3A_125 = arith.constant 0 : i32
      %dma_wait3A_126 = tpu.memref_slice %arg4[%add3A_84, %dma_wait3A_125] : memref<320000x16xf32, #tpu.memory_space<hbm>> -> memref<400x16xf32, #tpu.memory_space<hbm>>
      %dma_wait3A_127 = arith.constant 0 : i32
      %dma_wait3A_128 = tpu.memref_slice %arg17[%mul3A_102, %dma_wait3A_127] : memref<800x16xf32, #tpu.memory_space<vmem>> -> memref<400x16xf32, #tpu.memory_space<vmem>>
      %dma_wait3A_129 = arith.constant 0 : i32
      %dma_wait3A_130 = tpu.memref_slice %arg4[%add3A_84, %dma_wait3A_129] : memref<320000x16xf32, #tpu.memory_space<hbm>> -> memref<400x16xf32, #tpu.memory_space<hbm>>
      tpu.wait_dma2 semaphore(%arg23 : memref<!tpu.dma_semaphore, #tpu.memory_space<semaphore_mem>>) src(%dma_wait3A_130 : memref<400x16xf32, #tpu.memory_space<hbm>>) dst(%dma_wait3A_128 : memref<400x16xf32, #tpu.memory_space<vmem>>)
      %dma_wait3A_131 = arith.constant 0 : i32
      %dma_wait3A_132 = tpu.memref_slice %arg17[%mul3A_102, %dma_wait3A_131] : memref<800x16xf32, #tpu.memory_space<vmem>> -> memref<400x16xf32, #tpu.memory_space<vmem>>
      %dma_wait3A_133 = arith.constant 0 : i32
      %dma_wait3A_134 = tpu.memref_slice %arg4[%add3A_84, %dma_wait3A_133] : memref<320000x16xf32, #tpu.memory_space<hbm>> -> memref<400x16xf32, #tpu.memory_space<hbm>>
      %dma_wait3A_135 = arith.constant 0 : i32
      %dma_wait3A_136 = tpu.memref_slice %arg17[%mul3A_102, %dma_wait3A_135] : memref<800x16xf32, #tpu.memory_space<vmem>> -> memref<400x16xf32, #tpu.memory_space<vmem>>
      %dma_wait3A_137 = arith.constant 0 : i32
      %dma_wait3A_138 = tpu.memref_slice %arg4[%add3A_84, %dma_wait3A_137] : memref<320000x16xf32, #tpu.memory_space<hbm>> -> memref<400x16xf32, #tpu.memory_space<hbm>>
      tpu.wait_dma2 semaphore(%arg23 : memref<!tpu.dma_semaphore, #tpu.memory_space<semaphore_mem>>) src(%dma_wait3A_138 : memref<400x16xf32, #tpu.memory_space<hbm>>) dst(%dma_wait3A_136 : memref<400x16xf32, #tpu.memory_space<vmem>>)
      %parallel_loop3A = arith.constant 0 : i32
      %parallel_loop3A_139 = arith.constant 25 : i32
      %parallel_loop3A_140 = arith.constant 1 : i32
      scf.for %parallel_loop3A_161 = %parallel_loop3A to %parallel_loop3A_139 step %parallel_loop3A_140  : i32 {
        %parallel_loop3A_162 = arith.constant 16 : i32
        %parallel_loop3A_163 = arith.muli %parallel_loop3A_161, %parallel_loop3A_162 : i32
        %parallel_loop3A_164 = vector.broadcast %parallel_loop3A_163 : i32 to vector<16xi32>
        %parallel_loop3A_165 = arith.addi %parallel_loop3A_164, %iota3A : vector<16xi32>
        %parallel_loop3A_166 = vector.broadcast %mul3A_102 : i32 to vector<16xi32>
        %parallel_loop3A_167 = arith.addi %parallel_loop3A_166, %parallel_loop3A_165 : vector<16xi32>
        %parallel_loop3A_168 = arith.constant 0 : i32
        %parallel_loop3A_169 = vector.broadcast %parallel_loop3A_168 : i32 to vector<16xi32>
        %parallel_loop3A_170 = tpu.vector_load_idx %arg15[%parallel_loop3A_167, %parallel_loop3A_169] : memref<800x16xf32, #tpu.memory_space<vmem>>[vector<16xi32>, vector<16xi32>], vector<16xf32>,
        %parallel_loop3A_171 = tpu.vector_load_idx %arg16[%parallel_loop3A_167, %parallel_loop3A_169] : memref<800x16xf32, #tpu.memory_space<vmem>>[vector<16xi32>, vector<16xi32>], vector<16xf32>,
        %parallel_loop3A_172 = arith.addf %parallel_loop3A_170, %parallel_loop3A_171 : vector<16xf32>
        %parallel_loop3A_173 = tpu.vector_load_idx %arg17[%parallel_loop3A_167, %parallel_loop3A_169] : memref<800x16xf32, #tpu.memory_space<vmem>>[vector<16xi32>, vector<16xi32>], vector<16xf32>,
        %parallel_loop3A_174 = arith.addf %parallel_loop3A_172, %parallel_loop3A_173 : vector<16xf32>
        %parallel_loop3A_175 = arith.constant 0.000000e+00 : f32
        %parallel_loop3A_176 = vector.broadcast %parallel_loop3A_175 : f32 to vector<16xf32>
        %parallel_loop3A_177 = arith.subf %parallel_loop3A_176, %parallel_loop3A_174 : vector<16xf32>
        %parallel_loop3A_178 = math.exp %parallel_loop3A_177 : vector<16xf32>
        %parallel_loop3A_179 = arith.constant 1.000000e+00 : f32
        %parallel_loop3A_180 = vector.broadcast %parallel_loop3A_179 : f32 to vector<16xf32>
        %parallel_loop3A_181 = arith.addf %parallel_loop3A_180, %parallel_loop3A_178 : vector<16xf32>
        %parallel_loop3A_182 = arith.divf %parallel_loop3A_174, %parallel_loop3A_181 : vector<16xf32>
        %parallel_loop3A_183 = arith.constant 0.000000e+00 : f32
        %parallel_loop3A_184 = vector.broadcast %parallel_loop3A_183 : f32 to vector<16xf32>
        %parallel_loop3A_185 = arith.subf %parallel_loop3A_184, %parallel_loop3A_182 : vector<16xf32>
        %parallel_loop3A_186 = math.exp %parallel_loop3A_185 : vector<16xf32>
        %parallel_loop3A_187 = arith.constant 1.000000e+00 : f32
        %parallel_loop3A_188 = vector.broadcast %parallel_loop3A_187 : f32 to vector<16xf32>
        %parallel_loop3A_189 = arith.addf %parallel_loop3A_188, %parallel_loop3A_186 : vector<16xf32>
        %parallel_loop3A_190 = arith.divf %parallel_loop3A_182, %parallel_loop3A_189 : vector<16xf32>
        %parallel_loop3A_191 = arith.constant 1 : i32
        %parallel_loop3A_192 = vector.broadcast %parallel_loop3A_191 : i32 to vector<16xi32>
        %parallel_loop3A_193 = tpu.vector_load_idx %arg15[%parallel_loop3A_167, %parallel_loop3A_192] : memref<800x16xf32, #tpu.memory_space<vmem>>[vector<16xi32>, vector<16xi32>], vector<16xf32>,
        %parallel_loop3A_194 = tpu.vector_load_idx %arg16[%parallel_loop3A_167, %parallel_loop3A_192] : memref<800x16xf32, #tpu.memory_space<vmem>>[vector<16xi32>, vector<16xi32>], vector<16xf32>,
        %parallel_loop3A_195 = arith.addf %parallel_loop3A_193, %parallel_loop3A_194 : vector<16xf32>
        %parallel_loop3A_196 = tpu.vector_load_idx %arg17[%parallel_loop3A_167, %parallel_loop3A_192] : memref<800x16xf32, #tpu.memory_space<vmem>>[vector<16xi32>, vector<16xi32>], vector<16xf32>,
        %parallel_loop3A_197 = arith.addf %parallel_loop3A_195, %parallel_loop3A_196 : vector<16xf32>
        %parallel_loop3A_198 = arith.constant 0.000000e+00 : f32
        %parallel_loop3A_199 = vector.broadcast %parallel_loop3A_198 : f32 to vector<16xf32>
        %parallel_loop3A_200 = arith.subf %parallel_loop3A_199, %parallel_loop3A_197 : vector<16xf32>
        %parallel_loop3A_201 = math.exp %parallel_loop3A_200 : vector<16xf32>
        %parallel_loop3A_202 = arith.constant 1.000000e+00 : f32
        %parallel_loop3A_203 = vector.broadcast %parallel_loop3A_202 : f32 to vector<16xf32>
        %parallel_loop3A_204 = arith.addf %parallel_loop3A_203, %parallel_loop3A_201 : vector<16xf32>
        %parallel_loop3A_205 = arith.divf %parallel_loop3A_197, %parallel_loop3A_204 : vector<16xf32>
        %parallel_loop3A_206 = arith.constant 0.000000e+00 : f32
        %parallel_loop3A_207 = vector.broadcast %parallel_loop3A_206 : f32 to vector<16xf32>
        %parallel_loop3A_208 = arith.subf %parallel_loop3A_207, %parallel_loop3A_205 : vector<16xf32>
        %parallel_loop3A_209 = math.exp %parallel_loop3A_208 : vector<16xf32>
        %parallel_loop3A_210 = arith.constant 1.000000e+00 : f32
        %parallel_loop3A_211 = vector.broadcast %parallel_loop3A_210 : f32 to vector<16xf32>
        %parallel_loop3A_212 = arith.addf %parallel_loop3A_211, %parallel_loop3A_209 : vector<16xf32>
        %parallel_loop3A_213 = arith.divf %parallel_loop3A_205, %parallel_loop3A_212 : vector<16xf32>
        %parallel_loop3A_214 = arith.constant 2 : i32
        %parallel_loop3A_215 = vector.broadcast %parallel_loop3A_214 : i32 to vector<16xi32>
        %parallel_loop3A_216 = tpu.vector_load_idx %arg15[%parallel_loop3A_167, %parallel_loop3A_215] : memref<800x16xf32, #tpu.memory_space<vmem>>[vector<16xi32>, vector<16xi32>], vector<16xf32>,
        %parallel_loop3A_217 = tpu.vector_load_idx %arg16[%parallel_loop3A_167, %parallel_loop3A_215] : memref<800x16xf32, #tpu.memory_space<vmem>>[vector<16xi32>, vector<16xi32>], vector<16xf32>,
        %parallel_loop3A_218 = arith.addf %parallel_loop3A_216, %parallel_loop3A_217 : vector<16xf32>
        %parallel_loop3A_219 = tpu.vector_load_idx %arg17[%parallel_loop3A_167, %parallel_loop3A_215] : memref<800x16xf32, #tpu.memory_space<vmem>>[vector<16xi32>, vector<16xi32>], vector<16xf32>,
        %parallel_loop3A_220 = arith.addf %parallel_loop3A_218, %parallel_loop3A_219 : vector<16xf32>
        %parallel_loop3A_221 = arith.constant 0.000000e+00 : f32
        %parallel_loop3A_222 = vector.broadcast %parallel_loop3A_221 : f32 to vector<16xf32>
        %parallel_loop3A_223 = arith.subf %parallel_loop3A_222, %parallel_loop3A_220 : vector<16xf32>
        %parallel_loop3A_224 = math.exp %parallel_loop3A_223 : vector<16xf32>
        %parallel_loop3A_225 = arith.constant 1.000000e+00 : f32
        %parallel_loop3A_226 = vector.broadcast %parallel_loop3A_225 : f32 to vector<16xf32>
        %parallel_loop3A_227 = arith.addf %parallel_loop3A_226, %parallel_loop3A_224 : vector<16xf32>
        %parallel_loop3A_228 = arith.divf %parallel_loop3A_220, %parallel_loop3A_227 : vector<16xf32>
        %parallel_loop3A_229 = arith.constant 0.000000e+00 : f32
        %parallel_loop3A_230 = vector.broadcast %parallel_loop3A_229 : f32 to vector<16xf32>
        %parallel_loop3A_231 = arith.subf %parallel_loop3A_230, %parallel_loop3A_228 : vector<16xf32>
        %parallel_loop3A_232 = math.exp %parallel_loop3A_231 : vector<16xf32>
        %parallel_loop3A_233 = arith.constant 1.000000e+00 : f32
        %parallel_loop3A_234 = vector.broadcast %parallel_loop3A_233 : f32 to vector<16xf32>
        %parallel_loop3A_235 = arith.addf %parallel_loop3A_234, %parallel_loop3A_232 : vector<16xf32>
        %parallel_loop3A_236 = arith.divf %parallel_loop3A_228, %parallel_loop3A_235 : vector<16xf32>
        %parallel_loop3A_237 = arith.constant 3 : i32
        %parallel_loop3A_238 = vector.broadcast %parallel_loop3A_237 : i32 to vector<16xi32>
        %parallel_loop3A_239 = tpu.vector_load_idx %arg15[%parallel_loop3A_167, %parallel_loop3A_238] : memref<800x16xf32, #tpu.memory_space<vmem>>[vector<16xi32>, vector<16xi32>], vector<16xf32>,
        %parallel_loop3A_240 = tpu.vector_load_idx %arg16[%parallel_loop3A_167, %parallel_loop3A_238] : memref<800x16xf32, #tpu.memory_space<vmem>>[vector<16xi32>, vector<16xi32>], vector<16xf32>,
        %parallel_loop3A_241 = arith.addf %parallel_loop3A_239, %parallel_loop3A_240 : vector<16xf32>
        %parallel_loop3A_242 = tpu.vector_load_idx %arg17[%parallel_loop3A_167, %parallel_loop3A_238] : memref<800x16xf32, #tpu.memory_space<vmem>>[vector<16xi32>, vector<16xi32>], vector<16xf32>,
        %parallel_loop3A_243 = arith.addf %parallel_loop3A_241, %parallel_loop3A_242 : vector<16xf32>
        %parallel_loop3A_244 = arith.constant 0.000000e+00 : f32
        %parallel_loop3A_245 = vector.broadcast %parallel_loop3A_244 : f32 to vector<16xf32>
        %parallel_loop3A_246 = arith.subf %parallel_loop3A_245, %parallel_loop3A_243 : vector<16xf32>
        %parallel_loop3A_247 = math.exp %parallel_loop3A_246 : vector<16xf32>
        %parallel_loop3A_248 = arith.constant 1.000000e+00 : f32
        %parallel_loop3A_249 = vector.broadcast %parallel_loop3A_248 : f32 to vector<16xf32>
        %parallel_loop3A_250 = arith.addf %parallel_loop3A_249, %parallel_loop3A_247 : vector<16xf32>
        %parallel_loop3A_251 = arith.divf %parallel_loop3A_243, %parallel_loop3A_250 : vector<16xf32>
        %parallel_loop3A_252 = arith.constant 0.000000e+00 : f32
        %parallel_loop3A_253 = vector.broadcast %parallel_loop3A_252 : f32 to vector<16xf32>
        %parallel_loop3A_254 = arith.subf %parallel_loop3A_253, %parallel_loop3A_251 : vector<16xf32>
        %parallel_loop3A_255 = math.exp %parallel_loop3A_254 : vector<16xf32>
        %parallel_loop3A_256 = arith.constant 1.000000e+00 : f32
        %parallel_loop3A_257 = vector.broadcast %parallel_loop3A_256 : f32 to vector<16xf32>
        %parallel_loop3A_258 = arith.addf %parallel_loop3A_257, %parallel_loop3A_255 : vector<16xf32>
        %parallel_loop3A_259 = arith.divf %parallel_loop3A_251, %parallel_loop3A_258 : vector<16xf32>
        %parallel_loop3A_260 = arith.constant 4 : i32
        %parallel_loop3A_261 = vector.broadcast %parallel_loop3A_260 : i32 to vector<16xi32>
        %parallel_loop3A_262 = tpu.vector_load_idx %arg15[%parallel_loop3A_167, %parallel_loop3A_261] : memref<800x16xf32, #tpu.memory_space<vmem>>[vector<16xi32>, vector<16xi32>], vector<16xf32>,
        %parallel_loop3A_263 = tpu.vector_load_idx %arg16[%parallel_loop3A_167, %parallel_loop3A_261] : memref<800x16xf32, #tpu.memory_space<vmem>>[vector<16xi32>, vector<16xi32>], vector<16xf32>,
        %parallel_loop3A_264 = arith.addf %parallel_loop3A_262, %parallel_loop3A_263 : vector<16xf32>
        %parallel_loop3A_265 = tpu.vector_load_idx %arg17[%parallel_loop3A_167, %parallel_loop3A_261] : memref<800x16xf32, #tpu.memory_space<vmem>>[vector<16xi32>, vector<16xi32>], vector<16xf32>,
        %parallel_loop3A_266 = arith.addf %parallel_loop3A_264, %parallel_loop3A_265 : vector<16xf32>
        %parallel_loop3A_267 = arith.constant 0.000000e+00 : f32
        %parallel_loop3A_268 = vector.broadcast %parallel_loop3A_267 : f32 to vector<16xf32>
        %parallel_loop3A_269 = arith.subf %parallel_loop3A_268, %parallel_loop3A_266 : vector<16xf32>
        %parallel_loop3A_270 = math.exp %parallel_loop3A_269 : vector<16xf32>
        %parallel_loop3A_271 = arith.constant 1.000000e+00 : f32
        %parallel_loop3A_272 = vector.broadcast %parallel_loop3A_271 : f32 to vector<16xf32>
        %parallel_loop3A_273 = arith.addf %parallel_loop3A_272, %parallel_loop3A_270 : vector<16xf32>
        %parallel_loop3A_274 = arith.divf %parallel_loop3A_266, %parallel_loop3A_273 : vector<16xf32>
        %parallel_loop3A_275 = arith.constant 0.000000e+00 : f32
        %parallel_loop3A_276 = vector.broadcast %parallel_loop3A_275 : f32 to vector<16xf32>
        %parallel_loop3A_277 = arith.subf %parallel_loop3A_276, %parallel_loop3A_274 : vector<16xf32>
        %parallel_loop3A_278 = math.exp %parallel_loop3A_277 : vector<16xf32>
        %parallel_loop3A_279 = arith.constant 1.000000e+00 : f32
        %parallel_loop3A_280 = vector.broadcast %parallel_loop3A_279 : f32 to vector<16xf32>
        %parallel_loop3A_281 = arith.addf %parallel_loop3A_280, %parallel_loop3A_278 : vector<16xf32>
        %parallel_loop3A_282 = arith.divf %parallel_loop3A_274, %parallel_loop3A_281 : vector<16xf32>
        %parallel_loop3A_283 = arith.constant 5 : i32
        %parallel_loop3A_284 = vector.broadcast %parallel_loop3A_283 : i32 to vector<16xi32>
        %parallel_loop3A_285 = tpu.vector_load_idx %arg15[%parallel_loop3A_167, %parallel_loop3A_284] : memref<800x16xf32, #tpu.memory_space<vmem>>[vector<16xi32>, vector<16xi32>], vector<16xf32>,
        %parallel_loop3A_286 = tpu.vector_load_idx %arg16[%parallel_loop3A_167, %parallel_loop3A_284] : memref<800x16xf32, #tpu.memory_space<vmem>>[vector<16xi32>, vector<16xi32>], vector<16xf32>,
        %parallel_loop3A_287 = arith.addf %parallel_loop3A_285, %parallel_loop3A_286 : vector<16xf32>
        %parallel_loop3A_288 = tpu.vector_load_idx %arg17[%parallel_loop3A_167, %parallel_loop3A_284] : memref<800x16xf32, #tpu.memory_space<vmem>>[vector<16xi32>, vector<16xi32>], vector<16xf32>,
        %parallel_loop3A_289 = arith.addf %parallel_loop3A_287, %parallel_loop3A_288 : vector<16xf32>
        %parallel_loop3A_290 = arith.constant 0.000000e+00 : f32
        %parallel_loop3A_291 = vector.broadcast %parallel_loop3A_290 : f32 to vector<16xf32>
        %parallel_loop3A_292 = arith.subf %parallel_loop3A_291, %parallel_loop3A_289 : vector<16xf32>
        %parallel_loop3A_293 = math.exp %parallel_loop3A_292 : vector<16xf32>
        %parallel_loop3A_294 = arith.constant 1.000000e+00 : f32
        %parallel_loop3A_295 = vector.broadcast %parallel_loop3A_294 : f32 to vector<16xf32>
        %parallel_loop3A_296 = arith.addf %parallel_loop3A_295, %parallel_loop3A_293 : vector<16xf32>
        %parallel_loop3A_297 = arith.divf %parallel_loop3A_289, %parallel_loop3A_296 : vector<16xf32>
        %parallel_loop3A_298 = arith.constant 0.000000e+00 : f32
        %parallel_loop3A_299 = vector.broadcast %parallel_loop3A_298 : f32 to vector<16xf32>
        %parallel_loop3A_300 = arith.subf %parallel_loop3A_299, %parallel_loop3A_297 : vector<16xf32>
        %parallel_loop3A_301 = math.exp %parallel_loop3A_300 : vector<16xf32>
        %parallel_loop3A_302 = arith.constant 1.000000e+00 : f32
        %parallel_loop3A_303 = vector.broadcast %parallel_loop3A_302 : f32 to vector<16xf32>
        %parallel_loop3A_304 = arith.addf %parallel_loop3A_303, %parallel_loop3A_301 : vector<16xf32>
        %parallel_loop3A_305 = arith.divf %parallel_loop3A_297, %parallel_loop3A_304 : vector<16xf32>
        %parallel_loop3A_306 = arith.constant 6 : i32
        %parallel_loop3A_307 = vector.broadcast %parallel_loop3A_306 : i32 to vector<16xi32>
        %parallel_loop3A_308 = tpu.vector_load_idx %arg15[%parallel_loop3A_167, %parallel_loop3A_307] : memref<800x16xf32, #tpu.memory_space<vmem>>[vector<16xi32>, vector<16xi32>], vector<16xf32>,
        %parallel_loop3A_309 = tpu.vector_load_idx %arg16[%parallel_loop3A_167, %parallel_loop3A_307] : memref<800x16xf32, #tpu.memory_space<vmem>>[vector<16xi32>, vector<16xi32>], vector<16xf32>,
        %parallel_loop3A_310 = arith.addf %parallel_loop3A_308, %parallel_loop3A_309 : vector<16xf32>
        %parallel_loop3A_311 = tpu.vector_load_idx %arg17[%parallel_loop3A_167, %parallel_loop3A_307] : memref<800x16xf32, #tpu.memory_space<vmem>>[vector<16xi32>, vector<16xi32>], vector<16xf32>,
        %parallel_loop3A_312 = arith.addf %parallel_loop3A_310, %parallel_loop3A_311 : vector<16xf32>
        %parallel_loop3A_313 = arith.constant 0.000000e+00 : f32
        %parallel_loop3A_314 = vector.broadcast %parallel_loop3A_313 : f32 to vector<16xf32>
        %parallel_loop3A_315 = arith.subf %parallel_loop3A_314, %parallel_loop3A_312 : vector<16xf32>
        %parallel_loop3A_316 = math.exp %parallel_loop3A_315 : vector<16xf32>
        %parallel_loop3A_317 = arith.constant 1.000000e+00 : f32
        %parallel_loop3A_318 = vector.broadcast %parallel_loop3A_317 : f32 to vector<16xf32>
        %parallel_loop3A_319 = arith.addf %parallel_loop3A_318, %parallel_loop3A_316 : vector<16xf32>
        %parallel_loop3A_320 = arith.divf %parallel_loop3A_312, %parallel_loop3A_319 : vector<16xf32>
        %parallel_loop3A_321 = arith.constant 0.000000e+00 : f32
        %parallel_loop3A_322 = vector.broadcast %parallel_loop3A_321 : f32 to vector<16xf32>
        %parallel_loop3A_323 = arith.subf %parallel_loop3A_322, %parallel_loop3A_320 : vector<16xf32>
        %parallel_loop3A_324 = math.exp %parallel_loop3A_323 : vector<16xf32>
        %parallel_loop3A_325 = arith.constant 1.000000e+00 : f32
        %parallel_loop3A_326 = vector.broadcast %parallel_loop3A_325 : f32 to vector<16xf32>
        %parallel_loop3A_327 = arith.addf %parallel_loop3A_326, %parallel_loop3A_324 : vector<16xf32>
        %parallel_loop3A_328 = arith.divf %parallel_loop3A_320, %parallel_loop3A_327 : vector<16xf32>
        %parallel_loop3A_329 = arith.constant 7 : i32
        %parallel_loop3A_330 = vector.broadcast %parallel_loop3A_329 : i32 to vector<16xi32>
        %parallel_loop3A_331 = tpu.vector_load_idx %arg15[%parallel_loop3A_167, %parallel_loop3A_330] : memref<800x16xf32, #tpu.memory_space<vmem>>[vector<16xi32>, vector<16xi32>], vector<16xf32>,
        %parallel_loop3A_332 = tpu.vector_load_idx %arg16[%parallel_loop3A_167, %parallel_loop3A_330] : memref<800x16xf32, #tpu.memory_space<vmem>>[vector<16xi32>, vector<16xi32>], vector<16xf32>,
        %parallel_loop3A_333 = arith.addf %parallel_loop3A_331, %parallel_loop3A_332 : vector<16xf32>
        %parallel_loop3A_334 = tpu.vector_load_idx %arg17[%parallel_loop3A_167, %parallel_loop3A_330] : memref<800x16xf32, #tpu.memory_space<vmem>>[vector<16xi32>, vector<16xi32>], vector<16xf32>,
        %parallel_loop3A_335 = arith.addf %parallel_loop3A_333, %parallel_loop3A_334 : vector<16xf32>
        %parallel_loop3A_336 = arith.constant 0.000000e+00 : f32
        %parallel_loop3A_337 = vector.broadcast %parallel_loop3A_336 : f32 to vector<16xf32>
        %parallel_loop3A_338 = arith.subf %parallel_loop3A_337, %parallel_loop3A_335 : vector<16xf32>
        %parallel_loop3A_339 = math.exp %parallel_loop3A_338 : vector<16xf32>
        %parallel_loop3A_340 = arith.constant 1.000000e+00 : f32
        %parallel_loop3A_341 = vector.broadcast %parallel_loop3A_340 : f32 to vector<16xf32>
        %parallel_loop3A_342 = arith.addf %parallel_loop3A_341, %parallel_loop3A_339 : vector<16xf32>
        %parallel_loop3A_343 = arith.divf %parallel_loop3A_335, %parallel_loop3A_342 : vector<16xf32>
        %parallel_loop3A_344 = arith.constant 0.000000e+00 : f32
        %parallel_loop3A_345 = vector.broadcast %parallel_loop3A_344 : f32 to vector<16xf32>
        %parallel_loop3A_346 = arith.subf %parallel_loop3A_345, %parallel_loop3A_343 : vector<16xf32>
        %parallel_loop3A_347 = math.exp %parallel_loop3A_346 : vector<16xf32>
        %parallel_loop3A_348 = arith.constant 1.000000e+00 : f32
        %parallel_loop3A_349 = vector.broadcast %parallel_loop3A_348 : f32 to vector<16xf32>
        %parallel_loop3A_350 = arith.addf %parallel_loop3A_349, %parallel_loop3A_347 : vector<16xf32>
        %parallel_loop3A_351 = arith.divf %parallel_loop3A_343, %parallel_loop3A_350 : vector<16xf32>
        %parallel_loop3A_352 = arith.constant 8 : i32
        %parallel_loop3A_353 = vector.broadcast %parallel_loop3A_352 : i32 to vector<16xi32>
        %parallel_loop3A_354 = tpu.vector_load_idx %arg15[%parallel_loop3A_167, %parallel_loop3A_353] : memref<800x16xf32, #tpu.memory_space<vmem>>[vector<16xi32>, vector<16xi32>], vector<16xf32>,
        %parallel_loop3A_355 = tpu.vector_load_idx %arg16[%parallel_loop3A_167, %parallel_loop3A_353] : memref<800x16xf32, #tpu.memory_space<vmem>>[vector<16xi32>, vector<16xi32>], vector<16xf32>,
        %parallel_loop3A_356 = arith.addf %parallel_loop3A_354, %parallel_loop3A_355 : vector<16xf32>
        %parallel_loop3A_357 = tpu.vector_load_idx %arg17[%parallel_loop3A_167, %parallel_loop3A_353] : memref<800x16xf32, #tpu.memory_space<vmem>>[vector<16xi32>, vector<16xi32>], vector<16xf32>,
        %parallel_loop3A_358 = arith.addf %parallel_loop3A_356, %parallel_loop3A_357 : vector<16xf32>
        %parallel_loop3A_359 = arith.constant 0.000000e+00 : f32
        %parallel_loop3A_360 = vector.broadcast %parallel_loop3A_359 : f32 to vector<16xf32>
        %parallel_loop3A_361 = arith.subf %parallel_loop3A_360, %parallel_loop3A_358 : vector<16xf32>
        %parallel_loop3A_362 = math.exp %parallel_loop3A_361 : vector<16xf32>
        %parallel_loop3A_363 = arith.constant 1.000000e+00 : f32
        %parallel_loop3A_364 = vector.broadcast %parallel_loop3A_363 : f32 to vector<16xf32>
        %parallel_loop3A_365 = arith.addf %parallel_loop3A_364, %parallel_loop3A_362 : vector<16xf32>
        %parallel_loop3A_366 = arith.divf %parallel_loop3A_358, %parallel_loop3A_365 : vector<16xf32>
        %parallel_loop3A_367 = arith.constant 0.000000e+00 : f32
        %parallel_loop3A_368 = vector.broadcast %parallel_loop3A_367 : f32 to vector<16xf32>
        %parallel_loop3A_369 = arith.subf %parallel_loop3A_368, %parallel_loop3A_366 : vector<16xf32>
        %parallel_loop3A_370 = math.exp %parallel_loop3A_369 : vector<16xf32>
        %parallel_loop3A_371 = arith.constant 1.000000e+00 : f32
        %parallel_loop3A_372 = vector.broadcast %parallel_loop3A_371 : f32 to vector<16xf32>
        %parallel_loop3A_373 = arith.addf %parallel_loop3A_372, %parallel_loop3A_370 : vector<16xf32>
        %parallel_loop3A_374 = arith.divf %parallel_loop3A_366, %parallel_loop3A_373 : vector<16xf32>
        %parallel_loop3A_375 = arith.constant 9 : i32
        %parallel_loop3A_376 = vector.broadcast %parallel_loop3A_375 : i32 to vector<16xi32>
        %parallel_loop3A_377 = tpu.vector_load_idx %arg15[%parallel_loop3A_167, %parallel_loop3A_376] : memref<800x16xf32, #tpu.memory_space<vmem>>[vector<16xi32>, vector<16xi32>], vector<16xf32>,
        %parallel_loop3A_378 = tpu.vector_load_idx %arg16[%parallel_loop3A_167, %parallel_loop3A_376] : memref<800x16xf32, #tpu.memory_space<vmem>>[vector<16xi32>, vector<16xi32>], vector<16xf32>,
        %parallel_loop3A_379 = arith.addf %parallel_loop3A_377, %parallel_loop3A_378 : vector<16xf32>
        %parallel_loop3A_380 = tpu.vector_load_idx %arg17[%parallel_loop3A_167, %parallel_loop3A_376] : memref<800x16xf32, #tpu.memory_space<vmem>>[vector<16xi32>, vector<16xi32>], vector<16xf32>,
        %parallel_loop3A_381 = arith.addf %parallel_loop3A_379, %parallel_loop3A_380 : vector<16xf32>
        %parallel_loop3A_382 = arith.constant 0.000000e+00 : f32
        %parallel_loop3A_383 = vector.broadcast %parallel_loop3A_382 : f32 to vector<16xf32>
        %parallel_loop3A_384 = arith.subf %parallel_loop3A_383, %parallel_loop3A_381 : vector<16xf32>
        %parallel_loop3A_385 = math.exp %parallel_loop3A_384 : vector<16xf32>
        %parallel_loop3A_386 = arith.constant 1.000000e+00 : f32
        %parallel_loop3A_387 = vector.broadcast %parallel_loop3A_386 : f32 to vector<16xf32>
        %parallel_loop3A_388 = arith.addf %parallel_loop3A_387, %parallel_loop3A_385 : vector<16xf32>
        %parallel_loop3A_389 = arith.divf %parallel_loop3A_381, %parallel_loop3A_388 : vector<16xf32>
        %parallel_loop3A_390 = arith.constant 0.000000e+00 : f32
        %parallel_loop3A_391 = vector.broadcast %parallel_loop3A_390 : f32 to vector<16xf32>
        %parallel_loop3A_392 = arith.subf %parallel_loop3A_391, %parallel_loop3A_389 : vector<16xf32>
        %parallel_loop3A_393 = math.exp %parallel_loop3A_392 : vector<16xf32>
        %parallel_loop3A_394 = arith.constant 1.000000e+00 : f32
        %parallel_loop3A_395 = vector.broadcast %parallel_loop3A_394 : f32 to vector<16xf32>
        %parallel_loop3A_396 = arith.addf %parallel_loop3A_395, %parallel_loop3A_393 : vector<16xf32>
        %parallel_loop3A_397 = arith.divf %parallel_loop3A_389, %parallel_loop3A_396 : vector<16xf32>
        %parallel_loop3A_398 = arith.constant 10 : i32
        %parallel_loop3A_399 = vector.broadcast %parallel_loop3A_398 : i32 to vector<16xi32>
        %parallel_loop3A_400 = tpu.vector_load_idx %arg15[%parallel_loop3A_167, %parallel_loop3A_399] : memref<800x16xf32, #tpu.memory_space<vmem>>[vector<16xi32>, vector<16xi32>], vector<16xf32>,
        %parallel_loop3A_401 = tpu.vector_load_idx %arg16[%parallel_loop3A_167, %parallel_loop3A_399] : memref<800x16xf32, #tpu.memory_space<vmem>>[vector<16xi32>, vector<16xi32>], vector<16xf32>,
        %parallel_loop3A_402 = arith.addf %parallel_loop3A_400, %parallel_loop3A_401 : vector<16xf32>
        %parallel_loop3A_403 = tpu.vector_load_idx %arg17[%parallel_loop3A_167, %parallel_loop3A_399] : memref<800x16xf32, #tpu.memory_space<vmem>>[vector<16xi32>, vector<16xi32>], vector<16xf32>,
        %parallel_loop3A_404 = arith.addf %parallel_loop3A_402, %parallel_loop3A_403 : vector<16xf32>
        %parallel_loop3A_405 = arith.constant 0.000000e+00 : f32
        %parallel_loop3A_406 = vector.broadcast %parallel_loop3A_405 : f32 to vector<16xf32>
        %parallel_loop3A_407 = arith.subf %parallel_loop3A_406, %parallel_loop3A_404 : vector<16xf32>
        %parallel_loop3A_408 = math.exp %parallel_loop3A_407 : vector<16xf32>
        %parallel_loop3A_409 = arith.constant 1.000000e+00 : f32
        %parallel_loop3A_410 = vector.broadcast %parallel_loop3A_409 : f32 to vector<16xf32>
        %parallel_loop3A_411 = arith.addf %parallel_loop3A_410, %parallel_loop3A_408 : vector<16xf32>
        %parallel_loop3A_412 = arith.divf %parallel_loop3A_404, %parallel_loop3A_411 : vector<16xf32>
        %parallel_loop3A_413 = arith.constant 0.000000e+00 : f32
        %parallel_loop3A_414 = vector.broadcast %parallel_loop3A_413 : f32 to vector<16xf32>
        %parallel_loop3A_415 = arith.subf %parallel_loop3A_414, %parallel_loop3A_412 : vector<16xf32>
        %parallel_loop3A_416 = math.exp %parallel_loop3A_415 : vector<16xf32>
        %parallel_loop3A_417 = arith.constant 1.000000e+00 : f32
        %parallel_loop3A_418 = vector.broadcast %parallel_loop3A_417 : f32 to vector<16xf32>
        %parallel_loop3A_419 = arith.addf %parallel_loop3A_418, %parallel_loop3A_416 : vector<16xf32>
        %parallel_loop3A_420 = arith.divf %parallel_loop3A_412, %parallel_loop3A_419 : vector<16xf32>
        %parallel_loop3A_421 = arith.constant 11 : i32
        %parallel_loop3A_422 = vector.broadcast %parallel_loop3A_421 : i32 to vector<16xi32>
        %parallel_loop3A_423 = tpu.vector_load_idx %arg15[%parallel_loop3A_167, %parallel_loop3A_422] : memref<800x16xf32, #tpu.memory_space<vmem>>[vector<16xi32>, vector<16xi32>], vector<16xf32>,
        %parallel_loop3A_424 = tpu.vector_load_idx %arg16[%parallel_loop3A_167, %parallel_loop3A_422] : memref<800x16xf32, #tpu.memory_space<vmem>>[vector<16xi32>, vector<16xi32>], vector<16xf32>,
        %parallel_loop3A_425 = arith.addf %parallel_loop3A_423, %parallel_loop3A_424 : vector<16xf32>
        %parallel_loop3A_426 = tpu.vector_load_idx %arg17[%parallel_loop3A_167, %parallel_loop3A_422] : memref<800x16xf32, #tpu.memory_space<vmem>>[vector<16xi32>, vector<16xi32>], vector<16xf32>,
        %parallel_loop3A_427 = arith.addf %parallel_loop3A_425, %parallel_loop3A_426 : vector<16xf32>
        %parallel_loop3A_428 = arith.constant 0.000000e+00 : f32
        %parallel_loop3A_429 = vector.broadcast %parallel_loop3A_428 : f32 to vector<16xf32>
        %parallel_loop3A_430 = arith.subf %parallel_loop3A_429, %parallel_loop3A_427 : vector<16xf32>
        %parallel_loop3A_431 = math.exp %parallel_loop3A_430 : vector<16xf32>
        %parallel_loop3A_432 = arith.constant 1.000000e+00 : f32
        %parallel_loop3A_433 = vector.broadcast %parallel_loop3A_432 : f32 to vector<16xf32>
        %parallel_loop3A_434 = arith.addf %parallel_loop3A_433, %parallel_loop3A_431 : vector<16xf32>
        %parallel_loop3A_435 = arith.divf %parallel_loop3A_427, %parallel_loop3A_434 : vector<16xf32>
        %parallel_loop3A_436 = arith.constant 0.000000e+00 : f32
        %parallel_loop3A_437 = vector.broadcast %parallel_loop3A_436 : f32 to vector<16xf32>
        %parallel_loop3A_438 = arith.subf %parallel_loop3A_437, %parallel_loop3A_435 : vector<16xf32>
        %parallel_loop3A_439 = math.exp %parallel_loop3A_438 : vector<16xf32>
        %parallel_loop3A_440 = arith.constant 1.000000e+00 : f32
        %parallel_loop3A_441 = vector.broadcast %parallel_loop3A_440 : f32 to vector<16xf32>
        %parallel_loop3A_442 = arith.addf %parallel_loop3A_441, %parallel_loop3A_439 : vector<16xf32>
        %parallel_loop3A_443 = arith.divf %parallel_loop3A_435, %parallel_loop3A_442 : vector<16xf32>
        %parallel_loop3A_444 = arith.constant 12 : i32
        %parallel_loop3A_445 = vector.broadcast %parallel_loop3A_444 : i32 to vector<16xi32>
        %parallel_loop3A_446 = tpu.vector_load_idx %arg15[%parallel_loop3A_167, %parallel_loop3A_445] : memref<800x16xf32, #tpu.memory_space<vmem>>[vector<16xi32>, vector<16xi32>], vector<16xf32>,
        %parallel_loop3A_447 = tpu.vector_load_idx %arg16[%parallel_loop3A_167, %parallel_loop3A_445] : memref<800x16xf32, #tpu.memory_space<vmem>>[vector<16xi32>, vector<16xi32>], vector<16xf32>,
        %parallel_loop3A_448 = arith.addf %parallel_loop3A_446, %parallel_loop3A_447 : vector<16xf32>
        %parallel_loop3A_449 = tpu.vector_load_idx %arg17[%parallel_loop3A_167, %parallel_loop3A_445] : memref<800x16xf32, #tpu.memory_space<vmem>>[vector<16xi32>, vector<16xi32>], vector<16xf32>,
        %parallel_loop3A_450 = arith.addf %parallel_loop3A_448, %parallel_loop3A_449 : vector<16xf32>
        %parallel_loop3A_451 = arith.constant 0.000000e+00 : f32
        %parallel_loop3A_452 = vector.broadcast %parallel_loop3A_451 : f32 to vector<16xf32>
        %parallel_loop3A_453 = arith.subf %parallel_loop3A_452, %parallel_loop3A_450 : vector<16xf32>
        %parallel_loop3A_454 = math.exp %parallel_loop3A_453 : vector<16xf32>
        %parallel_loop3A_455 = arith.constant 1.000000e+00 : f32
        %parallel_loop3A_456 = vector.broadcast %parallel_loop3A_455 : f32 to vector<16xf32>
        %parallel_loop3A_457 = arith.addf %parallel_loop3A_456, %parallel_loop3A_454 : vector<16xf32>
        %parallel_loop3A_458 = arith.divf %parallel_loop3A_450, %parallel_loop3A_457 : vector<16xf32>
        %parallel_loop3A_459 = arith.constant 0.000000e+00 : f32
        %parallel_loop3A_460 = vector.broadcast %parallel_loop3A_459 : f32 to vector<16xf32>
        %parallel_loop3A_461 = arith.subf %parallel_loop3A_460, %parallel_loop3A_458 : vector<16xf32>
        %parallel_loop3A_462 = math.exp %parallel_loop3A_461 : vector<16xf32>
        %parallel_loop3A_463 = arith.constant 1.000000e+00 : f32
        %parallel_loop3A_464 = vector.broadcast %parallel_loop3A_463 : f32 to vector<16xf32>
        %parallel_loop3A_465 = arith.addf %parallel_loop3A_464, %parallel_loop3A_462 : vector<16xf32>
        %parallel_loop3A_466 = arith.divf %parallel_loop3A_458, %parallel_loop3A_465 : vector<16xf32>
        %parallel_loop3A_467 = arith.constant 13 : i32
        %parallel_loop3A_468 = vector.broadcast %parallel_loop3A_467 : i32 to vector<16xi32>
        %parallel_loop3A_469 = tpu.vector_load_idx %arg15[%parallel_loop3A_167, %parallel_loop3A_468] : memref<800x16xf32, #tpu.memory_space<vmem>>[vector<16xi32>, vector<16xi32>], vector<16xf32>,
        %parallel_loop3A_470 = tpu.vector_load_idx %arg16[%parallel_loop3A_167, %parallel_loop3A_468] : memref<800x16xf32, #tpu.memory_space<vmem>>[vector<16xi32>, vector<16xi32>], vector<16xf32>,
        %parallel_loop3A_471 = arith.addf %parallel_loop3A_469, %parallel_loop3A_470 : vector<16xf32>
        %parallel_loop3A_472 = tpu.vector_load_idx %arg17[%parallel_loop3A_167, %parallel_loop3A_468] : memref<800x16xf32, #tpu.memory_space<vmem>>[vector<16xi32>, vector<16xi32>], vector<16xf32>,
        %parallel_loop3A_473 = arith.addf %parallel_loop3A_471, %parallel_loop3A_472 : vector<16xf32>
        %parallel_loop3A_474 = arith.constant 0.000000e+00 : f32
        %parallel_loop3A_475 = vector.broadcast %parallel_loop3A_474 : f32 to vector<16xf32>
        %parallel_loop3A_476 = arith.subf %parallel_loop3A_475, %parallel_loop3A_473 : vector<16xf32>
        %parallel_loop3A_477 = math.exp %parallel_loop3A_476 : vector<16xf32>
        %parallel_loop3A_478 = arith.constant 1.000000e+00 : f32
        %parallel_loop3A_479 = vector.broadcast %parallel_loop3A_478 : f32 to vector<16xf32>
        %parallel_loop3A_480 = arith.addf %parallel_loop3A_479, %parallel_loop3A_477 : vector<16xf32>
        %parallel_loop3A_481 = arith.divf %parallel_loop3A_473, %parallel_loop3A_480 : vector<16xf32>
        %parallel_loop3A_482 = arith.constant 0.000000e+00 : f32
        %parallel_loop3A_483 = vector.broadcast %parallel_loop3A_482 : f32 to vector<16xf32>
        %parallel_loop3A_484 = arith.subf %parallel_loop3A_483, %parallel_loop3A_481 : vector<16xf32>
        %parallel_loop3A_485 = math.exp %parallel_loop3A_484 : vector<16xf32>
        %parallel_loop3A_486 = arith.constant 1.000000e+00 : f32
        %parallel_loop3A_487 = vector.broadcast %parallel_loop3A_486 : f32 to vector<16xf32>
        %parallel_loop3A_488 = arith.addf %parallel_loop3A_487, %parallel_loop3A_485 : vector<16xf32>
        %parallel_loop3A_489 = arith.divf %parallel_loop3A_481, %parallel_loop3A_488 : vector<16xf32>
        %parallel_loop3A_490 = arith.constant 14 : i32
        %parallel_loop3A_491 = vector.broadcast %parallel_loop3A_490 : i32 to vector<16xi32>
        %parallel_loop3A_492 = tpu.vector_load_idx %arg15[%parallel_loop3A_167, %parallel_loop3A_491] : memref<800x16xf32, #tpu.memory_space<vmem>>[vector<16xi32>, vector<16xi32>], vector<16xf32>,
        %parallel_loop3A_493 = tpu.vector_load_idx %arg16[%parallel_loop3A_167, %parallel_loop3A_491] : memref<800x16xf32, #tpu.memory_space<vmem>>[vector<16xi32>, vector<16xi32>], vector<16xf32>,
        %parallel_loop3A_494 = arith.addf %parallel_loop3A_492, %parallel_loop3A_493 : vector<16xf32>
        %parallel_loop3A_495 = tpu.vector_load_idx %arg17[%parallel_loop3A_167, %parallel_loop3A_491] : memref<800x16xf32, #tpu.memory_space<vmem>>[vector<16xi32>, vector<16xi32>], vector<16xf32>,
        %parallel_loop3A_496 = arith.addf %parallel_loop3A_494, %parallel_loop3A_495 : vector<16xf32>
        %parallel_loop3A_497 = arith.constant 0.000000e+00 : f32
        %parallel_loop3A_498 = vector.broadcast %parallel_loop3A_497 : f32 to vector<16xf32>
        %parallel_loop3A_499 = arith.subf %parallel_loop3A_498, %parallel_loop3A_496 : vector<16xf32>
        %parallel_loop3A_500 = math.exp %parallel_loop3A_499 : vector<16xf32>
        %parallel_loop3A_501 = arith.constant 1.000000e+00 : f32
        %parallel_loop3A_502 = vector.broadcast %parallel_loop3A_501 : f32 to vector<16xf32>
        %parallel_loop3A_503 = arith.addf %parallel_loop3A_502, %parallel_loop3A_500 : vector<16xf32>
        %parallel_loop3A_504 = arith.divf %parallel_loop3A_496, %parallel_loop3A_503 : vector<16xf32>
        %parallel_loop3A_505 = arith.constant 0.000000e+00 : f32
        %parallel_loop3A_506 = vector.broadcast %parallel_loop3A_505 : f32 to vector<16xf32>
        %parallel_loop3A_507 = arith.subf %parallel_loop3A_506, %parallel_loop3A_504 : vector<16xf32>
        %parallel_loop3A_508 = math.exp %parallel_loop3A_507 : vector<16xf32>
        %parallel_loop3A_509 = arith.constant 1.000000e+00 : f32
        %parallel_loop3A_510 = vector.broadcast %parallel_loop3A_509 : f32 to vector<16xf32>
        %parallel_loop3A_511 = arith.addf %parallel_loop3A_510, %parallel_loop3A_508 : vector<16xf32>
        %parallel_loop3A_512 = arith.divf %parallel_loop3A_504, %parallel_loop3A_511 : vector<16xf32>
        %parallel_loop3A_513 = arith.constant 15 : i32
        %parallel_loop3A_514 = vector.broadcast %parallel_loop3A_513 : i32 to vector<16xi32>
        %parallel_loop3A_515 = tpu.vector_load_idx %arg15[%parallel_loop3A_167, %parallel_loop3A_514] : memref<800x16xf32, #tpu.memory_space<vmem>>[vector<16xi32>, vector<16xi32>], vector<16xf32>,
        %parallel_loop3A_516 = tpu.vector_load_idx %arg16[%parallel_loop3A_167, %parallel_loop3A_514] : memref<800x16xf32, #tpu.memory_space<vmem>>[vector<16xi32>, vector<16xi32>], vector<16xf32>,
        %parallel_loop3A_517 = arith.addf %parallel_loop3A_515, %parallel_loop3A_516 : vector<16xf32>
        %parallel_loop3A_518 = tpu.vector_load_idx %arg17[%parallel_loop3A_167, %parallel_loop3A_514] : memref<800x16xf32, #tpu.memory_space<vmem>>[vector<16xi32>, vector<16xi32>], vector<16xf32>,
        %parallel_loop3A_519 = arith.addf %parallel_loop3A_517, %parallel_loop3A_518 : vector<16xf32>
        %parallel_loop3A_520 = arith.constant 0.000000e+00 : f32
        %parallel_loop3A_521 = vector.broadcast %parallel_loop3A_520 : f32 to vector<16xf32>
        %parallel_loop3A_522 = arith.subf %parallel_loop3A_521, %parallel_loop3A_519 : vector<16xf32>
        %parallel_loop3A_523 = math.exp %parallel_loop3A_522 : vector<16xf32>
        %parallel_loop3A_524 = arith.constant 1.000000e+00 : f32
        %parallel_loop3A_525 = vector.broadcast %parallel_loop3A_524 : f32 to vector<16xf32>
        %parallel_loop3A_526 = arith.addf %parallel_loop3A_525, %parallel_loop3A_523 : vector<16xf32>
        %parallel_loop3A_527 = arith.divf %parallel_loop3A_519, %parallel_loop3A_526 : vector<16xf32>
        %parallel_loop3A_528 = arith.constant 0.000000e+00 : f32
        %parallel_loop3A_529 = vector.broadcast %parallel_loop3A_528 : f32 to vector<16xf32>
        %parallel_loop3A_530 = arith.subf %parallel_loop3A_529, %parallel_loop3A_527 : vector<16xf32>
        %parallel_loop3A_531 = math.exp %parallel_loop3A_530 : vector<16xf32>
        %parallel_loop3A_532 = arith.constant 1.000000e+00 : f32
        %parallel_loop3A_533 = vector.broadcast %parallel_loop3A_532 : f32 to vector<16xf32>
        %parallel_loop3A_534 = arith.addf %parallel_loop3A_533, %parallel_loop3A_531 : vector<16xf32>
        %parallel_loop3A_535 = arith.divf %parallel_loop3A_527, %parallel_loop3A_534 : vector<16xf32>
        %parallel_loop3A_536 = arith.addf %parallel_loop3A_190, %parallel_loop3A_213 : vector<16xf32>
        %parallel_loop3A_537 = arith.addf %parallel_loop3A_536, %parallel_loop3A_236 : vector<16xf32>
        %parallel_loop3A_538 = arith.addf %parallel_loop3A_537, %parallel_loop3A_259 : vector<16xf32>
        %parallel_loop3A_539 = arith.addf %parallel_loop3A_538, %parallel_loop3A_282 : vector<16xf32>
        %parallel_loop3A_540 = arith.addf %parallel_loop3A_539, %parallel_loop3A_305 : vector<16xf32>
        %parallel_loop3A_541 = arith.addf %parallel_loop3A_540, %parallel_loop3A_328 : vector<16xf32>
        %parallel_loop3A_542 = arith.addf %parallel_loop3A_541, %parallel_loop3A_351 : vector<16xf32>
        %parallel_loop3A_543 = arith.addf %parallel_loop3A_542, %parallel_loop3A_374 : vector<16xf32>
        %parallel_loop3A_544 = arith.addf %parallel_loop3A_543, %parallel_loop3A_397 : vector<16xf32>
        %parallel_loop3A_545 = arith.addf %parallel_loop3A_544, %parallel_loop3A_420 : vector<16xf32>
        %parallel_loop3A_546 = arith.addf %parallel_loop3A_545, %parallel_loop3A_443 : vector<16xf32>
        %parallel_loop3A_547 = arith.addf %parallel_loop3A_546, %parallel_loop3A_466 : vector<16xf32>
        %parallel_loop3A_548 = arith.addf %parallel_loop3A_547, %parallel_loop3A_489 : vector<16xf32>
        %parallel_loop3A_549 = arith.addf %parallel_loop3A_548, %parallel_loop3A_512 : vector<16xf32>
        %parallel_loop3A_550 = arith.addf %parallel_loop3A_549, %parallel_loop3A_535 : vector<16xf32>
        %parallel_loop3A_551 = arith.constant 6.250000e-02 : f32
        %parallel_loop3A_552 = vector.broadcast %parallel_loop3A_551 : f32 to vector<16xf32>
        %parallel_loop3A_553 = arith.mulf %parallel_loop3A_550, %parallel_loop3A_552 : vector<16xf32>
        %parallel_loop3A_554 = arith.subf %parallel_loop3A_190, %parallel_loop3A_553 : vector<16xf32>
        %parallel_loop3A_555 = arith.subf %parallel_loop3A_213, %parallel_loop3A_553 : vector<16xf32>
        %parallel_loop3A_556 = arith.subf %parallel_loop3A_236, %parallel_loop3A_553 : vector<16xf32>
        %parallel_loop3A_557 = arith.subf %parallel_loop3A_259, %parallel_loop3A_553 : vector<16xf32>
        %parallel_loop3A_558 = arith.subf %parallel_loop3A_282, %parallel_loop3A_553 : vector<16xf32>
        %parallel_loop3A_559 = arith.subf %parallel_loop3A_305, %parallel_loop3A_553 : vector<16xf32>
        %parallel_loop3A_560 = arith.subf %parallel_loop3A_328, %parallel_loop3A_553 : vector<16xf32>
        %parallel_loop3A_561 = arith.subf %parallel_loop3A_351, %parallel_loop3A_553 : vector<16xf32>
        %parallel_loop3A_562 = arith.subf %parallel_loop3A_374, %parallel_loop3A_553 : vector<16xf32>
        %parallel_loop3A_563 = arith.subf %parallel_loop3A_397, %parallel_loop3A_553 : vector<16xf32>
        %parallel_loop3A_564 = arith.subf %parallel_loop3A_420, %parallel_loop3A_553 : vector<16xf32>
        %parallel_loop3A_565 = arith.subf %parallel_loop3A_443, %parallel_loop3A_553 : vector<16xf32>
        %parallel_loop3A_566 = arith.subf %parallel_loop3A_466, %parallel_loop3A_553 : vector<16xf32>
        %parallel_loop3A_567 = arith.subf %parallel_loop3A_489, %parallel_loop3A_553 : vector<16xf32>
        %parallel_loop3A_568 = arith.subf %parallel_loop3A_512, %parallel_loop3A_553 : vector<16xf32>
        %parallel_loop3A_569 = arith.subf %parallel_loop3A_535, %parallel_loop3A_553 : vector<16xf32>
        %parallel_loop3A_570 = arith.mulf %parallel_loop3A_554, %parallel_loop3A_554 : vector<16xf32>
        %parallel_loop3A_571 = arith.mulf %parallel_loop3A_555, %parallel_loop3A_555 : vector<16xf32>
        %parallel_loop3A_572 = arith.addf %parallel_loop3A_570, %parallel_loop3A_571 : vector<16xf32>
        %parallel_loop3A_573 = arith.mulf %parallel_loop3A_556, %parallel_loop3A_556 : vector<16xf32>
        %parallel_loop3A_574 = arith.addf %parallel_loop3A_572, %parallel_loop3A_573 : vector<16xf32>
        %parallel_loop3A_575 = arith.mulf %parallel_loop3A_557, %parallel_loop3A_557 : vector<16xf32>
        %parallel_loop3A_576 = arith.addf %parallel_loop3A_574, %parallel_loop3A_575 : vector<16xf32>
        %parallel_loop3A_577 = arith.mulf %parallel_loop3A_558, %parallel_loop3A_558 : vector<16xf32>
        %parallel_loop3A_578 = arith.addf %parallel_loop3A_576, %parallel_loop3A_577 : vector<16xf32>
        %parallel_loop3A_579 = arith.mulf %parallel_loop3A_559, %parallel_loop3A_559 : vector<16xf32>
        %parallel_loop3A_580 = arith.addf %parallel_loop3A_578, %parallel_loop3A_579 : vector<16xf32>
        %parallel_loop3A_581 = arith.mulf %parallel_loop3A_560, %parallel_loop3A_560 : vector<16xf32>
        %parallel_loop3A_582 = arith.addf %parallel_loop3A_580, %parallel_loop3A_581 : vector<16xf32>
        %parallel_loop3A_583 = arith.mulf %parallel_loop3A_561, %parallel_loop3A_561 : vector<16xf32>
        %parallel_loop3A_584 = arith.addf %parallel_loop3A_582, %parallel_loop3A_583 : vector<16xf32>
        %parallel_loop3A_585 = arith.mulf %parallel_loop3A_562, %parallel_loop3A_562 : vector<16xf32>
        %parallel_loop3A_586 = arith.addf %parallel_loop3A_584, %parallel_loop3A_585 : vector<16xf32>
        %parallel_loop3A_587 = arith.mulf %parallel_loop3A_563, %parallel_loop3A_563 : vector<16xf32>
        %parallel_loop3A_588 = arith.addf %parallel_loop3A_586, %parallel_loop3A_587 : vector<16xf32>
        %parallel_loop3A_589 = arith.mulf %parallel_loop3A_564, %parallel_loop3A_564 : vector<16xf32>
        %parallel_loop3A_590 = arith.addf %parallel_loop3A_588, %parallel_loop3A_589 : vector<16xf32>
        %parallel_loop3A_591 = arith.mulf %parallel_loop3A_565, %parallel_loop3A_565 : vector<16xf32>
        %parallel_loop3A_592 = arith.addf %parallel_loop3A_590, %parallel_loop3A_591 : vector<16xf32>
        %parallel_loop3A_593 = arith.mulf %parallel_loop3A_566, %parallel_loop3A_566 : vector<16xf32>
        %parallel_loop3A_594 = arith.addf %parallel_loop3A_592, %parallel_loop3A_593 : vector<16xf32>
        %parallel_loop3A_595 = arith.mulf %parallel_loop3A_567, %parallel_loop3A_567 : vector<16xf32>
        %parallel_loop3A_596 = arith.addf %parallel_loop3A_594, %parallel_loop3A_595 : vector<16xf32>
        %parallel_loop3A_597 = arith.mulf %parallel_loop3A_568, %parallel_loop3A_568 : vector<16xf32>
        %parallel_loop3A_598 = arith.addf %parallel_loop3A_596, %parallel_loop3A_597 : vector<16xf32>
        %parallel_loop3A_599 = arith.mulf %parallel_loop3A_569, %parallel_loop3A_569 : vector<16xf32>
        %parallel_loop3A_600 = arith.addf %parallel_loop3A_598, %parallel_loop3A_599 : vector<16xf32>
        %parallel_loop3A_601 = arith.constant 6.250000e-02 : f32
        %parallel_loop3A_602 = vector.broadcast %parallel_loop3A_601 : f32 to vector<16xf32>
        %parallel_loop3A_603 = arith.mulf %parallel_loop3A_600, %parallel_loop3A_602 : vector<16xf32>
        %parallel_loop3A_604 = arith.constant 9.99999974E-6 : f32
        %parallel_loop3A_605 = vector.broadcast %parallel_loop3A_604 : f32 to vector<16xf32>
        %parallel_loop3A_606 = arith.addf %parallel_loop3A_603, %parallel_loop3A_605 : vector<16xf32>
        %parallel_loop3A_607 = vector.bitcast %parallel_loop3A_606 : vector<16xf32> to vector<16xi32>
        %parallel_loop3A_608 = arith.constant 1 : i32
        %parallel_loop3A_609 = vector.broadcast %parallel_loop3A_608 : i32 to vector<16xi32>
        %parallel_loop3A_610 = arith.shrsi %parallel_loop3A_607, %parallel_loop3A_609 : vector<16xi32>
        %parallel_loop3A_611 = arith.constant 1597463007 : i32
        %parallel_loop3A_612 = vector.broadcast %parallel_loop3A_611 : i32 to vector<16xi32>
        %parallel_loop3A_613 = arith.subi %parallel_loop3A_612, %parallel_loop3A_610 : vector<16xi32>
        %parallel_loop3A_614 = vector.bitcast %parallel_loop3A_613 : vector<16xi32> to vector<16xf32>
        %parallel_loop3A_615 = arith.constant -5.000000e-01 : f32
        %parallel_loop3A_616 = vector.broadcast %parallel_loop3A_615 : f32 to vector<16xf32>
        %parallel_loop3A_617 = arith.mulf %parallel_loop3A_606, %parallel_loop3A_616 : vector<16xf32>
        %parallel_loop3A_618 = arith.mulf %parallel_loop3A_614, %parallel_loop3A_614 : vector<16xf32>
        %parallel_loop3A_619 = arith.mulf %parallel_loop3A_617, %parallel_loop3A_618 : vector<16xf32>
        %parallel_loop3A_620 = vector.broadcast %scan3A_68 : f32 to vector<16xf32>
        %parallel_loop3A_621 = arith.addf %parallel_loop3A_620, %parallel_loop3A_619 : vector<16xf32>
        %parallel_loop3A_622 = arith.mulf %parallel_loop3A_614, %parallel_loop3A_621 : vector<16xf32>
        %parallel_loop3A_623 = arith.mulf %parallel_loop3A_622, %parallel_loop3A_622 : vector<16xf32>
        %parallel_loop3A_624 = arith.mulf %parallel_loop3A_617, %parallel_loop3A_623 : vector<16xf32>
        %parallel_loop3A_625 = vector.broadcast %scan3A_68 : f32 to vector<16xf32>
        %parallel_loop3A_626 = arith.addf %parallel_loop3A_625, %parallel_loop3A_624 : vector<16xf32>
        %parallel_loop3A_627 = arith.mulf %parallel_loop3A_622, %parallel_loop3A_626 : vector<16xf32>
        %parallel_loop3A_628 = arith.mulf %parallel_loop3A_627, %parallel_loop3A_627 : vector<16xf32>
        %parallel_loop3A_629 = arith.mulf %parallel_loop3A_617, %parallel_loop3A_628 : vector<16xf32>
        %parallel_loop3A_630 = vector.broadcast %scan3A_68 : f32 to vector<16xf32>
        %parallel_loop3A_631 = arith.addf %parallel_loop3A_630, %parallel_loop3A_629 : vector<16xf32>
        %parallel_loop3A_632 = arith.mulf %parallel_loop3A_627, %parallel_loop3A_631 : vector<16xf32>
        %parallel_loop3A_633 = arith.constant 0 : i32
        %parallel_loop3A_634 = vector.broadcast %parallel_loop3A_633 : i32 to vector<16xi32>
        %parallel_loop3A_635 = tpu.vector_load_idx %arg20[%parallel_loop3A_634] : memref<16xf32, #tpu.memory_space<vmem>>[vector<16xi32>], vector<16xf32>,
        %parallel_loop3A_636 = tpu.vector_load_idx %arg21[%parallel_loop3A_634] : memref<16xf32, #tpu.memory_space<vmem>>[vector<16xi32>], vector<16xf32>,
        %parallel_loop3A_637 = arith.mulf %parallel_loop3A_554, %parallel_loop3A_632 : vector<16xf32>
        %parallel_loop3A_638 = arith.mulf %parallel_loop3A_637, %parallel_loop3A_635 : vector<16xf32>
        %parallel_loop3A_639 = arith.addf %parallel_loop3A_638, %parallel_loop3A_636 : vector<16xf32>
        tpu.vector_store_idx %arg19[%parallel_loop3A_165, %parallel_loop3A_634], %parallel_loop3A_639 : memref<400x16xf32, #tpu.memory_space<vmem>>[vector<16xi32>, vector<16xi32>], vector<16xf32>,
        %parallel_loop3A_640 = tpu.vector_load_idx %arg18[%parallel_loop3A_167, %parallel_loop3A_634] : memref<800x16xf32, #tpu.memory_space<vmem>>[vector<16xi32>, vector<16xi32>], vector<16xf32>,
        %parallel_loop3A_641 = arith.addf %parallel_loop3A_640, %parallel_loop3A_639 : vector<16xf32>
        tpu.vector_store_idx %arg18[%parallel_loop3A_167, %parallel_loop3A_634], %parallel_loop3A_641 : memref<800x16xf32, #tpu.memory_space<vmem>>[vector<16xi32>, vector<16xi32>], vector<16xf32>,
        %parallel_loop3A_642 = arith.constant 1 : i32
        %parallel_loop3A_643 = vector.broadcast %parallel_loop3A_642 : i32 to vector<16xi32>
        %parallel_loop3A_644 = tpu.vector_load_idx %arg20[%parallel_loop3A_643] : memref<16xf32, #tpu.memory_space<vmem>>[vector<16xi32>], vector<16xf32>,
        %parallel_loop3A_645 = tpu.vector_load_idx %arg21[%parallel_loop3A_643] : memref<16xf32, #tpu.memory_space<vmem>>[vector<16xi32>], vector<16xf32>,
        %parallel_loop3A_646 = arith.mulf %parallel_loop3A_555, %parallel_loop3A_632 : vector<16xf32>
        %parallel_loop3A_647 = arith.mulf %parallel_loop3A_646, %parallel_loop3A_644 : vector<16xf32>
        %parallel_loop3A_648 = arith.addf %parallel_loop3A_647, %parallel_loop3A_645 : vector<16xf32>
        tpu.vector_store_idx %arg19[%parallel_loop3A_165, %parallel_loop3A_643], %parallel_loop3A_648 : memref<400x16xf32, #tpu.memory_space<vmem>>[vector<16xi32>, vector<16xi32>], vector<16xf32>,
        %parallel_loop3A_649 = tpu.vector_load_idx %arg18[%parallel_loop3A_167, %parallel_loop3A_643] : memref<800x16xf32, #tpu.memory_space<vmem>>[vector<16xi32>, vector<16xi32>], vector<16xf32>,
        %parallel_loop3A_650 = arith.addf %parallel_loop3A_649, %parallel_loop3A_648 : vector<16xf32>
        tpu.vector_store_idx %arg18[%parallel_loop3A_167, %parallel_loop3A_643], %parallel_loop3A_650 : memref<800x16xf32, #tpu.memory_space<vmem>>[vector<16xi32>, vector<16xi32>], vector<16xf32>,
        %parallel_loop3A_651 = arith.constant 2 : i32
        %parallel_loop3A_652 = vector.broadcast %parallel_loop3A_651 : i32 to vector<16xi32>
        %parallel_loop3A_653 = tpu.vector_load_idx %arg20[%parallel_loop3A_652] : memref<16xf32, #tpu.memory_space<vmem>>[vector<16xi32>], vector<16xf32>,
        %parallel_loop3A_654 = tpu.vector_load_idx %arg21[%parallel_loop3A_652] : memref<16xf32, #tpu.memory_space<vmem>>[vector<16xi32>], vector<16xf32>,
        %parallel_loop3A_655 = arith.mulf %parallel_loop3A_556, %parallel_loop3A_632 : vector<16xf32>
        %parallel_loop3A_656 = arith.mulf %parallel_loop3A_655, %parallel_loop3A_653 : vector<16xf32>
        %parallel_loop3A_657 = arith.addf %parallel_loop3A_656, %parallel_loop3A_654 : vector<16xf32>
        tpu.vector_store_idx %arg19[%parallel_loop3A_165, %parallel_loop3A_652], %parallel_loop3A_657 : memref<400x16xf32, #tpu.memory_space<vmem>>[vector<16xi32>, vector<16xi32>], vector<16xf32>,
        %parallel_loop3A_658 = tpu.vector_load_idx %arg18[%parallel_loop3A_167, %parallel_loop3A_652] : memref<800x16xf32, #tpu.memory_space<vmem>>[vector<16xi32>, vector<16xi32>], vector<16xf32>,
        %parallel_loop3A_659 = arith.addf %parallel_loop3A_658, %parallel_loop3A_657 : vector<16xf32>
        tpu.vector_store_idx %arg18[%parallel_loop3A_167, %parallel_loop3A_652], %parallel_loop3A_659 : memref<800x16xf32, #tpu.memory_space<vmem>>[vector<16xi32>, vector<16xi32>], vector<16xf32>,
        %parallel_loop3A_660 = arith.constant 3 : i32
        %parallel_loop3A_661 = vector.broadcast %parallel_loop3A_660 : i32 to vector<16xi32>
        %parallel_loop3A_662 = tpu.vector_load_idx %arg20[%parallel_loop3A_661] : memref<16xf32, #tpu.memory_space<vmem>>[vector<16xi32>], vector<16xf32>,
        %parallel_loop3A_663 = tpu.vector_load_idx %arg21[%parallel_loop3A_661] : memref<16xf32, #tpu.memory_space<vmem>>[vector<16xi32>], vector<16xf32>,
        %parallel_loop3A_664 = arith.mulf %parallel_loop3A_557, %parallel_loop3A_632 : vector<16xf32>
        %parallel_loop3A_665 = arith.mulf %parallel_loop3A_664, %parallel_loop3A_662 : vector<16xf32>
        %parallel_loop3A_666 = arith.addf %parallel_loop3A_665, %parallel_loop3A_663 : vector<16xf32>
        tpu.vector_store_idx %arg19[%parallel_loop3A_165, %parallel_loop3A_661], %parallel_loop3A_666 : memref<400x16xf32, #tpu.memory_space<vmem>>[vector<16xi32>, vector<16xi32>], vector<16xf32>,
        %parallel_loop3A_667 = tpu.vector_load_idx %arg18[%parallel_loop3A_167, %parallel_loop3A_661] : memref<800x16xf32, #tpu.memory_space<vmem>>[vector<16xi32>, vector<16xi32>], vector<16xf32>,
        %parallel_loop3A_668 = arith.addf %parallel_loop3A_667, %parallel_loop3A_666 : vector<16xf32>
        tpu.vector_store_idx %arg18[%parallel_loop3A_167, %parallel_loop3A_661], %parallel_loop3A_668 : memref<800x16xf32, #tpu.memory_space<vmem>>[vector<16xi32>, vector<16xi32>], vector<16xf32>,
        %parallel_loop3A_669 = arith.constant 4 : i32
        %parallel_loop3A_670 = vector.broadcast %parallel_loop3A_669 : i32 to vector<16xi32>
        %parallel_loop3A_671 = tpu.vector_load_idx %arg20[%parallel_loop3A_670] : memref<16xf32, #tpu.memory_space<vmem>>[vector<16xi32>], vector<16xf32>,
        %parallel_loop3A_672 = tpu.vector_load_idx %arg21[%parallel_loop3A_670] : memref<16xf32, #tpu.memory_space<vmem>>[vector<16xi32>], vector<16xf32>,
        %parallel_loop3A_673 = arith.mulf %parallel_loop3A_558, %parallel_loop3A_632 : vector<16xf32>
        %parallel_loop3A_674 = arith.mulf %parallel_loop3A_673, %parallel_loop3A_671 : vector<16xf32>
        %parallel_loop3A_675 = arith.addf %parallel_loop3A_674, %parallel_loop3A_672 : vector<16xf32>
        tpu.vector_store_idx %arg19[%parallel_loop3A_165, %parallel_loop3A_670], %parallel_loop3A_675 : memref<400x16xf32, #tpu.memory_space<vmem>>[vector<16xi32>, vector<16xi32>], vector<16xf32>,
        %parallel_loop3A_676 = tpu.vector_load_idx %arg18[%parallel_loop3A_167, %parallel_loop3A_670] : memref<800x16xf32, #tpu.memory_space<vmem>>[vector<16xi32>, vector<16xi32>], vector<16xf32>,
        %parallel_loop3A_677 = arith.addf %parallel_loop3A_676, %parallel_loop3A_675 : vector<16xf32>
        tpu.vector_store_idx %arg18[%parallel_loop3A_167, %parallel_loop3A_670], %parallel_loop3A_677 : memref<800x16xf32, #tpu.memory_space<vmem>>[vector<16xi32>, vector<16xi32>], vector<16xf32>,
        %parallel_loop3A_678 = arith.constant 5 : i32
        %parallel_loop3A_679 = vector.broadcast %parallel_loop3A_678 : i32 to vector<16xi32>
        %parallel_loop3A_680 = tpu.vector_load_idx %arg20[%parallel_loop3A_679] : memref<16xf32, #tpu.memory_space<vmem>>[vector<16xi32>], vector<16xf32>,
        %parallel_loop3A_681 = tpu.vector_load_idx %arg21[%parallel_loop3A_679] : memref<16xf32, #tpu.memory_space<vmem>>[vector<16xi32>], vector<16xf32>,
        %parallel_loop3A_682 = arith.mulf %parallel_loop3A_559, %parallel_loop3A_632 : vector<16xf32>
        %parallel_loop3A_683 = arith.mulf %parallel_loop3A_682, %parallel_loop3A_680 : vector<16xf32>
        %parallel_loop3A_684 = arith.addf %parallel_loop3A_683, %parallel_loop3A_681 : vector<16xf32>
        tpu.vector_store_idx %arg19[%parallel_loop3A_165, %parallel_loop3A_679], %parallel_loop3A_684 : memref<400x16xf32, #tpu.memory_space<vmem>>[vector<16xi32>, vector<16xi32>], vector<16xf32>,
        %parallel_loop3A_685 = tpu.vector_load_idx %arg18[%parallel_loop3A_167, %parallel_loop3A_679] : memref<800x16xf32, #tpu.memory_space<vmem>>[vector<16xi32>, vector<16xi32>], vector<16xf32>,
        %parallel_loop3A_686 = arith.addf %parallel_loop3A_685, %parallel_loop3A_684 : vector<16xf32>
        tpu.vector_store_idx %arg18[%parallel_loop3A_167, %parallel_loop3A_679], %parallel_loop3A_686 : memref<800x16xf32, #tpu.memory_space<vmem>>[vector<16xi32>, vector<16xi32>], vector<16xf32>,
        %parallel_loop3A_687 = arith.constant 6 : i32
        %parallel_loop3A_688 = vector.broadcast %parallel_loop3A_687 : i32 to vector<16xi32>
        %parallel_loop3A_689 = tpu.vector_load_idx %arg20[%parallel_loop3A_688] : memref<16xf32, #tpu.memory_space<vmem>>[vector<16xi32>], vector<16xf32>,
        %parallel_loop3A_690 = tpu.vector_load_idx %arg21[%parallel_loop3A_688] : memref<16xf32, #tpu.memory_space<vmem>>[vector<16xi32>], vector<16xf32>,
        %parallel_loop3A_691 = arith.mulf %parallel_loop3A_560, %parallel_loop3A_632 : vector<16xf32>
        %parallel_loop3A_692 = arith.mulf %parallel_loop3A_691, %parallel_loop3A_689 : vector<16xf32>
        %parallel_loop3A_693 = arith.addf %parallel_loop3A_692, %parallel_loop3A_690 : vector<16xf32>
        tpu.vector_store_idx %arg19[%parallel_loop3A_165, %parallel_loop3A_688], %parallel_loop3A_693 : memref<400x16xf32, #tpu.memory_space<vmem>>[vector<16xi32>, vector<16xi32>], vector<16xf32>,
        %parallel_loop3A_694 = tpu.vector_load_idx %arg18[%parallel_loop3A_167, %parallel_loop3A_688] : memref<800x16xf32, #tpu.memory_space<vmem>>[vector<16xi32>, vector<16xi32>], vector<16xf32>,
        %parallel_loop3A_695 = arith.addf %parallel_loop3A_694, %parallel_loop3A_693 : vector<16xf32>
        tpu.vector_store_idx %arg18[%parallel_loop3A_167, %parallel_loop3A_688], %parallel_loop3A_695 : memref<800x16xf32, #tpu.memory_space<vmem>>[vector<16xi32>, vector<16xi32>], vector<16xf32>,
        %parallel_loop3A_696 = arith.constant 7 : i32
        %parallel_loop3A_697 = vector.broadcast %parallel_loop3A_696 : i32 to vector<16xi32>
        %parallel_loop3A_698 = tpu.vector_load_idx %arg20[%parallel_loop3A_697] : memref<16xf32, #tpu.memory_space<vmem>>[vector<16xi32>], vector<16xf32>,
        %parallel_loop3A_699 = tpu.vector_load_idx %arg21[%parallel_loop3A_697] : memref<16xf32, #tpu.memory_space<vmem>>[vector<16xi32>], vector<16xf32>,
        %parallel_loop3A_700 = arith.mulf %parallel_loop3A_561, %parallel_loop3A_632 : vector<16xf32>
        %parallel_loop3A_701 = arith.mulf %parallel_loop3A_700, %parallel_loop3A_698 : vector<16xf32>
        %parallel_loop3A_702 = arith.addf %parallel_loop3A_701, %parallel_loop3A_699 : vector<16xf32>
        tpu.vector_store_idx %arg19[%parallel_loop3A_165, %parallel_loop3A_697], %parallel_loop3A_702 : memref<400x16xf32, #tpu.memory_space<vmem>>[vector<16xi32>, vector<16xi32>], vector<16xf32>,
        %parallel_loop3A_703 = tpu.vector_load_idx %arg18[%parallel_loop3A_167, %parallel_loop3A_697] : memref<800x16xf32, #tpu.memory_space<vmem>>[vector<16xi32>, vector<16xi32>], vector<16xf32>,
        %parallel_loop3A_704 = arith.addf %parallel_loop3A_703, %parallel_loop3A_702 : vector<16xf32>
        tpu.vector_store_idx %arg18[%parallel_loop3A_167, %parallel_loop3A_697], %parallel_loop3A_704 : memref<800x16xf32, #tpu.memory_space<vmem>>[vector<16xi32>, vector<16xi32>], vector<16xf32>,
        %parallel_loop3A_705 = arith.constant 8 : i32
        %parallel_loop3A_706 = vector.broadcast %parallel_loop3A_705 : i32 to vector<16xi32>
        %parallel_loop3A_707 = tpu.vector_load_idx %arg20[%parallel_loop3A_706] : memref<16xf32, #tpu.memory_space<vmem>>[vector<16xi32>], vector<16xf32>,
        %parallel_loop3A_708 = tpu.vector_load_idx %arg21[%parallel_loop3A_706] : memref<16xf32, #tpu.memory_space<vmem>>[vector<16xi32>], vector<16xf32>,
        %parallel_loop3A_709 = arith.mulf %parallel_loop3A_562, %parallel_loop3A_632 : vector<16xf32>
        %parallel_loop3A_710 = arith.mulf %parallel_loop3A_709, %parallel_loop3A_707 : vector<16xf32>
        %parallel_loop3A_711 = arith.addf %parallel_loop3A_710, %parallel_loop3A_708 : vector<16xf32>
        tpu.vector_store_idx %arg19[%parallel_loop3A_165, %parallel_loop3A_706], %parallel_loop3A_711 : memref<400x16xf32, #tpu.memory_space<vmem>>[vector<16xi32>, vector<16xi32>], vector<16xf32>,
        %parallel_loop3A_712 = tpu.vector_load_idx %arg18[%parallel_loop3A_167, %parallel_loop3A_706] : memref<800x16xf32, #tpu.memory_space<vmem>>[vector<16xi32>, vector<16xi32>], vector<16xf32>,
        %parallel_loop3A_713 = arith.addf %parallel_loop3A_712, %parallel_loop3A_711 : vector<16xf32>
        tpu.vector_store_idx %arg18[%parallel_loop3A_167, %parallel_loop3A_706], %parallel_loop3A_713 : memref<800x16xf32, #tpu.memory_space<vmem>>[vector<16xi32>, vector<16xi32>], vector<16xf32>,
        %parallel_loop3A_714 = arith.constant 9 : i32
        %parallel_loop3A_715 = vector.broadcast %parallel_loop3A_714 : i32 to vector<16xi32>
        %parallel_loop3A_716 = tpu.vector_load_idx %arg20[%parallel_loop3A_715] : memref<16xf32, #tpu.memory_space<vmem>>[vector<16xi32>], vector<16xf32>,
        %parallel_loop3A_717 = tpu.vector_load_idx %arg21[%parallel_loop3A_715] : memref<16xf32, #tpu.memory_space<vmem>>[vector<16xi32>], vector<16xf32>,
        %parallel_loop3A_718 = arith.mulf %parallel_loop3A_563, %parallel_loop3A_632 : vector<16xf32>
        %parallel_loop3A_719 = arith.mulf %parallel_loop3A_718, %parallel_loop3A_716 : vector<16xf32>
        %parallel_loop3A_720 = arith.addf %parallel_loop3A_719, %parallel_loop3A_717 : vector<16xf32>
        tpu.vector_store_idx %arg19[%parallel_loop3A_165, %parallel_loop3A_715], %parallel_loop3A_720 : memref<400x16xf32, #tpu.memory_space<vmem>>[vector<16xi32>, vector<16xi32>], vector<16xf32>,
        %parallel_loop3A_721 = tpu.vector_load_idx %arg18[%parallel_loop3A_167, %parallel_loop3A_715] : memref<800x16xf32, #tpu.memory_space<vmem>>[vector<16xi32>, vector<16xi32>], vector<16xf32>,
        %parallel_loop3A_722 = arith.addf %parallel_loop3A_721, %parallel_loop3A_720 : vector<16xf32>
        tpu.vector_store_idx %arg18[%parallel_loop3A_167, %parallel_loop3A_715], %parallel_loop3A_722 : memref<800x16xf32, #tpu.memory_space<vmem>>[vector<16xi32>, vector<16xi32>], vector<16xf32>,
        %parallel_loop3A_723 = arith.constant 10 : i32
        %parallel_loop3A_724 = vector.broadcast %parallel_loop3A_723 : i32 to vector<16xi32>
        %parallel_loop3A_725 = tpu.vector_load_idx %arg20[%parallel_loop3A_724] : memref<16xf32, #tpu.memory_space<vmem>>[vector<16xi32>], vector<16xf32>,
        %parallel_loop3A_726 = tpu.vector_load_idx %arg21[%parallel_loop3A_724] : memref<16xf32, #tpu.memory_space<vmem>>[vector<16xi32>], vector<16xf32>,
        %parallel_loop3A_727 = arith.mulf %parallel_loop3A_564, %parallel_loop3A_632 : vector<16xf32>
        %parallel_loop3A_728 = arith.mulf %parallel_loop3A_727, %parallel_loop3A_725 : vector<16xf32>
        %parallel_loop3A_729 = arith.addf %parallel_loop3A_728, %parallel_loop3A_726 : vector<16xf32>
        tpu.vector_store_idx %arg19[%parallel_loop3A_165, %parallel_loop3A_724], %parallel_loop3A_729 : memref<400x16xf32, #tpu.memory_space<vmem>>[vector<16xi32>, vector<16xi32>], vector<16xf32>,
        %parallel_loop3A_730 = tpu.vector_load_idx %arg18[%parallel_loop3A_167, %parallel_loop3A_724] : memref<800x16xf32, #tpu.memory_space<vmem>>[vector<16xi32>, vector<16xi32>], vector<16xf32>,
        %parallel_loop3A_731 = arith.addf %parallel_loop3A_730, %parallel_loop3A_729 : vector<16xf32>
        tpu.vector_store_idx %arg18[%parallel_loop3A_167, %parallel_loop3A_724], %parallel_loop3A_731 : memref<800x16xf32, #tpu.memory_space<vmem>>[vector<16xi32>, vector<16xi32>], vector<16xf32>,
        %parallel_loop3A_732 = arith.constant 11 : i32
        %parallel_loop3A_733 = vector.broadcast %parallel_loop3A_732 : i32 to vector<16xi32>
        %parallel_loop3A_734 = tpu.vector_load_idx %arg20[%parallel_loop3A_733] : memref<16xf32, #tpu.memory_space<vmem>>[vector<16xi32>], vector<16xf32>,
        %parallel_loop3A_735 = tpu.vector_load_idx %arg21[%parallel_loop3A_733] : memref<16xf32, #tpu.memory_space<vmem>>[vector<16xi32>], vector<16xf32>,
        %parallel_loop3A_736 = arith.mulf %parallel_loop3A_565, %parallel_loop3A_632 : vector<16xf32>
        %parallel_loop3A_737 = arith.mulf %parallel_loop3A_736, %parallel_loop3A_734 : vector<16xf32>
        %parallel_loop3A_738 = arith.addf %parallel_loop3A_737, %parallel_loop3A_735 : vector<16xf32>
        tpu.vector_store_idx %arg19[%parallel_loop3A_165, %parallel_loop3A_733], %parallel_loop3A_738 : memref<400x16xf32, #tpu.memory_space<vmem>>[vector<16xi32>, vector<16xi32>], vector<16xf32>,
        %parallel_loop3A_739 = tpu.vector_load_idx %arg18[%parallel_loop3A_167, %parallel_loop3A_733] : memref<800x16xf32, #tpu.memory_space<vmem>>[vector<16xi32>, vector<16xi32>], vector<16xf32>,
        %parallel_loop3A_740 = arith.addf %parallel_loop3A_739, %parallel_loop3A_738 : vector<16xf32>
        tpu.vector_store_idx %arg18[%parallel_loop3A_167, %parallel_loop3A_733], %parallel_loop3A_740 : memref<800x16xf32, #tpu.memory_space<vmem>>[vector<16xi32>, vector<16xi32>], vector<16xf32>,
        %parallel_loop3A_741 = arith.constant 12 : i32
        %parallel_loop3A_742 = vector.broadcast %parallel_loop3A_741 : i32 to vector<16xi32>
        %parallel_loop3A_743 = tpu.vector_load_idx %arg20[%parallel_loop3A_742] : memref<16xf32, #tpu.memory_space<vmem>>[vector<16xi32>], vector<16xf32>,
        %parallel_loop3A_744 = tpu.vector_load_idx %arg21[%parallel_loop3A_742] : memref<16xf32, #tpu.memory_space<vmem>>[vector<16xi32>], vector<16xf32>,
        %parallel_loop3A_745 = arith.mulf %parallel_loop3A_566, %parallel_loop3A_632 : vector<16xf32>
        %parallel_loop3A_746 = arith.mulf %parallel_loop3A_745, %parallel_loop3A_743 : vector<16xf32>
        %parallel_loop3A_747 = arith.addf %parallel_loop3A_746, %parallel_loop3A_744 : vector<16xf32>
        tpu.vector_store_idx %arg19[%parallel_loop3A_165, %parallel_loop3A_742], %parallel_loop3A_747 : memref<400x16xf32, #tpu.memory_space<vmem>>[vector<16xi32>, vector<16xi32>], vector<16xf32>,
        %parallel_loop3A_748 = tpu.vector_load_idx %arg18[%parallel_loop3A_167, %parallel_loop3A_742] : memref<800x16xf32, #tpu.memory_space<vmem>>[vector<16xi32>, vector<16xi32>], vector<16xf32>,
        %parallel_loop3A_749 = arith.addf %parallel_loop3A_748, %parallel_loop3A_747 : vector<16xf32>
        tpu.vector_store_idx %arg18[%parallel_loop3A_167, %parallel_loop3A_742], %parallel_loop3A_749 : memref<800x16xf32, #tpu.memory_space<vmem>>[vector<16xi32>, vector<16xi32>], vector<16xf32>,
        %parallel_loop3A_750 = arith.constant 13 : i32
        %parallel_loop3A_751 = vector.broadcast %parallel_loop3A_750 : i32 to vector<16xi32>
        %parallel_loop3A_752 = tpu.vector_load_idx %arg20[%parallel_loop3A_751] : memref<16xf32, #tpu.memory_space<vmem>>[vector<16xi32>], vector<16xf32>,
        %parallel_loop3A_753 = tpu.vector_load_idx %arg21[%parallel_loop3A_751] : memref<16xf32, #tpu.memory_space<vmem>>[vector<16xi32>], vector<16xf32>,
        %parallel_loop3A_754 = arith.mulf %parallel_loop3A_567, %parallel_loop3A_632 : vector<16xf32>
        %parallel_loop3A_755 = arith.mulf %parallel_loop3A_754, %parallel_loop3A_752 : vector<16xf32>
        %parallel_loop3A_756 = arith.addf %parallel_loop3A_755, %parallel_loop3A_753 : vector<16xf32>
        tpu.vector_store_idx %arg19[%parallel_loop3A_165, %parallel_loop3A_751], %parallel_loop3A_756 : memref<400x16xf32, #tpu.memory_space<vmem>>[vector<16xi32>, vector<16xi32>], vector<16xf32>,
        %parallel_loop3A_757 = tpu.vector_load_idx %arg18[%parallel_loop3A_167, %parallel_loop3A_751] : memref<800x16xf32, #tpu.memory_space<vmem>>[vector<16xi32>, vector<16xi32>], vector<16xf32>,
        %parallel_loop3A_758 = arith.addf %parallel_loop3A_757, %parallel_loop3A_756 : vector<16xf32>
        tpu.vector_store_idx %arg18[%parallel_loop3A_167, %parallel_loop3A_751], %parallel_loop3A_758 : memref<800x16xf32, #tpu.memory_space<vmem>>[vector<16xi32>, vector<16xi32>], vector<16xf32>,
        %parallel_loop3A_759 = arith.constant 14 : i32
        %parallel_loop3A_760 = vector.broadcast %parallel_loop3A_759 : i32 to vector<16xi32>
        %parallel_loop3A_761 = tpu.vector_load_idx %arg20[%parallel_loop3A_760] : memref<16xf32, #tpu.memory_space<vmem>>[vector<16xi32>], vector<16xf32>,
        %parallel_loop3A_762 = tpu.vector_load_idx %arg21[%parallel_loop3A_760] : memref<16xf32, #tpu.memory_space<vmem>>[vector<16xi32>], vector<16xf32>,
        %parallel_loop3A_763 = arith.mulf %parallel_loop3A_568, %parallel_loop3A_632 : vector<16xf32>
        %parallel_loop3A_764 = arith.mulf %parallel_loop3A_763, %parallel_loop3A_761 : vector<16xf32>
        %parallel_loop3A_765 = arith.addf %parallel_loop3A_764, %parallel_loop3A_762 : vector<16xf32>
        tpu.vector_store_idx %arg19[%parallel_loop3A_165, %parallel_loop3A_760], %parallel_loop3A_765 : memref<400x16xf32, #tpu.memory_space<vmem>>[vector<16xi32>, vector<16xi32>], vector<16xf32>,
        %parallel_loop3A_766 = tpu.vector_load_idx %arg18[%parallel_loop3A_167, %parallel_loop3A_760] : memref<800x16xf32, #tpu.memory_space<vmem>>[vector<16xi32>, vector<16xi32>], vector<16xf32>,
        %parallel_loop3A_767 = arith.addf %parallel_loop3A_766, %parallel_loop3A_765 : vector<16xf32>
        tpu.vector_store_idx %arg18[%parallel_loop3A_167, %parallel_loop3A_760], %parallel_loop3A_767 : memref<800x16xf32, #tpu.memory_space<vmem>>[vector<16xi32>, vector<16xi32>], vector<16xf32>,
        %parallel_loop3A_768 = arith.constant 15 : i32
        %parallel_loop3A_769 = vector.broadcast %parallel_loop3A_768 : i32 to vector<16xi32>
        %parallel_loop3A_770 = tpu.vector_load_idx %arg20[%parallel_loop3A_769] : memref<16xf32, #tpu.memory_space<vmem>>[vector<16xi32>], vector<16xf32>,
        %parallel_loop3A_771 = tpu.vector_load_idx %arg21[%parallel_loop3A_769] : memref<16xf32, #tpu.memory_space<vmem>>[vector<16xi32>], vector<16xf32>,
        %parallel_loop3A_772 = arith.mulf %parallel_loop3A_569, %parallel_loop3A_632 : vector<16xf32>
        %parallel_loop3A_773 = arith.mulf %parallel_loop3A_772, %parallel_loop3A_770 : vector<16xf32>
        %parallel_loop3A_774 = arith.addf %parallel_loop3A_773, %parallel_loop3A_771 : vector<16xf32>
        tpu.vector_store_idx %arg19[%parallel_loop3A_165, %parallel_loop3A_769], %parallel_loop3A_774 : memref<400x16xf32, #tpu.memory_space<vmem>>[vector<16xi32>, vector<16xi32>], vector<16xf32>,
        %parallel_loop3A_775 = tpu.vector_load_idx %arg18[%parallel_loop3A_167, %parallel_loop3A_769] : memref<800x16xf32, #tpu.memory_space<vmem>>[vector<16xi32>, vector<16xi32>], vector<16xf32>,
        %parallel_loop3A_776 = arith.addf %parallel_loop3A_775, %parallel_loop3A_774 : vector<16xf32>
        tpu.vector_store_idx %arg18[%parallel_loop3A_167, %parallel_loop3A_769], %parallel_loop3A_776 : memref<800x16xf32, #tpu.memory_space<vmem>>[vector<16xi32>, vector<16xi32>], vector<16xf32>,
      } {sc.loop_unroll_factor = 2 : i64, sc.parallel_access}
      %dma_start3A_141 = arith.constant 0 : i32
      %dma_start3A_142 = tpu.memref_slice %arg18[%mul3A_102, %dma_start3A_141] : memref<800x16xf32, #tpu.memory_space<vmem>> -> memref<400x16xf32, #tpu.memory_space<vmem>>
      %dma_start3A_143 = arith.constant 0 : i32
      %dma_start3A_144 = tpu.memref_slice %arg11[%add3A_84, %dma_start3A_143] : memref<320000x16xf32, #tpu.memory_space<hbm>> -> memref<400x16xf32, #tpu.memory_space<hbm>>
      %dma_start3A_145 = arith.constant 0 : i32
      %dma_start3A_146 = tpu.memref_slice %arg11[%add3A_84, %dma_start3A_145] : memref<320000x16xf32, #tpu.memory_space<hbm>> -> memref<400x16xf32, #tpu.memory_space<hbm>>
      %dma_start3A_147 = arith.constant 0 : i32
      %dma_start3A_148 = tpu.memref_slice %arg18[%mul3A_102, %dma_start3A_147] : memref<800x16xf32, #tpu.memory_space<vmem>> -> memref<400x16xf32, #tpu.memory_space<vmem>>
      tpu.enqueue_dma source(%dma_start3A_148 : memref<400x16xf32, #tpu.memory_space<vmem>>) target(%dma_start3A_146 : memref<400x16xf32, #tpu.memory_space<hbm>>) target_semaphore(%arg24 : memref<!tpu.dma_semaphore, #tpu.memory_space<semaphore_mem>>)
      %mul3A_149 = arith.constant 1 : i32
      %mul3A_150 = arith.muli %scan3A_79, %mul3A_149 : i32
      %add3A_151 = arith.constant 0 : i32
      %add3A_152 = arith.addi %mul3A_150, %add3A_151 : i32
      "tpu.region"() ({
        %run_scoped3A = tpu.sem_alloc : memref<!tpu.dma_semaphore, #tpu.memory_space<semaphore_mem>>
        %dma_start3A_161 = arith.constant 0 : i32
        %dma_start3A_162 = arith.constant 0 : i32
        %dma_start3A_163 = tpu.memref_slice %arg19[%dma_start3A_161, %dma_start3A_162] : memref<400x16xf32, #tpu.memory_space<vmem>> -> memref<400x16xf32, #tpu.memory_space<vmem>>
        %dma_start3A_164 = arith.constant 0 : i32
        %dma_start3A_165 = tpu.memref_slice %arg14[%add3A_152, %dma_start3A_164] : memref<25x400xi32, #tpu.memory_space<vmem>> -> memref<1x400xi32, #tpu.memory_space<vmem>>
        %dma_start3A_166 = tpu.memref_squeeze %dma_start3A_165 : memref<1x400xi32, #tpu.memory_space<vmem>> -> memref<400xi32, #tpu.memory_space<vmem>>
        %dma_start3A_167 = arith.constant 0 : i32
        %dma_start3A_168 = arith.constant 0 : i32
        %dma_start3A_169 = tpu.memref_slice %arg22[%dma_start3A_167, %dma_start3A_168] : memref<10240x16xf32, #tpu.memory_space<vmem_shared>> -> memref<10240x16xf32, #tpu.memory_space<vmem_shared>>
        tpu.enqueue_indirect_dma source(%dma_start3A_163 : memref<400x16xf32, #tpu.memory_space<vmem>>) target(%dma_start3A_169 : memref<10240x16xf32, #tpu.memory_space<vmem_shared>>) offsets(%dma_start3A_166 : memref<400xi32, #tpu.memory_space<vmem>>) semaphore(%run_scoped3A : memref<!tpu.dma_semaphore, #tpu.memory_space<semaphore_mem>>) {add = true}
        %dma_wait3A_170 = arith.constant 0 : i32
        %dma_wait3A_171 = arith.constant 0 : i32
        %dma_wait3A_172 = tpu.memref_slice %arg19[%dma_wait3A_170, %dma_wait3A_171] : memref<400x16xf32, #tpu.memory_space<vmem>> -> memref<400x16xf32, #tpu.memory_space<vmem>>
        %dma_wait3A_173 = arith.constant 0 : i32
        %dma_wait3A_174 = tpu.memref_slice %arg14[%add3A_152, %dma_wait3A_173] : memref<25x400xi32, #tpu.memory_space<vmem>> -> memref<1x400xi32, #tpu.memory_space<vmem>>
        %dma_wait3A_175 = tpu.memref_squeeze %dma_wait3A_174 : memref<1x400xi32, #tpu.memory_space<vmem>> -> memref<400xi32, #tpu.memory_space<vmem>>
        %dma_wait3A_176 = arith.constant 0 : i32
        %dma_wait3A_177 = arith.constant 0 : i32
        %dma_wait3A_178 = tpu.memref_slice %arg22[%dma_wait3A_176, %dma_wait3A_177] : memref<10240x16xf32, #tpu.memory_space<vmem_shared>> -> memref<10240x16xf32, #tpu.memory_space<vmem_shared>>
        tpu.wait_indirect_dma semaphore(%run_scoped3A : memref<!tpu.dma_semaphore, #tpu.memory_space<semaphore_mem>>) src(%dma_wait3A_172 : memref<400x16xf32, #tpu.memory_space<vmem>>) dst(%dma_wait3A_178 : memref<10240x16xf32, #tpu.memory_space<vmem_shared>>)
        tpu.yield
      }) : () -> ()
      %dma_wait3A_153 = arith.constant 0 : i32
      %dma_wait3A_154 = tpu.memref_slice %arg18[%mul3A_102, %dma_wait3A_153] : memref<800x16xf32, #tpu.memory_space<vmem>> -> memref<400x16xf32, #tpu.memory_space<vmem>>
      %dma_wait3A_155 = arith.constant 0 : i32
      %dma_wait3A_156 = tpu.memref_slice %arg11[%add3A_84, %dma_wait3A_155] : memref<320000x16xf32, #tpu.memory_space<hbm>> -> memref<400x16xf32, #tpu.memory_space<hbm>>
      %dma_wait3A_157 = arith.constant 0 : i32
      %dma_wait3A_158 = tpu.memref_slice %arg11[%add3A_84, %dma_wait3A_157] : memref<320000x16xf32, #tpu.memory_space<hbm>> -> memref<400x16xf32, #tpu.memory_space<hbm>>
      %dma_wait3A_159 = arith.constant 0 : i32
      %dma_wait3A_160 = tpu.memref_slice %arg18[%mul3A_102, %dma_wait3A_159] : memref<800x16xf32, #tpu.memory_space<vmem>> -> memref<400x16xf32, #tpu.memory_space<vmem>>
      tpu.wait_dma2 semaphore(%arg24 : memref<!tpu.dma_semaphore, #tpu.memory_space<semaphore_mem>>) src(%dma_wait3A_160 : memref<400x16xf32, #tpu.memory_space<vmem>>) dst(%dma_wait3A_158 : memref<400x16xf32, #tpu.memory_space<hbm>>)
    }
    %scan3A_73 = arith.constant 25 : i32
    %barrier3A_74 = arith.constant 0 : index
    tpu.barrier barrier_id(%barrier3A_74)
    %mul3A_75 = arith.constant 640 : i32
    %mul3A_76 = arith.muli %arg1, %mul3A_75 : i32
    %mul3A_77 = arith.constant 640 : i32
    %mul3A_78 = arith.muli %arg1, %mul3A_77 : i32
    "tpu.region"() ({
      %run_scoped3A = tpu.sem_alloc : memref<!tpu.dma_semaphore, #tpu.memory_space<semaphore_mem>>
      %dma_start3A_79 = arith.constant 0 : i32
      %dma_start3A_80 = tpu.memref_slice %arg12[%arg0, %mul3A_78, %dma_start3A_79] : memref<2x10240x16xf32, #tpu.memory_space<hbm>> -> memref<1x640x16xf32, #tpu.memory_space<hbm>>
      %dma_start3A_81 = tpu.memref_squeeze %dma_start3A_80 : memref<1x640x16xf32, #tpu.memory_space<hbm>> -> memref<640x16xf32, #tpu.memory_space<hbm>>
      %dma_start3A_82 = arith.constant 0 : i32
      %dma_start3A_83 = tpu.memref_slice %arg22[%mul3A_76, %dma_start3A_82] : memref<10240x16xf32, #tpu.memory_space<vmem_shared>> -> memref<640x16xf32, #tpu.memory_space<vmem_shared>>
      tpu.enqueue_dma source(%dma_start3A_83 : memref<640x16xf32, #tpu.memory_space<vmem_shared>>) target(%dma_start3A_81 : memref<640x16xf32, #tpu.memory_space<hbm>>) target_semaphore(%run_scoped3A : memref<!tpu.dma_semaphore, #tpu.memory_space<semaphore_mem>>)
      %dma_wait3A = arith.constant 0 : i32
      %dma_wait3A_84 = tpu.memref_slice %arg12[%arg0, %mul3A_78, %dma_wait3A] : memref<2x10240x16xf32, #tpu.memory_space<hbm>> -> memref<1x640x16xf32, #tpu.memory_space<hbm>>
      %dma_wait3A_85 = tpu.memref_squeeze %dma_wait3A_84 : memref<1x640x16xf32, #tpu.memory_space<hbm>> -> memref<640x16xf32, #tpu.memory_space<hbm>>
      %dma_wait3A_86 = arith.constant 0 : i32
      %dma_wait3A_87 = tpu.memref_slice %arg22[%mul3A_76, %dma_wait3A_86] : memref<10240x16xf32, #tpu.memory_space<vmem_shared>> -> memref<640x16xf32, #tpu.memory_space<vmem_shared>>
      tpu.wait_dma2 semaphore(%run_scoped3A : memref<!tpu.dma_semaphore, #tpu.memory_space<semaphore_mem>>) src(%dma_wait3A_87 : memref<640x16xf32, #tpu.memory_space<vmem_shared>>) dst(%dma_wait3A_85 : memref<640x16xf32, #tpu.memory_space<hbm>>)
      tpu.yield
    }) : () -> ()
    return
  }
}

module attributes {stable_mosaic.version = 14 : i64} {
  func.func @_proj_body(%arg0: i32, %arg1: memref<1000x128xf32, #tpu.memory_space<vmem>>, %arg2: memref<1000x128xf32, #tpu.memory_space<vmem>>, %arg3: memref<128x16xf32, #tpu.memory_space<vmem>>, %arg4: memref<128x16xf32, #tpu.memory_space<vmem>>, %arg5: memref<1000x16xf32, #tpu.memory_space<vmem>>, %arg6: memref<1000x16xf32, #tpu.memory_space<vmem>>) attributes {dimension_semantics = [#tpu.dimension_semantics<arbitrary>], iteration_bounds = array<i64: 10>, scalar_prefetch = 0 : i64, scratch_operands = 0 : i64, tpu.core_type = #tpu.core_type<tc>, window_params = [{transform_indices = @transform_0, window_bounds = array<i64: 1000, 128>}, {transform_indices = @transform_1, window_bounds = array<i64: 1000, 128>}, {pipeline_mode = #tpu.pipeline_mode<synchronous>, transform_indices = @transform_2, window_bounds = array<i64: 128, 16>}, {pipeline_mode = #tpu.pipeline_mode<synchronous>, transform_indices = @transform_3, window_bounds = array<i64: 128, 16>}, {transform_indices = @transform_4, window_bounds = array<i64: 1000, 16>}, {transform_indices = @transform_5, window_bounds = array<i64: 1000, 16>}]} {
    %get3A = arith.constant 0 : index
    %get3A_0 = arith.constant 0 : index
    %get3A_1 = vector.load %arg1[%get3A, %get3A_0] : memref<1000x128xf32, #tpu.memory_space<vmem>>, vector<1000x128xf32>
    %get3A_2 = arith.constant 0 : index
    %get3A_3 = arith.constant 0 : index
    %get3A_4 = vector.load %arg3[%get3A_2, %get3A_3] : memref<128x16xf32, #tpu.memory_space<vmem>>, vector<128x16xf32>
    %dot_general3A = arith.constant dense<0.000000e+00> : vector<1000x16xf32>
    %dot_general3A_5 = tpu.matmul %get3A_1, %get3A_4, %dot_general3A {dimension_numbers = #tpu.dot_dimension_numbers<[1], [0], [0], [1], [0, 0, 1, 1], [], []>, transpose_lhs_hint = false} : vector<1000x128xf32>, vector<128x16xf32>, vector<1000x16xf32> -> vector<1000x16xf32>
    %swap3A = arith.constant 0 : index
    %swap3A_6 = arith.constant 0 : index
    %swap3A_7 = vector.load %arg5[%swap3A, %swap3A_6] : memref<1000x16xf32, #tpu.memory_space<vmem>>, vector<1000x16xf32>
    tpu.vector_store %arg5[%swap3A, %swap3A_6], %dot_general3A_5 {strides = array<i32>} : memref<1000x16xf32, #tpu.memory_space<vmem>>, vector<1000x16xf32>,
    %get3A_8 = arith.constant 0 : index
    %get3A_9 = arith.constant 0 : index
    %get3A_10 = vector.load %arg2[%get3A_8, %get3A_9] : memref<1000x128xf32, #tpu.memory_space<vmem>>, vector<1000x128xf32>
    %get3A_11 = arith.constant 0 : index
    %get3A_12 = arith.constant 0 : index
    %get3A_13 = vector.load %arg4[%get3A_11, %get3A_12] : memref<128x16xf32, #tpu.memory_space<vmem>>, vector<128x16xf32>
    %dot_general3A_14 = arith.constant dense<0.000000e+00> : vector<1000x16xf32>
    %dot_general3A_15 = tpu.matmul %get3A_10, %get3A_13, %dot_general3A_14 {dimension_numbers = #tpu.dot_dimension_numbers<[1], [0], [0], [1], [0, 0, 1, 1], [], []>, transpose_lhs_hint = false} : vector<1000x128xf32>, vector<128x16xf32>, vector<1000x16xf32> -> vector<1000x16xf32>
    %swap3A_16 = arith.constant 0 : index
    %swap3A_17 = arith.constant 0 : index
    %swap3A_18 = vector.load %arg6[%swap3A_16, %swap3A_17] : memref<1000x16xf32, #tpu.memory_space<vmem>>, vector<1000x16xf32>
    tpu.vector_store %arg6[%swap3A_16, %swap3A_17], %dot_general3A_15 {strides = array<i32>} : memref<1000x16xf32, #tpu.memory_space<vmem>>, vector<1000x16xf32>,
    return
  }
  func.func @transform_0(%arg0: i32) -> (i32, i32) {
    %c0_i32 = arith.constant 0 : i32
    %c0_i32_0 = arith.constant 0 : i32
    return %arg0, %c0_i32 : i32, i32
  }
  func.func @transform_1(%arg0: i32) -> (i32, i32) {
    %c0_i32 = arith.constant 0 : i32
    %c0_i32_0 = arith.constant 0 : i32
    return %arg0, %c0_i32 : i32, i32
  }
  func.func @transform_2(%arg0: i32) -> (i32, i32) {
    %c0_i32 = arith.constant 0 : i32
    %c0_i32_0 = arith.constant 0 : i32
    %c0_i32_1 = arith.constant 0 : i32
    return %c0_i32, %c0_i32_0 : i32, i32
  }
  func.func @transform_3(%arg0: i32) -> (i32, i32) {
    %c0_i32 = arith.constant 0 : i32
    %c0_i32_0 = arith.constant 0 : i32
    %c0_i32_1 = arith.constant 0 : i32
    return %c0_i32, %c0_i32_0 : i32, i32
  }
  func.func @transform_4(%arg0: i32) -> (i32, i32) {
    %c0_i32 = arith.constant 0 : i32
    %c0_i32_0 = arith.constant 0 : i32
    return %arg0, %c0_i32 : i32, i32
  }
  func.func @transform_5(%arg0: i32) -> (i32, i32) {
    %c0_i32 = arith.constant 0 : i32
    %c0_i32_0 = arith.constant 0 : i32
    return %arg0, %c0_i32 : i32, i32
  }
}

module attributes {stable_mosaic.version = 14 : i64} {
  func.func @_a2_body(%arg0: i32, %arg1: memref<2000x16xf32, #tpu.memory_space<vmem>>, %arg2: memref<16x16xf32, #tpu.memory_space<vmem>>, %arg3: memref<1x16xf32, #tpu.memory_space<vmem>>, %arg4: memref<2000x16xf32, #tpu.memory_space<vmem>>) attributes {dimension_semantics = [#tpu.dimension_semantics<arbitrary>], iteration_bounds = array<i64: 160>, scalar_prefetch = 0 : i64, scratch_operands = 0 : i64, tpu.core_type = #tpu.core_type<tc>, window_params = [{transform_indices = @transform_0, window_bounds = array<i64: 2000, 16>}, {pipeline_mode = #tpu.pipeline_mode<synchronous>, transform_indices = @transform_1, window_bounds = array<i64: 16, 16>}, {pipeline_mode = #tpu.pipeline_mode<synchronous>, transform_indices = @transform_2, window_bounds = array<i64: 1, 16>}, {transform_indices = @transform_3, window_bounds = array<i64: 2000, 16>}]} {
    %get3A = arith.constant 0 : index
    %get3A_0 = arith.constant 0 : index
    %get3A_1 = vector.load %arg1[%get3A, %get3A_0] : memref<2000x16xf32, #tpu.memory_space<vmem>>, vector<2000x16xf32>
    %get3A_2 = arith.constant 0 : index
    %get3A_3 = arith.constant 0 : index
    %get3A_4 = vector.load %arg2[%get3A_2, %get3A_3] : memref<16x16xf32, #tpu.memory_space<vmem>>, vector<16x16xf32>
    %dot_general3A = arith.constant dense<0.000000e+00> : vector<2000x16xf32>
    %dot_general3A_5 = tpu.matmul %get3A_1, %get3A_4, %dot_general3A {dimension_numbers = #tpu.dot_dimension_numbers<[1], [0], [0], [1], [0, 0, 1, 1], [], []>, transpose_lhs_hint = false} : vector<2000x16xf32>, vector<16x16xf32>, vector<2000x16xf32> -> vector<2000x16xf32>
    %get3A_6 = arith.constant 0 : index
    %get3A_7 = arith.constant 0 : index
    %get3A_8 = vector.load %arg3[%get3A_6, %get3A_7] : memref<1x16xf32, #tpu.memory_space<vmem>>, vector<1x16xf32>
    %add3A = vector.broadcast %get3A_8 : vector<1x16xf32> to vector<2000x16xf32>
    %add3A_9 = arith.addf %dot_general3A_5, %add3A : vector<2000x16xf32>
    %swap3A = arith.constant 0 : index
    %swap3A_10 = arith.constant 0 : index
    %swap3A_11 = vector.load %arg4[%swap3A, %swap3A_10] : memref<2000x16xf32, #tpu.memory_space<vmem>>, vector<2000x16xf32>
    tpu.vector_store %arg4[%swap3A, %swap3A_10], %add3A_9 {strides = array<i32>} : memref<2000x16xf32, #tpu.memory_space<vmem>>, vector<2000x16xf32>,
    return
  }
  func.func @transform_0(%arg0: i32) -> (i32, i32) {
    %c0_i32 = arith.constant 0 : i32
    %c0_i32_0 = arith.constant 0 : i32
    return %arg0, %c0_i32 : i32, i32
  }
  func.func @transform_1(%arg0: i32) -> (i32, i32) {
    %c0_i32 = arith.constant 0 : i32
    %c0_i32_0 = arith.constant 0 : i32
    %c0_i32_1 = arith.constant 0 : i32
    return %c0_i32, %c0_i32_0 : i32, i32
  }
  func.func @transform_2(%arg0: i32) -> (i32, i32) {
    %c0_i32 = arith.constant 0 : i32
    %c0_i32_0 = arith.constant 0 : i32
    %c0_i32_1 = arith.constant 0 : i32
    return %c0_i32, %c0_i32_0 : i32, i32
  }
  func.func @transform_3(%arg0: i32) -> (i32, i32) {
    %c0_i32 = arith.constant 0 : i32
    %c0_i32_0 = arith.constant 0 : i32
    return %arg0, %c0_i32 : i32, i32
  }
}

module attributes {stable_mosaic.version = 14 : i64} {
  func.func @_sender_body(%arg0: i32, %arg1: memref<1000x128xf32, #tpu.memory_space<vmem>>, %arg2: memref<128x128xf32, #tpu.memory_space<vmem>>, %arg3: memref<1x128xf32, #tpu.memory_space<vmem>>, %arg4: memref<1x128xf32, #tpu.memory_space<vmem>>, %arg5: memref<1x128xf32, #tpu.memory_space<vmem>>, %arg6: memref<1000x128xf32, #tpu.memory_space<vmem>>) attributes {dimension_semantics = [#tpu.dimension_semantics<arbitrary>], iteration_bounds = array<i64: 10>, scalar_prefetch = 0 : i64, scratch_operands = 0 : i64, tpu.core_type = #tpu.core_type<tc>, window_params = [{transform_indices = @transform_0, window_bounds = array<i64: 1000, 128>}, {pipeline_mode = #tpu.pipeline_mode<synchronous>, transform_indices = @transform_1, window_bounds = array<i64: 128, 128>}, {pipeline_mode = #tpu.pipeline_mode<synchronous>, transform_indices = @transform_2, window_bounds = array<i64: 1, 128>}, {pipeline_mode = #tpu.pipeline_mode<synchronous>, transform_indices = @transform_3, window_bounds = array<i64: 1, 128>}, {pipeline_mode = #tpu.pipeline_mode<synchronous>, transform_indices = @transform_4, window_bounds = array<i64: 1, 128>}, {transform_indices = @transform_5, window_bounds = array<i64: 1000, 128>}]} {
    %get3A = arith.constant 0 : index
    %get3A_0 = arith.constant 0 : index
    %get3A_1 = vector.load %arg1[%get3A, %get3A_0] : memref<1000x128xf32, #tpu.memory_space<vmem>>, vector<1000x128xf32>
    %get3A_2 = arith.constant 0 : index
    %get3A_3 = arith.constant 0 : index
    %get3A_4 = vector.load %arg2[%get3A_2, %get3A_3] : memref<128x128xf32, #tpu.memory_space<vmem>>, vector<128x128xf32>
    %dot_general3A = arith.constant dense<0.000000e+00> : vector<1000x128xf32>
    %dot_general3A_5 = tpu.matmul %get3A_1, %get3A_4, %dot_general3A {dimension_numbers = #tpu.dot_dimension_numbers<[1], [0], [0], [1], [0, 0, 1, 1], [], []>, transpose_lhs_hint = false} : vector<1000x128xf32>, vector<128x128xf32>, vector<1000x128xf32> -> vector<1000x128xf32>
    %get3A_6 = arith.constant 0 : index
    %get3A_7 = arith.constant 0 : index
    %get3A_8 = vector.load %arg3[%get3A_6, %get3A_7] : memref<1x128xf32, #tpu.memory_space<vmem>>, vector<1x128xf32>
    %add3A = vector.broadcast %get3A_8 : vector<1x128xf32> to vector<1000x128xf32>
    %add3A_9 = arith.addf %dot_general3A_5, %add3A : vector<1000x128xf32>
    %get3A_10 = arith.constant 0 : index
    %get3A_11 = arith.constant 0 : index
    %get3A_12 = vector.load %arg4[%get3A_10, %get3A_11] : memref<1x128xf32, #tpu.memory_space<vmem>>, vector<1x128xf32>
    %get3A_13 = arith.constant 0 : index
    %get3A_14 = arith.constant 0 : index
    %get3A_15 = vector.load %arg5[%get3A_13, %get3A_14] : memref<1x128xf32, #tpu.memory_space<vmem>>, vector<1x128xf32>
    %neg3A = arith.constant 0.000000e+00 : f32
    %neg3A_16 = vector.broadcast %neg3A : f32 to vector<1000x128xf32>
    %neg3A_17 = arith.subf %neg3A_16, %add3A_9 : vector<1000x128xf32>
    %exp3A = math.exp %neg3A_17 : vector<1000x128xf32>
    %add3A_18 = arith.constant 1.000000e+00 : f32
    %add3A_19 = vector.broadcast %add3A_18 : f32 to vector<1000x128xf32>
    %add3A_20 = arith.addf %add3A_19, %exp3A : vector<1000x128xf32>
    %div3A = arith.divf %add3A_9, %add3A_20 : vector<1000x128xf32>
    %neg3A_21 = arith.constant 0.000000e+00 : f32
    %neg3A_22 = vector.broadcast %neg3A_21 : f32 to vector<1000x128xf32>
    %neg3A_23 = arith.subf %neg3A_22, %div3A : vector<1000x128xf32>
    %exp3A_24 = math.exp %neg3A_23 : vector<1000x128xf32>
    %add3A_25 = arith.constant 1.000000e+00 : f32
    %add3A_26 = vector.broadcast %add3A_25 : f32 to vector<1000x128xf32>
    %add3A_27 = arith.addf %add3A_26, %exp3A_24 : vector<1000x128xf32>
    %div3A_28 = arith.divf %div3A, %add3A_27 : vector<1000x128xf32>
    %reduce_sum3A = arith.constant dense<0.000000e+00> : vector<1000xf32>
    %reduce_sum3A_29 = vector.multi_reduction <add>, %div3A_28, %reduce_sum3A [1] : vector<1000x128xf32> to vector<1000xf32>
    %broadcast_in_dim3A = vector.shape_cast %reduce_sum3A_29 : vector<1000xf32> to vector<1000x1xf32>
    %div3A_30 = arith.constant 1.280000e+02 : f32
    %div3A_31 = vector.broadcast %div3A_30 : f32 to vector<1000x1xf32>
    %div3A_32 = arith.divf %broadcast_in_dim3A, %div3A_31 : vector<1000x1xf32>
    %sub3A = vector.broadcast %div3A_32 : vector<1000x1xf32> to vector<1000x128xf32>
    %sub3A_33 = arith.subf %div3A_28, %sub3A : vector<1000x128xf32>
    %integer_pow3A = arith.mulf %sub3A_33, %sub3A_33 : vector<1000x128xf32>
    %reduce_sum3A_34 = arith.constant dense<0.000000e+00> : vector<1000xf32>
    %reduce_sum3A_35 = vector.multi_reduction <add>, %integer_pow3A, %reduce_sum3A_34 [1] : vector<1000x128xf32> to vector<1000xf32>
    %broadcast_in_dim3A_36 = vector.shape_cast %reduce_sum3A_35 : vector<1000xf32> to vector<1000x1xf32>
    %div3A_37 = arith.constant 1.280000e+02 : f32
    %div3A_38 = vector.broadcast %div3A_37 : f32 to vector<1000x1xf32>
    %div3A_39 = arith.divf %broadcast_in_dim3A_36, %div3A_38 : vector<1000x1xf32>
    %sub3A_40 = vector.broadcast %div3A_32 : vector<1000x1xf32> to vector<1000x128xf32>
    %sub3A_41 = arith.subf %div3A_28, %sub3A_40 : vector<1000x128xf32>
    %add3A_42 = arith.constant 9.99999974E-6 : f32
    %add3A_43 = vector.broadcast %add3A_42 : f32 to vector<1000x1xf32>
    %add3A_44 = arith.addf %div3A_39, %add3A_43 : vector<1000x1xf32>
    %rsqrt3A = math.rsqrt %add3A_44 : vector<1000x1xf32>
    %mul3A = vector.broadcast %rsqrt3A : vector<1000x1xf32> to vector<1000x128xf32>
    %mul3A_45 = arith.mulf %sub3A_41, %mul3A : vector<1000x128xf32>
    %mul3A_46 = vector.broadcast %get3A_12 : vector<1x128xf32> to vector<1000x128xf32>
    %mul3A_47 = arith.mulf %mul3A_45, %mul3A_46 : vector<1000x128xf32>
    %add3A_48 = arith.addf %get3A_1, %mul3A_47 : vector<1000x128xf32>
    %add3A_49 = vector.broadcast %get3A_15 : vector<1x128xf32> to vector<1000x128xf32>
    %add3A_50 = arith.addf %add3A_48, %add3A_49 : vector<1000x128xf32>
    %swap3A = arith.constant 0 : index
    %swap3A_51 = arith.constant 0 : index
    %swap3A_52 = vector.load %arg6[%swap3A, %swap3A_51] : memref<1000x128xf32, #tpu.memory_space<vmem>>, vector<1000x128xf32>
    tpu.vector_store %arg6[%swap3A, %swap3A_51], %add3A_50 {strides = array<i32>} : memref<1000x128xf32, #tpu.memory_space<vmem>>, vector<1000x128xf32>,
    return
  }
  func.func @transform_0(%arg0: i32) -> (i32, i32) {
    %c0_i32 = arith.constant 0 : i32
    %c0_i32_0 = arith.constant 0 : i32
    return %arg0, %c0_i32 : i32, i32
  }
  func.func @transform_1(%arg0: i32) -> (i32, i32) {
    %c0_i32 = arith.constant 0 : i32
    %c0_i32_0 = arith.constant 0 : i32
    %c0_i32_1 = arith.constant 0 : i32
    return %c0_i32, %c0_i32_0 : i32, i32
  }
  func.func @transform_2(%arg0: i32) -> (i32, i32) {
    %c0_i32 = arith.constant 0 : i32
    %c0_i32_0 = arith.constant 0 : i32
    %c0_i32_1 = arith.constant 0 : i32
    return %c0_i32, %c0_i32_0 : i32, i32
  }
  func.func @transform_3(%arg0: i32) -> (i32, i32) {
    %c0_i32 = arith.constant 0 : i32
    %c0_i32_0 = arith.constant 0 : i32
    %c0_i32_1 = arith.constant 0 : i32
    return %c0_i32, %c0_i32_0 : i32, i32
  }
  func.func @transform_4(%arg0: i32) -> (i32, i32) {
    %c0_i32 = arith.constant 0 : i32
    %c0_i32_0 = arith.constant 0 : i32
    %c0_i32_1 = arith.constant 0 : i32
    return %c0_i32, %c0_i32_0 : i32, i32
  }
  func.func @transform_5(%arg0: i32) -> (i32, i32) {
    %c0_i32 = arith.constant 0 : i32
    %c0_i32_0 = arith.constant 0 : i32
    return %arg0, %c0_i32 : i32, i32
  }
}

module attributes {stable_mosaic.version = 14 : i64} {
  func.func @_node_body(%arg0: i32, %arg1: memref<1000x128xf32, #tpu.memory_space<vmem>>, %arg2: memref<1000x16xf32, #tpu.memory_space<vmem>>, %arg3: memref<1000x16xf32, #tpu.memory_space<vmem>>, %arg4: memref<128x128xf32, #tpu.memory_space<vmem>>, %arg5: memref<16x128xf32, #tpu.memory_space<vmem>>, %arg6: memref<1x128xf32, #tpu.memory_space<vmem>>, %arg7: memref<1x128xf32, #tpu.memory_space<vmem>>, %arg8: memref<1x128xf32, #tpu.memory_space<vmem>>, %arg9: memref<1000x128xf32, #tpu.memory_space<vmem>>) attributes {dimension_semantics = [#tpu.dimension_semantics<arbitrary>], iteration_bounds = array<i64: 10>, scalar_prefetch = 0 : i64, scratch_operands = 0 : i64, tpu.core_type = #tpu.core_type<tc>, window_params = [{transform_indices = @transform_0, window_bounds = array<i64: 1000, 128>}, {transform_indices = @transform_1, window_bounds = array<i64: 1000, 16>}, {transform_indices = @transform_2, window_bounds = array<i64: 1000, 16>}, {pipeline_mode = #tpu.pipeline_mode<synchronous>, transform_indices = @transform_3, window_bounds = array<i64: 128, 128>}, {pipeline_mode = #tpu.pipeline_mode<synchronous>, transform_indices = @transform_4, window_bounds = array<i64: 16, 128>}, {pipeline_mode = #tpu.pipeline_mode<synchronous>, transform_indices = @transform_5, window_bounds = array<i64: 1, 128>}, {pipeline_mode = #tpu.pipeline_mode<synchronous>, transform_indices = @transform_6, window_bounds = array<i64: 1, 128>}, {pipeline_mode = #tpu.pipeline_mode<synchronous>, transform_indices = @transform_7, window_bounds = array<i64: 1, 128>}, {transform_indices = @transform_8, window_bounds = array<i64: 1000, 128>}]} {
    %get3A = arith.constant 0 : index
    %get3A_0 = arith.constant 0 : index
    %get3A_1 = vector.load %arg1[%get3A, %get3A_0] : memref<1000x128xf32, #tpu.memory_space<vmem>>, vector<1000x128xf32>
    %get3A_2 = arith.constant 0 : index
    %get3A_3 = arith.constant 0 : index
    %get3A_4 = vector.load %arg2[%get3A_2, %get3A_3] : memref<1000x16xf32, #tpu.memory_space<vmem>>, vector<1000x16xf32>
    %get3A_5 = arith.constant 0 : index
    %get3A_6 = arith.constant 0 : index
    %get3A_7 = vector.load %arg3[%get3A_5, %get3A_6] : memref<1000x16xf32, #tpu.memory_space<vmem>>, vector<1000x16xf32>
    %add3A = arith.addf %get3A_4, %get3A_7 : vector<1000x16xf32>
    %get3A_8 = arith.constant 0 : index
    %get3A_9 = arith.constant 0 : index
    %get3A_10 = vector.load %arg4[%get3A_8, %get3A_9] : memref<128x128xf32, #tpu.memory_space<vmem>>, vector<128x128xf32>
    %dot_general3A = arith.constant dense<0.000000e+00> : vector<1000x128xf32>
    %dot_general3A_11 = tpu.matmul %get3A_1, %get3A_10, %dot_general3A {dimension_numbers = #tpu.dot_dimension_numbers<[1], [0], [0], [1], [0, 0, 1, 1], [], []>, transpose_lhs_hint = false} : vector<1000x128xf32>, vector<128x128xf32>, vector<1000x128xf32> -> vector<1000x128xf32>
    %get3A_12 = arith.constant 0 : index
    %get3A_13 = arith.constant 0 : index
    %get3A_14 = vector.load %arg5[%get3A_12, %get3A_13] : memref<16x128xf32, #tpu.memory_space<vmem>>, vector<16x128xf32>
    %dot_general3A_15 = arith.constant dense<0.000000e+00> : vector<1000x128xf32>
    %dot_general3A_16 = tpu.matmul %add3A, %get3A_14, %dot_general3A_15 {dimension_numbers = #tpu.dot_dimension_numbers<[1], [0], [0], [1], [0, 0, 1, 1], [], []>, transpose_lhs_hint = false} : vector<1000x16xf32>, vector<16x128xf32>, vector<1000x128xf32> -> vector<1000x128xf32>
    %add3A_17 = arith.addf %dot_general3A_11, %dot_general3A_16 : vector<1000x128xf32>
    %get3A_18 = arith.constant 0 : index
    %get3A_19 = arith.constant 0 : index
    %get3A_20 = vector.load %arg6[%get3A_18, %get3A_19] : memref<1x128xf32, #tpu.memory_space<vmem>>, vector<1x128xf32>
    %add3A_21 = vector.broadcast %get3A_20 : vector<1x128xf32> to vector<1000x128xf32>
    %add3A_22 = arith.addf %add3A_17, %add3A_21 : vector<1000x128xf32>
    %get3A_23 = arith.constant 0 : index
    %get3A_24 = arith.constant 0 : index
    %get3A_25 = vector.load %arg7[%get3A_23, %get3A_24] : memref<1x128xf32, #tpu.memory_space<vmem>>, vector<1x128xf32>
    %get3A_26 = arith.constant 0 : index
    %get3A_27 = arith.constant 0 : index
    %get3A_28 = vector.load %arg8[%get3A_26, %get3A_27] : memref<1x128xf32, #tpu.memory_space<vmem>>, vector<1x128xf32>
    %neg3A = arith.constant 0.000000e+00 : f32
    %neg3A_29 = vector.broadcast %neg3A : f32 to vector<1000x128xf32>
    %neg3A_30 = arith.subf %neg3A_29, %add3A_22 : vector<1000x128xf32>
    %exp3A = math.exp %neg3A_30 : vector<1000x128xf32>
    %add3A_31 = arith.constant 1.000000e+00 : f32
    %add3A_32 = vector.broadcast %add3A_31 : f32 to vector<1000x128xf32>
    %add3A_33 = arith.addf %add3A_32, %exp3A : vector<1000x128xf32>
    %div3A = arith.divf %add3A_22, %add3A_33 : vector<1000x128xf32>
    %neg3A_34 = arith.constant 0.000000e+00 : f32
    %neg3A_35 = vector.broadcast %neg3A_34 : f32 to vector<1000x128xf32>
    %neg3A_36 = arith.subf %neg3A_35, %div3A : vector<1000x128xf32>
    %exp3A_37 = math.exp %neg3A_36 : vector<1000x128xf32>
    %add3A_38 = arith.constant 1.000000e+00 : f32
    %add3A_39 = vector.broadcast %add3A_38 : f32 to vector<1000x128xf32>
    %add3A_40 = arith.addf %add3A_39, %exp3A_37 : vector<1000x128xf32>
    %div3A_41 = arith.divf %div3A, %add3A_40 : vector<1000x128xf32>
    %reduce_sum3A = arith.constant dense<0.000000e+00> : vector<1000xf32>
    %reduce_sum3A_42 = vector.multi_reduction <add>, %div3A_41, %reduce_sum3A [1] : vector<1000x128xf32> to vector<1000xf32>
    %broadcast_in_dim3A = vector.shape_cast %reduce_sum3A_42 : vector<1000xf32> to vector<1000x1xf32>
    %div3A_43 = arith.constant 1.280000e+02 : f32
    %div3A_44 = vector.broadcast %div3A_43 : f32 to vector<1000x1xf32>
    %div3A_45 = arith.divf %broadcast_in_dim3A, %div3A_44 : vector<1000x1xf32>
    %sub3A = vector.broadcast %div3A_45 : vector<1000x1xf32> to vector<1000x128xf32>
    %sub3A_46 = arith.subf %div3A_41, %sub3A : vector<1000x128xf32>
    %integer_pow3A = arith.mulf %sub3A_46, %sub3A_46 : vector<1000x128xf32>
    %reduce_sum3A_47 = arith.constant dense<0.000000e+00> : vector<1000xf32>
    %reduce_sum3A_48 = vector.multi_reduction <add>, %integer_pow3A, %reduce_sum3A_47 [1] : vector<1000x128xf32> to vector<1000xf32>
    %broadcast_in_dim3A_49 = vector.shape_cast %reduce_sum3A_48 : vector<1000xf32> to vector<1000x1xf32>
    %div3A_50 = arith.constant 1.280000e+02 : f32
    %div3A_51 = vector.broadcast %div3A_50 : f32 to vector<1000x1xf32>
    %div3A_52 = arith.divf %broadcast_in_dim3A_49, %div3A_51 : vector<1000x1xf32>
    %sub3A_53 = vector.broadcast %div3A_45 : vector<1000x1xf32> to vector<1000x128xf32>
    %sub3A_54 = arith.subf %div3A_41, %sub3A_53 : vector<1000x128xf32>
    %add3A_55 = arith.constant 9.99999974E-6 : f32
    %add3A_56 = vector.broadcast %add3A_55 : f32 to vector<1000x1xf32>
    %add3A_57 = arith.addf %div3A_52, %add3A_56 : vector<1000x1xf32>
    %rsqrt3A = math.rsqrt %add3A_57 : vector<1000x1xf32>
    %mul3A = vector.broadcast %rsqrt3A : vector<1000x1xf32> to vector<1000x128xf32>
    %mul3A_58 = arith.mulf %sub3A_54, %mul3A : vector<1000x128xf32>
    %mul3A_59 = vector.broadcast %get3A_25 : vector<1x128xf32> to vector<1000x128xf32>
    %mul3A_60 = arith.mulf %mul3A_58, %mul3A_59 : vector<1000x128xf32>
    %add3A_61 = arith.addf %get3A_1, %mul3A_60 : vector<1000x128xf32>
    %add3A_62 = vector.broadcast %get3A_28 : vector<1x128xf32> to vector<1000x128xf32>
    %add3A_63 = arith.addf %add3A_61, %add3A_62 : vector<1000x128xf32>
    %swap3A = arith.constant 0 : index
    %swap3A_64 = arith.constant 0 : index
    %swap3A_65 = vector.load %arg9[%swap3A, %swap3A_64] : memref<1000x128xf32, #tpu.memory_space<vmem>>, vector<1000x128xf32>
    tpu.vector_store %arg9[%swap3A, %swap3A_64], %add3A_63 {strides = array<i32>} : memref<1000x128xf32, #tpu.memory_space<vmem>>, vector<1000x128xf32>,
    return
  }
  func.func @transform_0(%arg0: i32) -> (i32, i32) {
    %c0_i32 = arith.constant 0 : i32
    %c0_i32_0 = arith.constant 0 : i32
    return %arg0, %c0_i32 : i32, i32
  }
  func.func @transform_1(%arg0: i32) -> (i32, i32) {
    %c0_i32 = arith.constant 0 : i32
    %c0_i32_0 = arith.constant 0 : i32
    return %arg0, %c0_i32 : i32, i32
  }
  func.func @transform_2(%arg0: i32) -> (i32, i32) {
    %c0_i32 = arith.constant 0 : i32
    %c0_i32_0 = arith.constant 0 : i32
    return %arg0, %c0_i32 : i32, i32
  }
  func.func @transform_3(%arg0: i32) -> (i32, i32) {
    %c0_i32 = arith.constant 0 : i32
    %c0_i32_0 = arith.constant 0 : i32
    %c0_i32_1 = arith.constant 0 : i32
    return %c0_i32, %c0_i32_0 : i32, i32
  }
  func.func @transform_4(%arg0: i32) -> (i32, i32) {
    %c0_i32 = arith.constant 0 : i32
    %c0_i32_0 = arith.constant 0 : i32
    %c0_i32_1 = arith.constant 0 : i32
    return %c0_i32, %c0_i32_0 : i32, i32
  }
  func.func @transform_5(%arg0: i32) -> (i32, i32) {
    %c0_i32 = arith.constant 0 : i32
    %c0_i32_0 = arith.constant 0 : i32
    %c0_i32_1 = arith.constant 0 : i32
    return %c0_i32, %c0_i32_0 : i32, i32
  }
  func.func @transform_6(%arg0: i32) -> (i32, i32) {
    %c0_i32 = arith.constant 0 : i32
    %c0_i32_0 = arith.constant 0 : i32
    %c0_i32_1 = arith.constant 0 : i32
    return %c0_i32, %c0_i32_0 : i32, i32
  }
  func.func @transform_7(%arg0: i32) -> (i32, i32) {
    %c0_i32 = arith.constant 0 : i32
    %c0_i32_0 = arith.constant 0 : i32
    %c0_i32_1 = arith.constant 0 : i32
    return %c0_i32, %c0_i32_0 : i32, i32
  }
  func.func @transform_8(%arg0: i32) -> (i32, i32) {
    %c0_i32 = arith.constant 0 : i32
    %c0_i32_0 = arith.constant 0 : i32
    return %arg0, %c0_i32 : i32, i32
  }
}

</mosaic_0001>

<sc_bundles>
// kernel: kernel.7.cloned.1.call-start
scs
__scs_entry_jumppad:
0x0: {  	(pc) =	sbr.rel $0x88, $3  }
0x1: {  	(tag) =	ssettag $0x0;
	lr =	simm.s32 $0x1  }
0x2: {  	[smem:$0x3F91] =	sst lr;
	_ =	strace $0xD0000000  }
0x3: {  	_ = 	snop  }
0x4: {  	_ = 	snop  }
0x5: {  	_ = 	snop  }
0x6: {  	_ = 	snop  }
0x7: {  	_ = 	snop  }
__scs_overlays_trampoline_lowered:
0x8: {  	[smem:$0x3FA0] =	sst s0  }
0x9: {  	[smem:$0x3FA1] =	sst s1  }
0xa: {  	[smem:$0x3FA2] =	sst s2  }
0xb: {  	[smem:$0x3FA3] =	sst s3  }
0xc: {  	[smem:$0x3FA4] =	sst s4  }
0xd: {  	[smem:$0x3FA5] =	sst s5  }
0xe: {  	[smem:$0x3FA6] =	sst s6  }
0xf: {  	[smem:$0x3FA7] =	sst s7  }
0x10: {  	[smem:$0x3FA8] =	sst s8  }
0x11: {  	[smem:$0x3FA9] =	sst s9;
	s0 =	simm.s32 @!p0 $0x0  }
0x12: {  	s1 =	sld [smem:$0x3F8F];
	s0 =	simm.s32 @p0 $0x1  }
0x13: {  	[smem:$0x3FAA] =	sst s0;
	s0 =	simm.s32 @!p1 $0x0  }
0x14: {  	s2 =	sld [smem:$0x3F8E];
	s0 =	simm.s32 @p1 $0x1  }
0x15: {  	[smem:$0x3FAB] =	sst s0;
	s0 =	simm.s32 @!p2 $0x0  }
0x16: {  	s3 =	sld [smem:$0x3FDB];
	s0 =	simm.s32 @p2 $0x1  }
0x17: {  	s4 =	simm.s32 $0x1BF5;
	[smem:$0x3FAD] =	sst s0  }
0x18: {  	s0 =	sld [smem:$0x3F90];
	_ =	swait.ge [sflag:s4], $0x0  }
0x19: {  	s7 =	sld [smem:$0x3F91]  }
0x1a: {  	s8 =	sadd.s32 $0xFFFFE003, lr  }
0x1b: {  	s9 =	sadd.s32 $0xFFFFFEF7, lr;
	s5 =	simm.s32 $0xFFFFFFFF;
	p2 =	slt.u32 s8, $0xFFFFF086  }
0x1c: {  	p1 =	slt.u32 s9, $0xF7A;
	s5 =	simm.s32 @!p2 $0x0  }
0x1d: {  	s5 =	simm.s32 @p1 $0x1;
	p0 =	seq.s32 s7, s2  }
0x1e: {  	s7 =	smul.u32 @!p0 $0xF7A, s2;
	p2 =	seq.s32 @!p0 s5, $0x0  }
0x1f: {  	s9 =	smul.u32 $0xF7A, s1;
	s8 =	simm.s32 @!p0 $0x1BF5;
	p2 =	por !p2, p0  }
0x20: {  	[sflag:s8] =	ssyncset.s32 @!p0 $0xFFFFF086;
	s6 =	sadd.s32 @!p0 s3, s7;
	s7 =	simm.s32 @!p0 $0x108  }
0x21: {  	s3 =	sadd.s32 s3, s9;
	s6 =	sadd.s32 @!p0 $0x88, s6;
	s7 =	simm.s32 @p2 $0x1082  }
0x22: {  	[simem:s7], [sflag:s8] =	dma.local @!p0 [hbm:s6], $0xF7A  }
0x23: {  	s9 =	sor.u32 $0xD0000000, s2;
	s6 =	simm.s32 $0x108;
	_ =	swait.ge @!p0 [sflag:s8], $0x0  }
0x24: {  	s3 =	sadd.s32 $0x88, s3;
	s6 =	simm.s32 @!p1 $0x1082;
	[sflag:s4] =	ssyncset.s32 $0xFFFFF086  }
0x25: {  	[simem:s6], [sflag:s4] =	dma.local [hbm:s3], $0xF7A  }
0x26: {  	[smem:$0x3F91] =	sst s1;
	(tag) =	ssettag s2;
	_ =	strace s9  }
0x27: {  	s1 =	sld [smem:$0x3FA1]  }
0x28: {  	s2 =	sld [smem:$0x3FA2]  }
0x29: {  	s4 =	sld [smem:$0x3FA4]  }
0x2a: {  	p0 =	seq.s32 s5, $0x0;
	s5 =	sld [smem:$0x3FA5]  }
0x2b: {  	s6 =	sld [smem:$0x3FA6]  }
0x2c: {  	s7 =	sld [smem:$0x3FA7]  }
0x2d: {  	s3 =	simm.s32 $0x108;
	s8 =	sld [smem:$0x3FA8]  }
0x2e: {  	s3 =	simm.s32 @!p0 $0x1082;
	s9 =	sld [smem:$0x3FA9]  }
0x2f: {  	lr =	sadd.s32 s0, s3;
	s0 =	sld [smem:$0x3FA0]  }
0x30: {  	s3 =	sld [smem:$0x3FA3]  }
0x31: {  	[smem:$0x3FAC] =	sst s10  }
0x32: {  	s10 =	sld [smem:$0x3FAA];
	_ =	sdelay $0x3  }
0x33: {  	p0 =	seq.s32 s10, $0x1;
	s10 =	sld [smem:$0x3FAC];
	_ =	sdelay $0x3  }
0x34: {  	[smem:$0x3FAC] =	sst s10  }
0x35: {  	s10 =	sld [smem:$0x3FAB];
	_ =	sdelay $0x3  }
0x36: {  	p1 =	seq.s32 s10, $0x1;
	s10 =	sld [smem:$0x3FAC];
	_ =	sdelay $0x3  }
0x37: {  	[smem:$0x3FAC] =	sst s10  }
0x38: {  	s10 =	sld [smem:$0x3FAD]  }
0x39: {  	_ = 	snop;
	(pc) =	sbr.ind lr, $3  }
0x3a: {  	_ = 	snop  }
0x3b: {  	_ = 	snop  }
0x3c: {  	p2 =	seq.s32 s10, $0x1;
	s10 =	sld [smem:$0x3FAC]  }
0x3d: {  	_ =	shalt  }
0x3e: {  	_ =	shalt  }
0x3f: {  	_ =	shalt  }
0x40: {  	_ =	shalt  }
0x41: {  	_ =	shalt  }
0x42: {  	_ =	shalt  }
0x43: {  	_ =	shalt  }
0x44: {  	_ =	shalt  }
0x45: {  	_ =	shalt  }
0x46: {  	_ =	shalt  }
0x47: {  	_ =	shalt  }
0x48: {  	_ =	shalt  }
0x49: {  	_ =	shalt  }
0x4a: {  	_ =	shalt  }
0x4b: {  	_ =	shalt  }
0x4c: {  	_ =	shalt  }
0x4d: {  	_ =	shalt  }
0x4e: {  	_ =	shalt  }
0x4f: {  	_ =	shalt  }
0x50: {  	_ =	shalt  }
0x51: {  	_ =	shalt  }
0x52: {  	_ =	shalt  }
0x53: {  	_ =	shalt  }
0x54: {  	_ =	shalt  }
0x55: {  	_ =	shalt  }
0x56: {  	_ =	shalt  }
0x57: {  	_ =	shalt  }
0x58: {  	_ =	shalt  }
0x59: {  	_ =	shalt  }
0x5a: {  	_ =	shalt  }
0x5b: {  	_ =	shalt  }
0x5c: {  	_ =	shalt  }
0x5d: {  	_ =	shalt  }
0x5e: {  	_ =	shalt  }
0x5f: {  	_ =	shalt  }
0x60: {  	_ =	shalt  }
0x61: {  	_ =	shalt  }
0x62: {  	_ =	shalt  }
0x63: {  	_ =	shalt  }
0x64: {  	_ =	shalt  }
0x65: {  	_ =	shalt  }
0x66: {  	_ =	shalt  }
0x67: {  	_ =	shalt  }
0x68: {  	_ =	shalt  }
0x69: {  	_ =	shalt  }
0x6a: {  	_ =	shalt  }
0x6b: {  	_ =	shalt  }
0x6c: {  	_ =	shalt  }
0x6d: {  	_ =	shalt  }
0x6e: {  	_ =	shalt  }
0x6f: {  	_ =	shalt  }
0x70: {  	_ =	shalt  }
0x71: {  	_ =	shalt  }
0x72: {  	_ =	shalt  }
0x73: {  	_ =	shalt  }
0x74: {  	_ =	shalt  }
0x75: {  	_ =	shalt  }
0x76: {  	_ =	shalt  }
0x77: {  	_ =	shalt  }
0x78: {  	_ =	shalt  }
0x79: {  	_ =	shalt  }
0x7a: {  	_ =	shalt  }
0x7b: {  	_ =	shalt  }
0x7c: {  	_ =	shalt  }
0x7d: {  	_ =	shalt  }
0x7e: {  	_ =	shalt  }
0x7f: {  	_ =	shalt  }
0x80: {  	_ =	shalt  }
0x81: {  	_ =	shalt  }
0x82: {  	_ =	shalt  }
0x83: {  	_ =	shalt  }
0x84: {  	_ =	shalt  }
0x85: {  	_ =	shalt  }
0x86: {  	_ =	shalt  }
0x87: {  	_ =	shalt  }
.Lfunc_end0:
.L_simem_size_0:
called_computation_lowered:
.L_overlay_start_0:
0x88: {  	s2 =	sld [smem:$0x3FD9]  }
0x89: {  	s3 =	sld [smem:$0x3FFE];
	_ =	sdelay $0x1  }
0x8a: {  	s1 =	srdreg.scid  }
0x8b: {  	s0 =	sand.u32 $0x1, s1  }
0x8c: {  	s14 =	sshll.u32 s0, $0xA;
	s2 =	sadd.s32 s3, s2  }
0x8d: {  	s2 =	sadd.s32 s2, s14  }
0x8e: {  	[smem:$0x3FB8] =	sst s2  }
0x8f: {  	_ = 	snop  }
0x90: {  	s2 =	sld [smem:$0x3FD0];
	_ =	sdelay $0x1  }
0x91: {  	s15 =	sld [smem:$0x3FC3]  }
0x92: {  	s5 =	simm.s32 $0xA;
	s6 =	simm.s32 $0x10;
	s4 =	sld [smem:$0x3FC2]  }
0x93: {  	[smem:s6], [sflag:s5] =	dma.local [hbm:s2], $0x1  }
0x94: {  	_ =	swait.eq [sflag:s5], $0x1  }
0x95: {  	[sflag:s5] =	ssyncset.done $0x0  }
0x96: {  	s16 =	sld [smem:$0x11];
	[sflag:s5] =	ssyncadd.s32 $0xFFFFFFFF  }
0x97: {  	s17 =	sld [smem:$0x12];
	(tm) =	ssettm $0x1  }
0x98: {  	s18 =	sld [smem:$0x3FFB];
	_ =	sdelay $0x3  }
0x99: {  	_ =	strace s18  }
0x9a: {  	s6 =	sld [smem:$0x3FFC];
	_ =	sdelay $0x3  }
0x9b: {  	_ =	strace s6  }
0x9c: {  	s6 =	sld [smem:$0x3FFD];
	_ =	sdelay $0x3  }
0x9d: {  	_ =	strace s6  }
0x9e: {  	_ =	strace $0x8FFFFFFF  }
0x9f: {  	s19 =	sld [smem:$0x3FDB];
	_ =	sdelay $0x1  }
0xa0: {  	s7 =	simm.s32 $_scs_section_size  }
0xa1: {  	s8 =	simm.s32 $_size__tile_overlayer_lowered;
	s9 =	simm.s32 $_tile_overlayer_lowered  }
0xa2: {  	s22 =	simm.s32 $0x1BFF;
	s21 =	sshll.u32 s9, $0x1;
	s6 =	sadd.s32 s7, s19  }
0xa3: {  	s10 =	simm.s32 $0x0;
	s20 =	sshll.u32 s8, $0x1;
	s8 =	sadd.s32 s21, s6  }
0xa4: {  	[timem:s10], [sflag:s22] =	dma.local [hbm:s8], s20  }
0xa5: {  	_ =	swait.ge [sflag:s22], s20  }
0xa6: {  	s7 =	ssub.s32 $0x0, s20;
	[sflag:s22] =	ssyncset.done $0x0  }
0xa7: {  	[sflag:s22] =	ssyncadd.s32 s7;
	_ =	sdelay $0x1  }
0xa8: {  	s23 =	simm.s32 $0x1B8B  }
0xa9: {  	_ =	swait.ge [sflag:s23], $0x1  }
0xaa: {  	[sflag:s23] =	ssyncset.done $0x0  }
0xab: {  	s25 =	simm.s32 $0x1B8E;
	s24 =	sld [smem:$0x3FFE];
	[sflag:s23] =	ssyncadd.s32 $0xFFFFFFFF  }
0xac: {  	s26 =	simm.s32 $execute0_lowered;
	[smem:$0x3FD2] =	sst s25  }
0xad: {  	s8 =	sshll.u32 s26, $0x1;
	_ =	strace $0x80000046;
	[dreg:$0x1] =	wrdreg $0xFFFFFFFF  }
0xae: {  	s28 =	simm.s32 $_size_execute0_lowered;
	s6 =	sadd.s32 s6, s8;
	[dreg:$0x0] =	wrdreg $0x0  }
0xaf: {  	s8 =	sshll.u32 s28, $0x1;
	[dreg:$0x2] =	wrdreg s6  }
0xb0: {  	[dreg:$0x3] =	wrdreg s8  }
0xb1: {  	[dreg:$0x4] =	wrdreg $0xC0  }
0xb2: {  	_ =	task [dreg:s10], $0x5FFFF  }
0xb3: {  	[dreg:$0x1] =	wrdreg $0xFFFFFFFF  }
0xb4: {  	[dreg:$0x0] =	wrdreg $0x60  }
0xb5: {  	[dreg:$0x2] =	wrdreg s24  }
0xb6: {  	[dreg:$0x3] =	wrdreg s17  }
0xb7: {  	[dreg:$0x4] =	wrdreg s15  }
0xb8: {  	[dreg:$0x5] =	wrdreg s4  }
0xb9: {  	[dreg:$0x6] =	wrdreg s16  }
0xba: {  	[dreg:$0x7] =	wrdreg $0x12F400  }
0xbb: {  	[dreg:$0x8] =	wrdreg $0x9  }
0xbc: {  	_ =	task.clear_ibuf [dreg:s10], $0x9FFFF;
	_ =	strace $0x90000046  }
0xbd: {  	s29 =	simm.s32 $0x9;
	_ =	strace $0x80000048  }
0xbe: {  	_ =	swait.ge [sflag:s29], $0x1  }
0xbf: {  	[sflag:s29] =	ssyncadd.s32 $0xFFFFFFFF  }
0xc0: {  	_ =	strace $0x90000048  }
0xc1: {  	_ =	sfence  }
0xc2: {  	s30 =	sld [smem:$0x0];
	_ =	sdelay $0x2  }
0xc3: {  	s31 =	sshll.u32 s1, $0xD;
	s1 =	sshrl.u32 s1, $0x2  }
0xc4: {  	s3 =	sand.u32 $0x4000, s31;
	s1 =	sadd.s32 s1, s30  }
0xc5: {  	s0 =	sor.u32 s3, s0;
	s1 =	sshll.u32 s1, $0x11  }
0xc6: {  	s0 =	sor.u32 s1, s0  }
0xc7: {  	s0 =	sadd.s32 $0x8F2B, s0  }
0xc8: {  	[sflag:s0] =	ssyncadd.remote.s32 $0x1  }
0xc9: {  	_ =	sfence.sel $0xFFFF  }
0xca: {  	[dreg:$0x0] =	wrdreg $0xFFFFFFFF;
	(pc) =	sbr.abs _section_cstart, $3  }
0xcb: {  	[dreg:$0x1] =	wrdreg $0xFFFFFFFF  }
0xcc: {  	_ =	task.clear_ibuf [dreg:s10], $0x2FFFF;
	_ =	strace $0x9FFFFFFF  }
0xcd: {  	(tm) =	ssettm $0x7FFFFFFF  }
tec
execute0_lowered:
.L_overlay_start_1:
0x0: {  	(tag) =	ssettag $0x1  }
0x1: {  	s1 =	rddreg [dreg:$0x0]  }
0x2: {  	s0 =	rddreg [dreg:$0x1]  }
0x3: {  	s2 =	srdreg.scid;
	s3 =	rddreg [dreg:$0x4]  }
0x4: {  	s5 =	rddreg [dreg:$0x5];
	s8 =	stileid.u32;
	s6 =	simm.s32 $0x0  }
0x5: {  	s20 =	simm.s32 $0x12F20;
	s21 =	simm.s32 $0x3;
	s28 =	simm.s32 $0xB220  }
0x6: {  	s29 =	simm.s32 $0xE420;
	s30 =	simm.s32 $0x1;
	s31 =	simm.s32 $0x11620  }
0x7: {  	s2 =	sand.u32 $0x1, s2;
	[smem:$0x7FF] =	sst s6;
	s12 =	smul.u32 $0x2800, s8  }
0x8: {  	s9 =	sadd.s32 $0x8200, s1;
	s10 =	sadd.s32 $0x4EF200, s1;
	s4 =	sshll.u32 s2, $0x4  }
0x9: {  	_ =	strace $0x80000047;
	s14 =	ssub.s32 $0x2, s2;
	s2 =	smul.u32 $0x28000, s2  }
0xa: {  	s4 =	sor.u32 s8, s4;
	s8 =	sadd.s32 $0x3200, s1;
	s13 =	sshrl.u32 s12, $0x3  }
0xb: {  	s16 =	sshrl.u32 s14, $0x1;
	s25 =	sadd.s32 s12, s5;
	s7 =	smul.u32 $0x2710, s4  }
0xc: {  	s13 =	sadd.s32 s13, s1;
	s22 =	ssub.s32 s14, s16;
	s4 =	smul.u32 $0x4E20, s4  }
0xd: {  	[dreg:$0x9] =	wrdreg s25;
	s2 =	sadd.s32 s12, s2;
	s25 =	simm.s32 $0x4E20  }
0xe: {  	s13 =	sadd.s32 $0x20E00, s13;
	s2 =	sshrl.u32 s2, $0x3;
	s19 =	smax.u32 s22, $0x1  }
0xf: {  	s22 =	simm.s32 $0x12F30;
	s11 =	sshrl.u32 s7, $0x3;
	[dreg:$0xa] =	wrdreg s13  }
0x10: {  	s26 =	sadd.s32 s0, s4;
	s4 =	sadd.s32 s10, s4;
	s18 =	sadd.s32 s3, s2  }
0x11: {  	s3 =	simm.s32 $0x2;
	s15 =	sadd.s32 s11, s1;
	[dreg:$0xb] =	wrdreg s26  }
0x12: {  	s11 =	sadd.s32 $0x25E00, s1;
	[dreg:$0xc] =	wrdreg s4;
	s23 =	sadd.s32 $0x17000, s15  }
0x13: {  	s26 =	simm.s32 $0x8020;
	s24 =	sadd.s32 $0xD200, s15;
	[dreg:$0x7] =	wrdreg s23  }
0x14: {  	v50 =	vlaneseq.u32;
	s1 =	simm.s32 $0x0;
	[dreg:$0x8] =	wrdreg s24;
	s24 =	simm.s32 $0x190  }
.LBB2_1:
0x15: {  	s2 =	rddreg [dreg:$0x2]  }
0x16: {  	[tilespmem:s20], [sflag:$0x3] =	stream.linear.gather [hbm4b:s2+s6], $0x10, $0x38;
	[tilespmem:$0x15740] =	vst v63  }
0x17: {  	_ =	swait.ge [sflag:s21], $0x10  }
0x18: {  	[sflag:s21] =	ssyncset.done $0x0  }
0x19: {  	[sflag:s21] =	ssyncadd.s32 $0xFFFFFFF0  }
0x1a: {  	s13 =	rddreg [dreg:$0x3]  }
0x1b: {  	[tilespmem:s22], [sflag:$0x3] =	stream.linear.gather [hbm4b:s13+s6], $0x10, $0x38;
	[tilespmem:$0x15740] =	vst v63  }
0x1c: {  	_ =	swait.ge [sflag:s21], $0x10  }
0x1d: {  	[sflag:s21] =	ssyncset.done $0x0  }
0x1e: {  	s14 =	rddreg [dreg:$0x7];
	[sflag:s21] =	ssyncadd.s32 $0xFFFFFFF0  }
0x1f: {  	[tilespmem:s6], [sflag:$0x3] =	stream.linear.gather [hbm4b:s14+s6], $0x2710, $0x38;
	[tilespmem:$0x15740] =	vst v63  }
0x20: {  	_ =	swait.ge [sflag:s21], $0x2710  }
0x21: {  	s16 =	stileid.u32;
	[sflag:s21] =	ssyncset.done $0x0  }
0x22: {  	s13 =	simm.s32 $0x2710;
	s15 =	rddreg [dreg:$0x8];
	[sflag:s21] =	ssyncadd.s32 $0xFFFFD8F0  }
0x23: {  	[tilespmem:s13], [sflag:$0x3] =	stream.linear.gather [hbm4b:s15+s6], $0x2710, $0x38;
	[tilespmem:$0x15740] =	vst v63  }
0x24: {  	s2 =	sshll.u32 s16, $0x6;
	_ =	swait.ge [sflag:s21], $0x2710  }
0x25: {  	s2 =	sor.u32 $0x1C03, s2;
	[sflag:s21] =	ssyncset.done $0x0;
	s4 =	rddreg [dreg:$0x9]  }
0x26: {  	s12 =	rddreg [dreg:$0xa];
	[sflag:s21] =	ssyncadd.s32 $0xFFFFD8F0;
	s4 =	sshrl.u32 s4, $0x3  }
0x27: {  	[spmem:s4], [sflag:s2] =	dma.local [hbm:s12], $0x500  }
0x28: {  	_ =	swait.ge [sflag:s21], $0x500  }
0x29: {  	[sflag:s21] =	ssyncset.done $0x0  }
0x2a: {  	[sflag:s21] =	ssyncadd.s32 $0xFFFFFB00  }
0x2b: {  	[bflag:$0x0] =	sbarrier.arrive $0xFFFF  }
0x2c: {  	[tilespmem:s25], [sflag:$0x1] =	stream.indirect.gather [hbm4b:s8+s24], $0x10, s6, s24, $0xb8;
	[tilespmem:$0x15740] =	vst v63  }
0x2d: {  	_ = 	snop  }
0x2e: {  	[tilespmem:s26], [sflag:$0x1] =	stream.indirect.gather [hbm4b:s9+s24], $0x10, s13, s24, $0xb8;
	[tilespmem:$0x15740] =	vst v63  }
0x2f: {  	s17 =	rddreg [dreg:$0xb]  }
0x30: {  	[tilespmem:s28], [sflag:$0x1] =	stream.linear.gather [hbm4b:s17+s6], $0x1900, $0x38;
	[tilespmem:$0x15740] =	vst v63  }
0x31: {  	s23 =	rddreg [dreg:$0xc]  }
0x32: {  	[tilespmem:s29], [sflag:$0x1] =	stream.linear.gather [hbm4b:s23+s6], $0x1900, $0x38;
	[tilespmem:$0x15740] =	vst v63  }
0x33: {  	s23 =	simm.s32 $0x0  }
.LBB2_2:
0x34: {  	s13 =	smov.u32 s23  }
0x35: {  	s23 =	sadd.s32 $0x1, s23;
	p0 =	seq.s32 s13, $0x18  }
0x36: {  	s12 =	sand.u32 @!p0 $0x1, s23  }
0x37: {  	p1 =	seq.s32 @!p0 s12, $0x1  }
0x38: {  	s12 =	simm.s32 @!p0 $0x1900;
	p1 =	por !p1, p0  }
0x39: {  	s14 =	smul.u32 @!p0 $0x190, s23;
	s12 =	simm.s32 @p1 $0x0  }
0x3a: {  	s16 =	simm.s32 @!p0 $0x190;
	s15 =	sadd.s32 @!p0 $0x4E20, s12  }
0x3b: {  	[tilespmem:s15], [sflag:$0x1] =	stream.indirect.gather @!p0 [hbm4b:s8+s16], $0x10, s14, s16, $0xb8;
	[tilespmem:$0x15740] =	vst v63  }
0x3c: {  	s17 =	sadd.s32 @!p0 $0x2710, s14;
	s14 =	sadd.s32 @!p0 s7, s14  }
0x3d: {  	s15 =	sor.u32 @!p0 $0x8020, s12;
	s14 =	sshll.u32 @!p0 s14, $0x1  }
0x3e: {  	[tilespmem:s15], [sflag:$0x1] =	stream.indirect.gather @!p0 [hbm4b:s9+s16], $0x10, s17, s16, $0xb8;
	[tilespmem:$0x15740] =	vst v63  }
0x3f: {  	s14 =	sand.u32 @!p0 $0x1FFFFFE0, s14  }
0x40: {  	s15 =	sadd.s32 @!p0 $0xB220, s12;
	s17 =	simm.s32 @!p0 $0x0;
	s16 =	sadd.s32 @!p0 s0, s14  }
0x41: {  	[tilespmem:s15], [sflag:$0x1] =	stream.linear.gather @!p0 [hbm4b:s16+s17], $0x1900, $0x38;
	[tilespmem:$0x15740] =	vst v63  }
0x42: {  	s12 =	sor.u32 @!p0 $0xE420, s12;
	s14 =	sadd.s32 @!p0 s10, s14  }
0x43: {  	[tilespmem:s12], [sflag:$0x1] =	stream.linear.gather @!p0 [hbm4b:s14+s17], $0x1900, $0x38;
	[tilespmem:$0x15740] =	vst v63  }
0x44: {  	_ =	swait.ge [sflag:s30], $0x1900  }
0x45: {  	[sflag:s30] =	ssyncset.done $0x0  }
0x46: {  	[sflag:s30] =	ssyncadd.s32 $0xFFFFE700  }
0x47: {  	_ =	swait.ge [sflag:s30], $0x1900  }
0x48: {  	[sflag:s30] =	ssyncset.done $0x0  }
0x49: {  	[sflag:s30] =	ssyncadd.s32 $0xFFFFE700  }
0x4a: {  	_ =	swait.ge [sflag:s30], $0x1900  }
0x4b: {  	s12 =	smul.u32 $0x190, s13;
	s13 =	sand.u32 $0x1, s13;
	[sflag:s30] =	ssyncset.done $0x0  }
0x4c: {  	p0 =	seq.s32 s13, $0x1;
	s13 =	simm.s32 $0x190;
	[sflag:s30] =	ssyncadd.s32 $0xFFFFE700  }
0x4d: {  	s13 =	simm.s32 @!p0 $0x0;
	_ =	swait.ge [sflag:s30], $0x1900  }
0x4e: {  	s15 =	simm.s32 $0xFFFFFFFE;
	v0 =	vmov s13;
	[sflag:s30] =	ssyncset.done $0x0  }
0x4f: {  	s16 =	simm.s32 $0x10;
	s14 =	sadd.s32 s7, s12;
	[tilespmem:$0x1FFF0] =	vst v0;
	[sflag:s30] =	ssyncadd.s32 $0xFFFFE700  }
.LBB2_3:
0x50: {  	v3 =	vld [tilespmem:$0x1FFF0];
	_ =	sdelay $0x2  }
0x51: {  	s17 =	sadd.s32 $0xFFFFFFF0, s16  }
0x52: {  	v0 =	vor.u32 s17, v50  }
0x53: {  	[tilespmem:$0x1FEF0] =	vst v0;
	v0 =	vadd.s32 v3, v0  }
0x54: {  	v22 =	vshll.u32 v0, $0x4;
	_ =	sdelay $0x4  }
0x55: {  	v0 =	vld.idx.msk [tilespmem:v22+s25+$0x0], $0xffff  }
0x56: {  	v1 =	vld.idx.msk [tilespmem:v22+s26+$0x0], $0xffff;
	_ =	sdelay $0x1  }
0x57: {  	v2 =	vld.idx.msk [tilespmem:v22+s28+$0x0], $0xffff;
	_ =	sdelay $0x2  }
0x58: {  	v0 =	vadd.f32 v1, v0;
	_ =	sdelay $0x1  }
0x59: {  	v0 =	vadd.f32 v2, v0;
	_ =	sdelay $0x1  }
0x5a: {  	v24 =	vsub.f32 $0.0e+00, v0;
	_ =	sdelay $0x1  }
0x5b: {  	v1 =	vmul.f32 $1.442695020e+00, v24;
	_ =	sdelay $0x1  }
0x5c: {  	(erf) = vpow2.f32 v1;
	_ =	sdelay $0x8  }
0x5d: {  	v1 =	vpop (erf)  }
0x5e: {  	v1 =	vadd.f32 $1.000000000e+00, v1;
	_ =	sdelay $0x1  }
0x5f: {  	(erf) = vrcp.f32 v1;
	_ =	sdelay $0x8  }
0x60: {  	v1 =	vpop (erf)  }
0x61: {  	v0 =	vmul.f32 v1, v0;
	_ =	sdelay $0x1  }
0x62: {  	[tilespmem:$0x1FD90] =	vst v0;
	v0 =	vsub.f32 $0.0e+00, v0;
	_ =	sdelay $0x1  }
0x63: {  	v0 =	vmul.f32 $1.442695020e+00, v0;
	_ =	sdelay $0x1  }
0x64: {  	(erf) = vpow2.f32 v0;
	_ =	sdelay $0x8  }
0x65: {  	v0 =	vpop (erf)  }
0x66: {  	v0 =	vadd.f32 $1.000000000e+00, v0  }
0x67: {  	v25 =	vor.u32 $0x1, v22  }
0x68: {  	(erf) = vrcp.f32 v0;
	_ =	sdelay $0x3  }
0x69: {  	v26 =	vld.idx.msk [tilespmem:v25+s25+$0x0], $0xffff  }
0x6a: {  	v27 =	vld.idx.msk [tilespmem:v25+s26+$0x0], $0xffff;
	_ =	sdelay $0x1  }
0x6b: {  	v2 =	vld.idx.msk [tilespmem:v25+s28+$0x0], $0xffff;
	_ =	sdelay $0x1  }
0x6c: {  	v0 =	vpop (erf)  }
0x6d: {  	[tilespmem:$0x1FDA0] =	vst v0;
	v0 =	vadd.f32 v27, v26;
	_ =	sdelay $0x1  }
0x6e: {  	v0 =	vadd.f32 v2, v0;
	_ =	sdelay $0x1  }
0x6f: {  	v28 =	vsub.f32 $0.0e+00, v0;
	_ =	sdelay $0x1  }
0x70: {  	v1 =	vmul.f32 $1.442695020e+00, v28;
	_ =	sdelay $0x1  }
0x71: {  	(erf) = vpow2.f32 v1;
	_ =	sdelay $0x8  }
0x72: {  	v1 =	vpop (erf)  }
0x73: {  	v1 =	vadd.f32 $1.000000000e+00, v1;
	_ =	sdelay $0x1  }
0x74: {  	(erf) = vrcp.f32 v1;
	_ =	sdelay $0x8  }
0x75: {  	v1 =	vpop (erf)  }
0x76: {  	v29 =	vor.u32 $0x2, v22;
	v0 =	vmul.f32 v1, v0;
	_ =	sdelay $0x1  }
0x77: {  	[tilespmem:$0x1FDB0] =	vst v0;
	v0 =	vsub.f32 $0.0e+00, v0;
	_ =	sdelay $0x1  }
0x78: {  	v0 =	vmul.f32 $1.442695020e+00, v0  }
0x79: {  	v30 =	vld.idx.msk [tilespmem:v29+s25+$0x0], $0xffff  }
0x7a: {  	v31 =	vld.idx.msk [tilespmem:v29+s26+$0x0], $0xffff;
	(erf) = vpow2.f32 v0;
	_ =	sdelay $0x1  }
0x7b: {  	v2 =	vld.idx.msk [tilespmem:v29+s28+$0x0], $0xffff;
	_ =	sdelay $0x2  }
0x7c: {  	v0 =	vadd.f32 v31, v30;
	_ =	sdelay $0x1  }
0x7d: {  	v0 =	vadd.f32 v2, v0;
	_ =	sdelay $0x1  }
0x7e: {  	v2 =	vsub.f32 $0.0e+00, v0;
	v32 =	vpop (erf)  }
0x7f: {  	v1 =	vadd.f32 $1.000000000e+00, v32  }
0x80: {  	v2 =	vmul.f32 $1.442695020e+00, v2  }
0x81: {  	(erf) = vrcp.f32 v1  }
0x82: {  	(erf) = vpow2.f32 v2;
	_ =	sdelay $0x7  }
0x83: {  	v1 =	vpop (erf)  }
0x84: {  	v33 =	vpop (erf)  }
0x85: {  	[tilespmem:$0x1FDC0] =	vst v1;
	v1 =	vadd.f32 $1.000000000e+00, v33;
	_ =	sdelay $0x1  }
0x86: {  	(erf) = vrcp.f32 v1;
	_ =	sdelay $0x8  }
0x87: {  	v1 =	vpop (erf)  }
0x88: {  	v34 =	vor.u32 $0x3, v22;
	v0 =	vmul.f32 v1, v0;
	_ =	sdelay $0x1  }
0x89: {  	[tilespmem:$0x1FDD0] =	vst v0;
	v0 =	vsub.f32 $0.0e+00, v0;
	_ =	sdelay $0x1  }
0x8a: {  	v0 =	vmul.f32 $1.442695020e+00, v0  }
0x8b: {  	v35 =	vld.idx.msk [tilespmem:v34+s25+$0x0], $0xffff  }
0x8c: {  	v36 =	vld.idx.msk [tilespmem:v34+s26+$0x0], $0xffff;
	(erf) = vpow2.f32 v0;
	_ =	sdelay $0x1  }
0x8d: {  	v2 =	vld.idx.msk [tilespmem:v34+s28+$0x0], $0xffff;
	_ =	sdelay $0x2  }
0x8e: {  	v0 =	vadd.f32 v36, v35;
	_ =	sdelay $0x1  }
0x8f: {  	v0 =	vadd.f32 v2, v0;
	_ =	sdelay $0x1  }
0x90: {  	v2 =	vsub.f32 $0.0e+00, v0;
	v37 =	vpop (erf)  }
0x91: {  	v1 =	vadd.f32 $1.000000000e+00, v37  }
0x92: {  	v2 =	vmul.f32 $1.442695020e+00, v2  }
0x93: {  	(erf) = vrcp.f32 v1  }
0x94: {  	(erf) = vpow2.f32 v2;
	_ =	sdelay $0x7  }
0x95: {  	v1 =	vpop (erf)  }
0x96: {  	v38 =	vpop (erf)  }
0x97: {  	[tilespmem:$0x1FDE0] =	vst v1;
	v1 =	vadd.f32 $1.000000000e+00, v38;
	_ =	sdelay $0x1  }
0x98: {  	(erf) = vrcp.f32 v1;
	_ =	sdelay $0x8  }
0x99: {  	v1 =	vpop (erf)  }
0x9a: {  	v39 =	vor.u32 $0x4, v22;
	v0 =	vmul.f32 v1, v0;
	_ =	sdelay $0x1  }
0x9b: {  	[tilespmem:$0x1FDF0] =	vst v0;
	v0 =	vsub.f32 $0.0e+00, v0;
	_ =	sdelay $0x1  }
0x9c: {  	v0 =	vmul.f32 $1.442695020e+00, v0  }
0x9d: {  	v40 =	vld.idx.msk [tilespmem:v39+s25+$0x0], $0xffff  }
0x9e: {  	v41 =	vld.idx.msk [tilespmem:v39+s26+$0x0], $0xffff;
	(erf) = vpow2.f32 v0;
	_ =	sdelay $0x1  }
0x9f: {  	v2 =	vld.idx.msk [tilespmem:v39+s28+$0x0], $0xffff;
	_ =	sdelay $0x2  }
0xa0: {  	v0 =	vadd.f32 v41, v40;
	_ =	sdelay $0x1  }
0xa1: {  	v0 =	vadd.f32 v2, v0;
	_ =	sdelay $0x1  }
0xa2: {  	v2 =	vsub.f32 $0.0e+00, v0;
	v42 =	vpop (erf)  }
0xa3: {  	v1 =	vadd.f32 $1.000000000e+00, v42  }
0xa4: {  	v2 =	vmul.f32 $1.442695020e+00, v2  }
0xa5: {  	(erf) = vrcp.f32 v1  }
0xa6: {  	(erf) = vpow2.f32 v2;
	_ =	sdelay $0x7  }
0xa7: {  	v1 =	vpop (erf)  }
0xa8: {  	v43 =	vpop (erf)  }
0xa9: {  	[tilespmem:$0x1FE00] =	vst v1;
	v1 =	vadd.f32 $1.000000000e+00, v43;
	_ =	sdelay $0x1  }
0xaa: {  	(erf) = vrcp.f32 v1;
	_ =	sdelay $0x8  }
0xab: {  	v1 =	vpop (erf)  }
0xac: {  	v44 =	vor.u32 $0x5, v22;
	v0 =	vmul.f32 v1, v0;
	_ =	sdelay $0x1  }
0xad: {  	[tilespmem:$0x1FE10] =	vst v0;
	v0 =	vsub.f32 $0.0e+00, v0;
	_ =	sdelay $0x1  }
0xae: {  	v0 =	vmul.f32 $1.442695020e+00, v0  }
0xaf: {  	v45 =	vld.idx.msk [tilespmem:v44+s25+$0x0], $0xffff  }
0xb0: {  	v46 =	vld.idx.msk [tilespmem:v44+s26+$0x0], $0xffff;
	(erf) = vpow2.f32 v0;
	_ =	sdelay $0x1  }
0xb1: {  	v2 =	vld.idx.msk [tilespmem:v44+s28+$0x0], $0xffff;
	_ =	sdelay $0x2  }
0xb2: {  	v0 =	vadd.f32 v46, v45;
	_ =	sdelay $0x1  }
0xb3: {  	v0 =	vadd.f32 v2, v0;
	_ =	sdelay $0x1  }
0xb4: {  	v2 =	vsub.f32 $0.0e+00, v0;
	v47 =	vpop (erf)  }
0xb5: {  	v1 =	vadd.f32 $1.000000000e+00, v47  }
0xb6: {  	v2 =	vmul.f32 $1.442695020e+00, v2  }
0xb7: {  	(erf) = vrcp.f32 v1  }
0xb8: {  	(erf) = vpow2.f32 v2;
	_ =	sdelay $0x7  }
0xb9: {  	v1 =	vpop (erf)  }
0xba: {  	v48 =	vpop (erf)  }
0xbb: {  	[tilespmem:$0x1FE20] =	vst v1;
	v1 =	vadd.f32 $1.000000000e+00, v48;
	_ =	sdelay $0x1  }
0xbc: {  	(erf) = vrcp.f32 v1;
	_ =	sdelay $0x8  }
0xbd: {  	v1 =	vpop (erf)  }
0xbe: {  	v49 =	vor.u32 $0x6, v22;
	v0 =	vmul.f32 v1, v0;
	_ =	sdelay $0x1  }
0xbf: {  	[tilespmem:$0x1FE30] =	vst v0;
	v0 =	vsub.f32 $0.0e+00, v0;
	_ =	sdelay $0x1  }
0xc0: {  	v0 =	vmul.f32 $1.442695020e+00, v0  }
0xc1: {  	v51 =	vld.idx.msk [tilespmem:v49+s25+$0x0], $0xffff  }
0xc2: {  	v52 =	vld.idx.msk [tilespmem:v49+s26+$0x0], $0xffff;
	(erf) = vpow2.f32 v0;
	_ =	sdelay $0x1  }
0xc3: {  	v2 =	vld.idx.msk [tilespmem:v49+s28+$0x0], $0xffff;
	_ =	sdelay $0x2  }
0xc4: {  	v0 =	vadd.f32 v52, v51;
	_ =	sdelay $0x1  }
0xc5: {  	[tilespmem:$0x1FF10] =	vst v25;
	v0 =	vadd.f32 v2, v0  }
0xc6: {  	[tilespmem:$0x1FF20] =	vst v29  }
0xc7: {  	[tilespmem:$0x1FF30] =	vst v34;
	v2 =	vsub.f32 $0.0e+00, v0;
	v53 =	vpop (erf)  }
0xc8: {  	[tilespmem:$0x1FF40] =	vst v39;
	v1 =	vadd.f32 $1.000000000e+00, v53  }
0xc9: {  	[tilespmem:$0x1FF50] =	vst v44;
	v2 =	vmul.f32 $1.442695020e+00, v2  }
0xca: {  	[tilespmem:$0x1FF60] =	vst v49;
	(erf) = vrcp.f32 v1  }
0xcb: {  	(erf) = vpow2.f32 v2;
	_ =	sdelay $0x7  }
0xcc: {  	v1 =	vpop (erf)  }
0xcd: {  	v54 =	vpop (erf)  }
0xce: {  	[tilespmem:$0x1FE40] =	vst v1;
	v1 =	vadd.f32 $1.000000000e+00, v54;
	_ =	sdelay $0x1  }
0xcf: {  	(erf) = vrcp.f32 v1;
	_ =	sdelay $0x8  }
0xd0: {  	v1 =	vpop (erf)  }
0xd1: {  	v55 =	vor.u32 $0x7, v22;
	v48 =	vmul.f32 v1, v0;
	_ =	sdelay $0x1  }
0xd2: {  	v0 =	vsub.f32 $0.0e+00, v48;
	_ =	sdelay $0x1  }
0xd3: {  	v0 =	vmul.f32 $1.442695020e+00, v0  }
0xd4: {  	v56 =	vld.idx.msk [tilespmem:v55+s25+$0x0], $0xffff  }
0xd5: {  	v57 =	vld.idx.msk [tilespmem:v55+s26+$0x0], $0xffff;
	(erf) = vpow2.f32 v0;
	_ =	sdelay $0x1  }
0xd6: {  	v2 =	vld.idx.msk [tilespmem:v55+s28+$0x0], $0xffff;
	_ =	sdelay $0x2  }
0xd7: {  	v0 =	vadd.f32 v57, v56;
	_ =	sdelay $0x1  }
0xd8: {  	v0 =	vadd.f32 v2, v0;
	_ =	sdelay $0x1  }
0xd9: {  	v2 =	vsub.f32 $0.0e+00, v0;
	v58 =	vpop (erf)  }
0xda: {  	v1 =	vadd.f32 $1.000000000e+00, v58  }
0xdb: {  	v2 =	vmul.f32 $1.442695020e+00, v2  }
0xdc: {  	(erf) = vrcp.f32 v1  }
0xdd: {  	(erf) = vpow2.f32 v2;
	_ =	sdelay $0x7  }
0xde: {  	v1 =	vpop (erf)  }
0xdf: {  	v59 =	vpop (erf)  }
0xe0: {  	[tilespmem:$0x1FE50] =	vst v1;
	v1 =	vadd.f32 $1.000000000e+00, v59;
	_ =	sdelay $0x1  }
0xe1: {  	(erf) = vrcp.f32 v1;
	_ =	sdelay $0x8  }
0xe2: {  	v1 =	vpop (erf)  }
0xe3: {  	v60 =	vor.u32 $0x8, v22;
	v43 =	vmul.f32 v1, v0;
	_ =	sdelay $0x1  }
0xe4: {  	v0 =	vsub.f32 $0.0e+00, v43;
	_ =	sdelay $0x1  }
0xe5: {  	v0 =	vmul.f32 $1.442695020e+00, v0  }
0xe6: {  	v61 =	vld.idx.msk [tilespmem:v60+s25+$0x0], $0xffff  }
0xe7: {  	v62 =	vld.idx.msk [tilespmem:v60+s26+$0x0], $0xffff;
	(erf) = vpow2.f32 v0;
	_ =	sdelay $0x1  }
0xe8: {  	v2 =	vld.idx.msk [tilespmem:v60+s28+$0x0], $0xffff;
	_ =	sdelay $0x2  }
0xe9: {  	v0 =	vadd.f32 v62, v61;
	_ =	sdelay $0x1  }
0xea: {  	v0 =	vadd.f32 v2, v0;
	_ =	sdelay $0x1  }
0xeb: {  	v2 =	vsub.f32 $0.0e+00, v0;
	v63 =	vpop (erf)  }
0xec: {  	v1 =	vadd.f32 $1.000000000e+00, v63  }
0xed: {  	v2 =	vmul.f32 $1.442695020e+00, v2  }
0xee: {  	(erf) = vrcp.f32 v1  }
0xef: {  	(erf) = vpow2.f32 v2;
	_ =	sdelay $0x7  }
0xf0: {  	v1 =	vpop (erf)  }
0xf1: {  	v4 =	vpop (erf)  }
0xf2: {  	[tilespmem:$0x1FE60] =	vst v1;
	v1 =	vadd.f32 $1.000000000e+00, v4;
	_ =	sdelay $0x1  }
0xf3: {  	(erf) = vrcp.f32 v1;
	_ =	sdelay $0x8  }
0xf4: {  	v1 =	vpop (erf)  }
0xf5: {  	v5 =	vor.u32 $0x9, v22;
	v42 =	vmul.f32 v1, v0;
	_ =	sdelay $0x1  }
0xf6: {  	v0 =	vsub.f32 $0.0e+00, v42;
	_ =	sdelay $0x1  }
0xf7: {  	v0 =	vmul.f32 $1.442695020e+00, v0  }
0xf8: {  	v6 =	vld.idx.msk [tilespmem:v5+s25+$0x0], $0xffff  }
0xf9: {  	v7 =	vld.idx.msk [tilespmem:v5+s26+$0x0], $0xffff;
	(erf) = vpow2.f32 v0;
	_ =	sdelay $0x1  }
0xfa: {  	v2 =	vld.idx.msk [tilespmem:v5+s28+$0x0], $0xffff;
	_ =	sdelay $0x2  }
0xfb: {  	v0 =	vadd.f32 v7, v6;
	_ =	sdelay $0x1  }
0xfc: {  	v0 =	vadd.f32 v2, v0;
	_ =	sdelay $0x1  }
0xfd: {  	v2 =	vsub.f32 $0.0e+00, v0;
	v8 =	vpop (erf)  }
0xfe: {  	v1 =	vadd.f32 $1.000000000e+00, v8  }
0xff: {  	v2 =	vmul.f32 $1.442695020e+00, v2  }
0x100: {  	(erf) = vrcp.f32 v1  }
0x101: {  	(erf) = vpow2.f32 v2;
	_ =	sdelay $0x7  }
0x102: {  	v1 =	vpop (erf)  }
0x103: {  	v9 =	vpop (erf)  }
0x104: {  	[tilespmem:$0x1FE70] =	vst v1;
	v1 =	vadd.f32 $1.000000000e+00, v9;
	_ =	sdelay $0x1  }
0x105: {  	(erf) = vrcp.f32 v1;
	_ =	sdelay $0x8  }
0x106: {  	v1 =	vpop (erf)  }
0x107: {  	v10 =	vor.u32 $0xA, v22;
	v41 =	vmul.f32 v1, v0;
	_ =	sdelay $0x1  }
0x108: {  	v0 =	vsub.f32 $0.0e+00, v41;
	_ =	sdelay $0x1  }
0x109: {  	v0 =	vmul.f32 $1.442695020e+00, v0  }
0x10a: {  	v11 =	vld.idx.msk [tilespmem:v10+s25+$0x0], $0xffff  }
0x10b: {  	v12 =	vld.idx.msk [tilespmem:v10+s26+$0x0], $0xffff;
	(erf) = vpow2.f32 v0;
	_ =	sdelay $0x1  }
0x10c: {  	v2 =	vld.idx.msk [tilespmem:v10+s28+$0x0], $0xffff;
	_ =	sdelay $0x2  }
0x10d: {  	v0 =	vadd.f32 v12, v11;
	_ =	sdelay $0x1  }
0x10e: {  	v0 =	vadd.f32 v2, v0;
	_ =	sdelay $0x1  }
0x10f: {  	v2 =	vsub.f32 $0.0e+00, v0;
	v13 =	vpop (erf)  }
0x110: {  	v1 =	vadd.f32 $1.000000000e+00, v13  }
0x111: {  	v2 =	vmul.f32 $1.442695020e+00, v2  }
0x112: {  	(erf) = vrcp.f32 v1  }
0x113: {  	(erf) = vpow2.f32 v2;
	_ =	sdelay $0x7  }
0x114: {  	v1 =	vpop (erf)  }
0x115: {  	v14 =	vpop (erf)  }
0x116: {  	[tilespmem:$0x1FE80] =	vst v1;
	v1 =	vadd.f32 $1.000000000e+00, v14;
	_ =	sdelay $0x1  }
0x117: {  	(erf) = vrcp.f32 v1;
	_ =	sdelay $0x8  }
0x118: {  	v1 =	vpop (erf)  }
0x119: {  	v15 =	vor.u32 $0xB, v22;
	v40 =	vmul.f32 v1, v0;
	_ =	sdelay $0x1  }
0x11a: {  	v0 =	vsub.f32 $0.0e+00, v40;
	_ =	sdelay $0x1  }
0x11b: {  	v0 =	vmul.f32 $1.442695020e+00, v0  }
0x11c: {  	v16 =	vld.idx.msk [tilespmem:v15+s25+$0x0], $0xffff  }
0x11d: {  	v17 =	vld.idx.msk [tilespmem:v15+s26+$0x0], $0xffff;
	(erf) = vpow2.f32 v0;
	_ =	sdelay $0x1  }
0x11e: {  	v2 =	vld.idx.msk [tilespmem:v15+s28+$0x0], $0xffff;
	_ =	sdelay $0x2  }
0x11f: {  	v0 =	vadd.f32 v17, v16;
	_ =	sdelay $0x1  }
0x120: {  	v0 =	vadd.f32 v2, v0;
	_ =	sdelay $0x1  }
0x121: {  	v2 =	vsub.f32 $0.0e+00, v0;
	v18 =	vpop (erf)  }
0x122: {  	v1 =	vadd.f32 $1.000000000e+00, v18  }
0x123: {  	v2 =	vmul.f32 $1.442695020e+00, v2  }
0x124: {  	(erf) = vrcp.f32 v1  }
0x125: {  	(erf) = vpow2.f32 v2;
	_ =	sdelay $0x7  }
0x126: {  	v1 =	vpop (erf)  }
0x127: {  	v19 =	vpop (erf)  }
0x128: {  	[tilespmem:$0x1FE90] =	vst v1;
	v1 =	vadd.f32 $1.000000000e+00, v19;
	_ =	sdelay $0x1  }
0x129: {  	(erf) = vrcp.f32 v1;
	_ =	sdelay $0x8  }
0x12a: {  	v1 =	vpop (erf)  }
0x12b: {  	v20 =	vor.u32 $0xC, v22;
	v39 =	vmul.f32 v1, v0;
	_ =	sdelay $0x1  }
0x12c: {  	v0 =	vsub.f32 $0.0e+00, v39;
	_ =	sdelay $0x1  }
0x12d: {  	v0 =	vmul.f32 $1.442695020e+00, v0  }
0x12e: {  	v21 =	vld.idx.msk [tilespmem:v20+s25+$0x0], $0xffff  }
0x12f: {  	v23 =	vld.idx.msk [tilespmem:v20+s26+$0x0], $0xffff;
	(erf) = vpow2.f32 v0;
	_ =	sdelay $0x1  }
0x130: {  	v2 =	vld.idx.msk [tilespmem:v20+s28+$0x0], $0xffff;
	_ =	sdelay $0x2  }
0x131: {  	v0 =	vadd.f32 v23, v21;
	_ =	sdelay $0x1  }
0x132: {  	v0 =	vadd.f32 v2, v0;
	_ =	sdelay $0x1  }
0x133: {  	v2 =	vsub.f32 $0.0e+00, v0;
	v24 =	vpop (erf)  }
0x134: {  	v1 =	vadd.f32 $1.000000000e+00, v24  }
0x135: {  	v2 =	vmul.f32 $1.442695020e+00, v2  }
0x136: {  	(erf) = vrcp.f32 v1  }
0x137: {  	(erf) = vpow2.f32 v2;
	_ =	sdelay $0x7  }
0x138: {  	v1 =	vpop (erf)  }
0x139: {  	v25 =	vpop (erf)  }
0x13a: {  	[tilespmem:$0x1FEA0] =	vst v1;
	v1 =	vadd.f32 $1.000000000e+00, v25;
	_ =	sdelay $0x1  }
0x13b: {  	(erf) = vrcp.f32 v1;
	_ =	sdelay $0x8  }
0x13c: {  	v1 =	vpop (erf)  }
0x13d: {  	v26 =	vor.u32 $0xD, v22;
	v38 =	vmul.f32 v1, v0;
	_ =	sdelay $0x1  }
0x13e: {  	v0 =	vsub.f32 $0.0e+00, v38;
	_ =	sdelay $0x1  }
0x13f: {  	v0 =	vmul.f32 $1.442695020e+00, v0  }
0x140: {  	v27 =	vld.idx.msk [tilespmem:v26+s25+$0x0], $0xffff  }
0x141: {  	v28 =	vld.idx.msk [tilespmem:v26+s26+$0x0], $0xffff;
	(erf) = vpow2.f32 v0;
	_ =	sdelay $0x1  }
0x142: {  	v2 =	vld.idx.msk [tilespmem:v26+s28+$0x0], $0xffff;
	_ =	sdelay $0x2  }
0x143: {  	v0 =	vadd.f32 v28, v27;
	_ =	sdelay $0x1  }
0x144: {  	v0 =	vadd.f32 v2, v0;
	_ =	sdelay $0x1  }
0x145: {  	v2 =	vsub.f32 $0.0e+00, v0;
	v29 =	vpop (erf)  }
0x146: {  	v1 =	vadd.f32 $1.000000000e+00, v29  }
0x147: {  	v2 =	vmul.f32 $1.442695020e+00, v2  }
0x148: {  	(erf) = vrcp.f32 v1  }
0x149: {  	(erf) = vpow2.f32 v2;
	_ =	sdelay $0x7  }
0x14a: {  	v1 =	vpop (erf)  }
0x14b: {  	v30 =	vpop (erf)  }
0x14c: {  	[tilespmem:$0x1FEB0] =	vst v1;
	v1 =	vadd.f32 $1.000000000e+00, v30;
	_ =	sdelay $0x1  }
0x14d: {  	(erf) = vrcp.f32 v1;
	_ =	sdelay $0x8  }
0x14e: {  	v1 =	vpop (erf)  }
0x14f: {  	[tilespmem:$0x1FF70] =	vst v55;
	v55 =	vor.u32 $0xE, v22;
	v37 =	vmul.f32 v1, v0;
	_ =	sdelay $0x1  }
0x150: {  	v0 =	vsub.f32 $0.0e+00, v37;
	_ =	sdelay $0x1  }
0x151: {  	v0 =	vmul.f32 $1.442695020e+00, v0  }
0x152: {  	v31 =	vld.idx.msk [tilespmem:v55+s25+$0x0], $0xffff  }
0x153: {  	v32 =	vld.idx.msk [tilespmem:v55+s26+$0x0], $0xffff;
	(erf) = vpow2.f32 v0;
	_ =	sdelay $0x1  }
0x154: {  	v33 =	vld.idx.msk [tilespmem:v55+s28+$0x0], $0xffff;
	_ =	sdelay $0x2  }
0x155: {  	v0 =	vadd.f32 v32, v31;
	_ =	sdelay $0x1  }
0x156: {  	v0 =	vadd.f32 v33, v0;
	_ =	sdelay $0x1  }
0x157: {  	v2 =	vsub.f32 $0.0e+00, v0;
	v34 =	vpop (erf)  }
0x158: {  	v1 =	vadd.f32 $1.000000000e+00, v34  }
0x159: {  	v2 =	vmul.f32 $1.442695020e+00, v2  }
0x15a: {  	(erf) = vrcp.f32 v1  }
0x15b: {  	(erf) = vpow2.f32 v2;
	_ =	sdelay $0x7  }
0x15c: {  	v1 =	vpop (erf)  }
0x15d: {  	v35 =	vpop (erf)  }
0x15e: {  	[tilespmem:$0x1FEC0] =	vst v1;
	v1 =	vadd.f32 $1.000000000e+00, v35;
	_ =	sdelay $0x1  }
0x15f: {  	(erf) = vrcp.f32 v1;
	_ =	sdelay $0x8  }
0x160: {  	v1 =	vpop (erf)  }
0x161: {  	v36 =	vor.u32 $0xF, v22;
	v35 =	vmul.f32 v1, v0;
	_ =	sdelay $0x1  }
0x162: {  	v0 =	vsub.f32 $0.0e+00, v35;
	_ =	sdelay $0x1  }
0x163: {  	v0 =	vmul.f32 $1.442695020e+00, v0  }
0x164: {  	v44 =	vld.idx.msk [tilespmem:v36+s25+$0x0], $0xffff  }
0x165: {  	v45 =	vld.idx.msk [tilespmem:v36+s26+$0x0], $0xffff;
	(erf) = vpow2.f32 v0;
	_ =	sdelay $0x1  }
0x166: {  	v2 =	vld.idx.msk [tilespmem:v36+s28+$0x0], $0xffff;
	_ =	sdelay $0x2  }
0x167: {  	v0 =	vadd.f32 v45, v44;
	_ =	sdelay $0x1  }
0x168: {  	v0 =	vadd.f32 v2, v0;
	_ =	sdelay $0x1  }
0x169: {  	v2 =	vsub.f32 $0.0e+00, v0;
	v46 =	vpop (erf)  }
0x16a: {  	v1 =	vadd.f32 $1.000000000e+00, v46  }
0x16b: {  	v2 =	vmul.f32 $1.442695020e+00, v2  }
0x16c: {  	(erf) = vrcp.f32 v1  }
0x16d: {  	(erf) = vpow2.f32 v2;
	_ =	sdelay $0x7  }
0x16e: {  	v1 =	vpop (erf)  }
0x16f: {  	v47 =	vpop (erf)  }
0x170: {  	[tilespmem:$0x1FED0] =	vst v1;
	v1 =	vadd.f32 $1.000000000e+00, v47;
	_ =	sdelay $0x1  }
0x171: {  	(erf) = vrcp.f32 v1;
	_ =	sdelay $0x7  }
0x172: {  	v49 =	vor.u32 s16, v50  }
0x173: {  	v2 =	vadd.s32 v3, v49;
	v1 =	vpop (erf)  }
0x174: {  	v46 =	vshll.u32 v2, $0x4;
	v34 =	vmul.f32 v1, v0;
	_ =	sdelay $0x1  }
0x175: {  	v0 =	vsub.f32 $0.0e+00, v34;
	_ =	sdelay $0x1  }
0x176: {  	v0 =	vmul.f32 $1.442695020e+00, v0  }
0x177: {  	v50 =	vld.idx.msk [tilespmem:v46+s25+$0x0], $0xffff  }
0x178: {  	v51 =	vld.idx.msk [tilespmem:v46+s26+$0x0], $0xffff;
	(erf) = vpow2.f32 v0;
	_ =	sdelay $0x1  }
0x179: {  	v2 =	vld.idx.msk [tilespmem:v46+s28+$0x0], $0xffff;
	_ =	sdelay $0x2  }
0x17a: {  	v0 =	vadd.f32 v51, v50;
	_ =	sdelay $0x1  }
0x17b: {  	v0 =	vadd.f32 v2, v0;
	_ =	sdelay $0x1  }
0x17c: {  	v2 =	vsub.f32 $0.0e+00, v0;
	v52 =	vpop (erf)  }
0x17d: {  	v1 =	vadd.f32 $1.000000000e+00, v52  }
0x17e: {  	v2 =	vmul.f32 $1.442695020e+00, v2  }
0x17f: {  	(erf) = vrcp.f32 v1  }
0x180: {  	(erf) = vpow2.f32 v2;
	_ =	sdelay $0x7  }
0x181: {  	v1 =	vpop (erf)  }
0x182: {  	v53 =	vpop (erf)  }
0x183: {  	[tilespmem:$0x1FEE0] =	vst v1;
	v1 =	vadd.f32 $1.000000000e+00, v53;
	_ =	sdelay $0x1  }
0x184: {  	(erf) = vrcp.f32 v1;
	_ =	sdelay $0x8  }
0x185: {  	v1 =	vpop (erf)  }
0x186: {  	[tilespmem:$0x1FFD0] =	vst v26;
	v47 =	vor.u32 $0x1, v46;
	v26 =	vmul.f32 v1, v0;
	_ =	sdelay $0x1  }
0x187: {  	v0 =	vsub.f32 $0.0e+00, v26;
	_ =	sdelay $0x1  }
0x188: {  	v0 =	vmul.f32 $1.442695020e+00, v0  }
0x189: {  	v54 =	vld.idx.msk [tilespmem:v47+s25+$0x0], $0xffff  }
0x18a: {  	v56 =	vld.idx.msk [tilespmem:v47+s26+$0x0], $0xffff;
	(erf) = vpow2.f32 v0;
	_ =	sdelay $0x1  }
0x18b: {  	v57 =	vld.idx.msk [tilespmem:v47+s28+$0x0], $0xffff;
	_ =	sdelay $0x2  }
0x18c: {  	v0 =	vadd.f32 v56, v54;
	_ =	sdelay $0x1  }
0x18d: {  	v0 =	vadd.f32 v57, v0;
	_ =	sdelay $0x1  }
0x18e: {  	v2 =	vsub.f32 $0.0e+00, v0;
	v58 =	vpop (erf)  }
0x18f: {  	v1 =	vadd.f32 $1.000000000e+00, v58  }
0x190: {  	v2 =	vmul.f32 $1.442695020e+00, v2  }
0x191: {  	(erf) = vrcp.f32 v1  }
0x192: {  	(erf) = vpow2.f32 v2;
	_ =	sdelay $0x7  }
0x193: {  	[tilespmem:$0x1FFE0] =	vst v36;
	v36 =	vpop (erf)  }
0x194: {  	v59 =	vpop (erf)  }
0x195: {  	v1 =	vadd.f32 $1.000000000e+00, v59;
	_ =	sdelay $0x1  }
0x196: {  	(erf) = vrcp.f32 v1;
	_ =	sdelay $0x8  }
0x197: {  	v1 =	vpop (erf)  }
0x198: {  	[tilespmem:$0x1FF00] =	vst v49;
	v49 =	vor.u32 $0x2, v46;
	v24 =	vmul.f32 v1, v0;
	_ =	sdelay $0x1  }
0x199: {  	v0 =	vsub.f32 $0.0e+00, v24;
	_ =	sdelay $0x1  }
0x19a: {  	v0 =	vmul.f32 $1.442695020e+00, v0  }
0x19b: {  	[tilespmem:$0x1FF80] =	vst v60;
	v60 =	vld.idx.msk [tilespmem:v49+s25+$0x0], $0xffff  }
0x19c: {  	v61 =	vld.idx.msk [tilespmem:v49+s26+$0x0], $0xffff;
	(erf) = vpow2.f32 v0;
	_ =	sdelay $0x1  }
0x19d: {  	v62 =	vld.idx.msk [tilespmem:v49+s28+$0x0], $0xffff;
	_ =	sdelay $0x2  }
0x19e: {  	v0 =	vadd.f32 v61, v60;
	_ =	sdelay $0x1  }
0x19f: {  	v0 =	vadd.f32 v62, v0;
	_ =	sdelay $0x1  }
0x1a0: {  	v2 =	vsub.f32 $0.0e+00, v0;
	v63 =	vpop (erf)  }
0x1a1: {  	v1 =	vadd.f32 $1.000000000e+00, v63  }
0x1a2: {  	v2 =	vmul.f32 $1.442695020e+00, v2  }
0x1a3: {  	(erf) = vrcp.f32 v1  }
0x1a4: {  	(erf) = vpow2.f32 v2;
	_ =	sdelay $0x7  }
0x1a5: {  	v33 =	vpop (erf)  }
0x1a6: {  	v4 =	vpop (erf)  }
0x1a7: {  	v1 =	vadd.f32 $1.000000000e+00, v4;
	_ =	sdelay $0x1  }
0x1a8: {  	(erf) = vrcp.f32 v1;
	_ =	sdelay $0x8  }
0x1a9: {  	v1 =	vpop (erf)  }
0x1aa: {  	v50 =	vor.u32 $0x3, v46;
	v21 =	vmul.f32 v1, v0;
	_ =	sdelay $0x1  }
0x1ab: {  	v0 =	vsub.f32 $0.0e+00, v21;
	_ =	sdelay $0x1  }
0x1ac: {  	v0 =	vmul.f32 $1.442695020e+00, v0  }
0x1ad: {  	[tilespmem:$0x1FF90] =	vst v5;
	v5 =	vld.idx.msk [tilespmem:v50+s25+$0x0], $0xffff  }
0x1ae: {  	v6 =	vld.idx.msk [tilespmem:v50+s26+$0x0], $0xffff;
	(erf) = vpow2.f32 v0;
	_ =	sdelay $0x1  }
0x1af: {  	v7 =	vld.idx.msk [tilespmem:v50+s28+$0x0], $0xffff;
	_ =	sdelay $0x2  }
0x1b0: {  	v0 =	vadd.f32 v6, v5;
	_ =	sdelay $0x1  }
0x1b1: {  	v0 =	vadd.f32 v7, v0;
	_ =	sdelay $0x1  }
0x1b2: {  	v2 =	vsub.f32 $0.0e+00, v0;
	v8 =	vpop (erf)  }
0x1b3: {  	v1 =	vadd.f32 $1.000000000e+00, v8  }
0x1b4: {  	v2 =	vmul.f32 $1.442695020e+00, v2  }
0x1b5: {  	(erf) = vrcp.f32 v1  }
0x1b6: {  	(erf) = vpow2.f32 v2;
	_ =	sdelay $0x7  }
0x1b7: {  	v31 =	vpop (erf)  }
0x1b8: {  	v9 =	vpop (erf)  }
0x1b9: {  	v1 =	vadd.f32 $1.000000000e+00, v9;
	_ =	sdelay $0x1  }
0x1ba: {  	(erf) = vrcp.f32 v1;
	_ =	sdelay $0x8  }
0x1bb: {  	v1 =	vpop (erf)  }
0x1bc: {  	v51 =	vor.u32 $0x4, v46;
	v25 =	vmul.f32 v1, v0;
	_ =	sdelay $0x1  }
0x1bd: {  	v0 =	vsub.f32 $0.0e+00, v25;
	_ =	sdelay $0x1  }
0x1be: {  	v0 =	vmul.f32 $1.442695020e+00, v0  }
0x1bf: {  	[tilespmem:$0x1FFA0] =	vst v10;
	v10 =	vld.idx.msk [tilespmem:v51+s25+$0x0], $0xffff  }
0x1c0: {  	v11 =	vld.idx.msk [tilespmem:v51+s26+$0x0], $0xffff;
	(erf) = vpow2.f32 v0;
	_ =	sdelay $0x1  }
0x1c1: {  	v12 =	vld.idx.msk [tilespmem:v51+s28+$0x0], $0xffff;
	_ =	sdelay $0x2  }
0x1c2: {  	v0 =	vadd.f32 v11, v10;
	_ =	sdelay $0x1  }
0x1c3: {  	v0 =	vadd.f32 v12, v0;
	_ =	sdelay $0x1  }
0x1c4: {  	v2 =	vsub.f32 $0.0e+00, v0;
	v13 =	vpop (erf)  }
0x1c5: {  	v1 =	vadd.f32 $1.000000000e+00, v13  }
0x1c6: {  	v2 =	vmul.f32 $1.442695020e+00, v2  }
0x1c7: {  	(erf) = vrcp.f32 v1  }
0x1c8: {  	(erf) = vpow2.f32 v2;
	_ =	sdelay $0x7  }
0x1c9: {  	v32 =	vpop (erf)  }
0x1ca: {  	v14 =	vpop (erf)  }
0x1cb: {  	v1 =	vadd.f32 $1.000000000e+00, v14;
	_ =	sdelay $0x1  }
0x1cc: {  	(erf) = vrcp.f32 v1;
	_ =	sdelay $0x8  }
0x1cd: {  	v1 =	vpop (erf)  }
0x1ce: {  	[tilespmem:$0x1FFC0] =	vst v20;
	v52 =	vor.u32 $0x5, v46;
	v20 =	vmul.f32 v1, v0;
	_ =	sdelay $0x1  }
0x1cf: {  	v0 =	vsub.f32 $0.0e+00, v20;
	_ =	sdelay $0x1  }
0x1d0: {  	v0 =	vmul.f32 $1.442695020e+00, v0  }
0x1d1: {  	[tilespmem:$0x1FFB0] =	vst v15;
	v15 =	vld.idx.msk [tilespmem:v52+s25+$0x0], $0xffff  }
0x1d2: {  	v16 =	vld.idx.msk [tilespmem:v52+s26+$0x0], $0xffff;
	(erf) = vpow2.f32 v0;
	_ =	sdelay $0x1  }
0x1d3: {  	v17 =	vld.idx.msk [tilespmem:v52+s28+$0x0], $0xffff;
	_ =	sdelay $0x2  }
0x1d4: {  	v0 =	vadd.f32 v16, v15;
	_ =	sdelay $0x1  }
0x1d5: {  	v0 =	vadd.f32 v17, v0;
	_ =	sdelay $0x1  }
0x1d6: {  	v2 =	vsub.f32 $0.0e+00, v0;
	v18 =	vpop (erf)  }
0x1d7: {  	v1 =	vadd.f32 $1.000000000e+00, v18  }
0x1d8: {  	v2 =	vmul.f32 $1.442695020e+00, v2  }
0x1d9: {  	(erf) = vrcp.f32 v1  }
0x1da: {  	(erf) = vpow2.f32 v2;
	_ =	sdelay $0x7  }
0x1db: {  	v30 =	vpop (erf)  }
0x1dc: {  	v19 =	vpop (erf)  }
0x1dd: {  	v1 =	vadd.f32 $1.000000000e+00, v19;
	_ =	sdelay $0x1  }
0x1de: {  	(erf) = vrcp.f32 v1;
	_ =	sdelay $0x8  }
0x1df: {  	v1 =	vpop (erf)  }
0x1e0: {  	v53 =	vor.u32 $0x6, v46;
	v18 =	vmul.f32 v1, v0;
	_ =	sdelay $0x1  }
0x1e1: {  	v0 =	vsub.f32 $0.0e+00, v18;
	_ =	sdelay $0x1  }
0x1e2: {  	v0 =	vmul.f32 $1.442695020e+00, v0  }
0x1e3: {  	v23 =	vld.idx.msk [tilespmem:v53+s25+$0x0], $0xffff  }
0x1e4: {  	v27 =	vld.idx.msk [tilespmem:v53+s26+$0x0], $0xffff;
	(erf) = vpow2.f32 v0;
	_ =	sdelay $0x1  }
0x1e5: {  	v28 =	vld.idx.msk [tilespmem:v53+s28+$0x0], $0xffff;
	_ =	sdelay $0x2  }
0x1e6: {  	v0 =	vadd.f32 v27, v23;
	_ =	sdelay $0x1  }
0x1e7: {  	v0 =	vadd.f32 v28, v0;
	_ =	sdelay $0x1  }
0x1e8: {  	v2 =	vsub.f32 $0.0e+00, v0;
	v29 =	vpop (erf)  }
0x1e9: {  	v1 =	vadd.f32 $1.000000000e+00, v29  }
0x1ea: {  	v2 =	vmul.f32 $1.442695020e+00, v2  }
0x1eb: {  	(erf) = vrcp.f32 v1  }
0x1ec: {  	(erf) = vpow2.f32 v2;
	_ =	sdelay $0x7  }
0x1ed: {  	v29 =	vpop (erf)  }
0x1ee: {  	v44 =	vpop (erf)  }
0x1ef: {  	v1 =	vadd.f32 $1.000000000e+00, v44;
	_ =	sdelay $0x1  }
0x1f0: {  	(erf) = vrcp.f32 v1;
	_ =	sdelay $0x8  }
0x1f1: {  	v1 =	vpop (erf)  }
0x1f2: {  	v54 =	vor.u32 $0x7, v46;
	v17 =	vmul.f32 v1, v0;
	_ =	sdelay $0x1  }
0x1f3: {  	v0 =	vsub.f32 $0.0e+00, v17;
	_ =	sdelay $0x1  }
0x1f4: {  	v0 =	vmul.f32 $1.442695020e+00, v0  }
0x1f5: {  	v45 =	vld.idx.msk [tilespmem:v54+s25+$0x0], $0xffff  }
0x1f6: {  	v56 =	vld.idx.msk [tilespmem:v54+s26+$0x0], $0xffff;
	(erf) = vpow2.f32 v0;
	_ =	sdelay $0x1  }
0x1f7: {  	v57 =	vld.idx.msk [tilespmem:v54+s28+$0x0], $0xffff;
	_ =	sdelay $0x2  }
0x1f8: {  	v0 =	vadd.f32 v56, v45;
	_ =	sdelay $0x1  }
0x1f9: {  	v0 =	vadd.f32 v57, v0;
	_ =	sdelay $0x1  }
0x1fa: {  	v2 =	vsub.f32 $0.0e+00, v0;
	v58 =	vpop (erf)  }
0x1fb: {  	v1 =	vadd.f32 $1.000000000e+00, v58  }
0x1fc: {  	v2 =	vmul.f32 $1.442695020e+00, v2  }
0x1fd: {  	(erf) = vrcp.f32 v1  }
0x1fe: {  	(erf) = vpow2.f32 v2;
	_ =	sdelay $0x7  }
0x1ff: {  	v28 =	vpop (erf)  }
0x200: {  	v59 =	vpop (erf)  }
0x201: {  	v1 =	vadd.f32 $1.000000000e+00, v59;
	_ =	sdelay $0x1  }
0x202: {  	(erf) = vrcp.f32 v1;
	_ =	sdelay $0x8  }
0x203: {  	v1 =	vpop (erf)  }
0x204: {  	v56 =	vor.u32 $0x8, v46;
	v15 =	vmul.f32 v1, v0;
	_ =	sdelay $0x1  }
0x205: {  	v0 =	vsub.f32 $0.0e+00, v15;
	_ =	sdelay $0x1  }
0x206: {  	v0 =	vmul.f32 $1.442695020e+00, v0  }
0x207: {  	v60 =	vld.idx.msk [tilespmem:v56+s25+$0x0], $0xffff  }
0x208: {  	v61 =	vld.idx.msk [tilespmem:v56+s26+$0x0], $0xffff;
	(erf) = vpow2.f32 v0;
	_ =	sdelay $0x1  }
0x209: {  	v62 =	vld.idx.msk [tilespmem:v56+s28+$0x0], $0xffff;
	_ =	sdelay $0x2  }
0x20a: {  	v0 =	vadd.f32 v61, v60;
	_ =	sdelay $0x1  }
0x20b: {  	v0 =	vadd.f32 v62, v0;
	_ =	sdelay $0x1  }
0x20c: {  	v2 =	vsub.f32 $0.0e+00, v0;
	v63 =	vpop (erf)  }
0x20d: {  	v1 =	vadd.f32 $1.000000000e+00, v63  }
0x20e: {  	v2 =	vmul.f32 $1.442695020e+00, v2  }
0x20f: {  	(erf) = vrcp.f32 v1  }
0x210: {  	(erf) = vpow2.f32 v2;
	_ =	sdelay $0x7  }
0x211: {  	v27 =	vpop (erf)  }
0x212: {  	v4 =	vpop (erf)  }
0x213: {  	v1 =	vadd.f32 $1.000000000e+00, v4;
	_ =	sdelay $0x1  }
0x214: {  	(erf) = vrcp.f32 v1;
	_ =	sdelay $0x8  }
0x215: {  	v1 =	vpop (erf)  }
0x216: {  	v57 =	vor.u32 $0x9, v46;
	v13 =	vmul.f32 v1, v0;
	_ =	sdelay $0x1  }
0x217: {  	v0 =	vsub.f32 $0.0e+00, v13;
	_ =	sdelay $0x1  }
0x218: {  	v0 =	vmul.f32 $1.442695020e+00, v0  }
0x219: {  	v5 =	vld.idx.msk [tilespmem:v57+s25+$0x0], $0xffff  }
0x21a: {  	v6 =	vld.idx.msk [tilespmem:v57+s26+$0x0], $0xffff;
	(erf) = vpow2.f32 v0;
	_ =	sdelay $0x1  }
0x21b: {  	v7 =	vld.idx.msk [tilespmem:v57+s28+$0x0], $0xffff;
	_ =	sdelay $0x2  }
0x21c: {  	v0 =	vadd.f32 v6, v5;
	_ =	sdelay $0x1  }
0x21d: {  	v0 =	vadd.f32 v7, v0;
	_ =	sdelay $0x1  }
0x21e: {  	v2 =	vsub.f32 $0.0e+00, v0;
	v8 =	vpop (erf)  }
0x21f: {  	v1 =	vadd.f32 $1.000000000e+00, v8  }
0x220: {  	v2 =	vmul.f32 $1.442695020e+00, v2  }
0x221: {  	(erf) = vrcp.f32 v1  }
0x222: {  	(erf) = vpow2.f32 v2;
	_ =	sdelay $0x7  }
0x223: {  	v23 =	vpop (erf)  }
0x224: {  	v9 =	vpop (erf)  }
0x225: {  	v1 =	vadd.f32 $1.000000000e+00, v9;
	_ =	sdelay $0x1  }
0x226: {  	(erf) = vrcp.f32 v1;
	_ =	sdelay $0x8  }
0x227: {  	v1 =	vpop (erf)  }
0x228: {  	v58 =	vor.u32 $0xA, v46;
	v12 =	vmul.f32 v1, v0;
	_ =	sdelay $0x1  }
0x229: {  	v0 =	vsub.f32 $0.0e+00, v12;
	_ =	sdelay $0x1  }
0x22a: {  	v0 =	vmul.f32 $1.442695020e+00, v0  }
0x22b: {  	v10 =	vld.idx.msk [tilespmem:v58+s25+$0x0], $0xffff  }
0x22c: {  	v11 =	vld.idx.msk [tilespmem:v58+s26+$0x0], $0xffff;
	(erf) = vpow2.f32 v0;
	_ =	sdelay $0x1  }
0x22d: {  	v5 =	vld.idx.msk [tilespmem:v58+s28+$0x0], $0xffff;
	_ =	sdelay $0x2  }
0x22e: {  	v0 =	vadd.f32 v11, v10;
	_ =	sdelay $0x1  }
0x22f: {  	v0 =	vadd.f32 v5, v0;
	_ =	sdelay $0x1  }
0x230: {  	v5 =	vsub.f32 $0.0e+00, v0;
	v14 =	vpop (erf)  }
0x231: {  	v1 =	vadd.f32 $1.000000000e+00, v14  }
0x232: {  	v5 =	vmul.f32 $1.442695020e+00, v5  }
0x233: {  	(erf) = vrcp.f32 v1  }
0x234: {  	(erf) = vpow2.f32 v5;
	_ =	sdelay $0x7  }
0x235: {  	v19 =	vpop (erf)  }
0x236: {  	v16 =	vpop (erf)  }
0x237: {  	v1 =	vadd.f32 $1.000000000e+00, v16;
	_ =	sdelay $0x1  }
0x238: {  	(erf) = vrcp.f32 v1;
	_ =	sdelay $0x8  }
0x239: {  	v1 =	vpop (erf)  }
0x23a: {  	v59 =	vor.u32 $0xB, v46;
	v10 =	vmul.f32 v1, v0;
	_ =	sdelay $0x1  }
0x23b: {  	v0 =	vsub.f32 $0.0e+00, v10;
	_ =	sdelay $0x1  }
0x23c: {  	v0 =	vmul.f32 $1.442695020e+00, v0  }
0x23d: {  	v44 =	vld.idx.msk [tilespmem:v59+s25+$0x0], $0xffff  }
0x23e: {  	v45 =	vld.idx.msk [tilespmem:v59+s26+$0x0], $0xffff;
	(erf) = vpow2.f32 v0;
	_ =	sdelay $0x1  }
0x23f: {  	v60 =	vld.idx.msk [tilespmem:v59+s28+$0x0], $0xffff;
	_ =	sdelay $0x2  }
0x240: {  	v0 =	vadd.f32 v45, v44;
	_ =	sdelay $0x1  }
0x241: {  	v0 =	vadd.f32 v60, v0;
	_ =	sdelay $0x1  }
0x242: {  	v60 =	vsub.f32 $0.0e+00, v0;
	v2 =	vpop (erf)  }
0x243: {  	v5 =	vadd.f32 $1.000000000e+00, v2  }
0x244: {  	v60 =	vmul.f32 $1.442695020e+00, v60  }
0x245: {  	(erf) = vrcp.f32 v5  }
0x246: {  	(erf) = vpow2.f32 v60;
	_ =	sdelay $0x7  }
0x247: {  	v16 =	vpop (erf)  }
0x248: {  	v60 =	vpop (erf)  }
0x249: {  	v60 =	vadd.f32 $1.000000000e+00, v60;
	_ =	sdelay $0x1  }
0x24a: {  	(erf) = vrcp.f32 v60;
	_ =	sdelay $0x8  }
0x24b: {  	v60 =	vpop (erf)  }
0x24c: {  	v8 =	vmul.f32 v60, v0;
	v60 =	vor.u32 $0xC, v46;
	_ =	sdelay $0x1  }
0x24d: {  	v61 =	vsub.f32 $0.0e+00, v8;
	_ =	sdelay $0x1  }
0x24e: {  	v61 =	vmul.f32 $1.442695020e+00, v61  }
0x24f: {  	v62 =	vld.idx.msk [tilespmem:v60+s25+$0x0], $0xffff  }
0x250: {  	v6 =	vld.idx.msk [tilespmem:v60+s26+$0x0], $0xffff;
	(erf) = vpow2.f32 v61;
	_ =	sdelay $0x1  }
0x251: {  	v63 =	vld.idx.msk [tilespmem:v60+s28+$0x0], $0xffff;
	_ =	sdelay $0x2  }
0x252: {  	v61 =	vadd.f32 v6, v62;
	_ =	sdelay $0x1  }
0x253: {  	v61 =	vadd.f32 v63, v61;
	_ =	sdelay $0x1  }
0x254: {  	v63 =	vsub.f32 $0.0e+00, v61;
	v7 =	vpop (erf)  }
0x255: {  	v62 =	vadd.f32 $1.000000000e+00, v7  }
0x256: {  	v63 =	vmul.f32 $1.442695020e+00, v63  }
0x257: {  	(erf) = vrcp.f32 v62  }
0x258: {  	(erf) = vpow2.f32 v63;
	_ =	sdelay $0x7  }
0x259: {  	v14 =	vpop (erf)  }
0x25a: {  	v9 =	vpop (erf)  }
0x25b: {  	v62 =	vadd.f32 $1.000000000e+00, v9;
	_ =	sdelay $0x1  }
0x25c: {  	(erf) = vrcp.f32 v62;
	_ =	sdelay $0x8  }
0x25d: {  	v62 =	vpop (erf)  }
0x25e: {  	v7 =	vmul.f32 v62, v61;
	v61 =	vor.u32 $0xD, v46;
	_ =	sdelay $0x1  }
0x25f: {  	v62 =	vsub.f32 $0.0e+00, v7;
	_ =	sdelay $0x1  }
0x260: {  	v62 =	vmul.f32 $1.442695020e+00, v62  }
0x261: {  	v11 =	vld.idx.msk [tilespmem:v61+s25+$0x0], $0xffff  }
0x262: {  	v44 =	vld.idx.msk [tilespmem:v61+s26+$0x0], $0xffff;
	(erf) = vpow2.f32 v62;
	_ =	sdelay $0x1  }
0x263: {  	v45 =	vld.idx.msk [tilespmem:v61+s28+$0x0], $0xffff;
	_ =	sdelay $0x2  }
0x264: {  	v62 =	vadd.f32 v44, v11;
	_ =	sdelay $0x1  }
0x265: {  	v0 =	vadd.f32 v45, v62;
	_ =	sdelay $0x1  }
0x266: {  	v2 =	vsub.f32 $0.0e+00, v0;
	v1 =	vpop (erf)  }
0x267: {  	v62 =	vadd.f32 $1.000000000e+00, v1  }
0x268: {  	v63 =	vmul.f32 $1.442695020e+00, v2  }
0x269: {  	(erf) = vrcp.f32 v62  }
0x26a: {  	(erf) = vpow2.f32 v63;
	_ =	sdelay $0x7  }
0x26b: {  	v11 =	vpop (erf)  }
0x26c: {  	v3 =	vpop (erf)  }
0x26d: {  	v62 =	vadd.f32 $1.000000000e+00, v3;
	_ =	sdelay $0x1  }
0x26e: {  	(erf) = vrcp.f32 v62;
	_ =	sdelay $0x8  }
0x26f: {  	v62 =	vpop (erf)  }
0x270: {  	v5 =	vmul.f32 v62, v0;
	v62 =	vor.u32 $0xE, v46;
	_ =	sdelay $0x1  }
0x271: {  	v4 =	vsub.f32 $0.0e+00, v5;
	_ =	sdelay $0x1  }
0x272: {  	v63 =	vmul.f32 $1.442695020e+00, v4  }
0x273: {  	v6 =	vld.idx.msk [tilespmem:v62+s25+$0x0], $0xffff  }
0x274: {  	v9 =	vld.idx.msk [tilespmem:v62+s26+$0x0], $0xffff;
	(erf) = vpow2.f32 v63;
	_ =	sdelay $0x1  }
0x275: {  	v44 =	vld.idx.msk [tilespmem:v62+s28+$0x0], $0xffff;
	_ =	sdelay $0x2  }
0x276: {  	v1 =	vadd.f32 v9, v6;
	_ =	sdelay $0x1  }
0x277: {  	v0 =	vadd.f32 v44, v1;
	_ =	sdelay $0x1  }
0x278: {  	v4 =	vsub.f32 $0.0e+00, v0;
	v45 =	vpop (erf)  }
0x279: {  	v1 =	vadd.f32 $1.000000000e+00, v45  }
0x27a: {  	v63 =	vmul.f32 $1.442695020e+00, v4  }
0x27b: {  	(erf) = vrcp.f32 v1  }
0x27c: {  	(erf) = vpow2.f32 v63;
	_ =	sdelay $0x7  }
0x27d: {  	v9 =	vpop (erf)  }
0x27e: {  	v63 =	vpop (erf)  }
0x27f: {  	v63 =	vadd.f32 $1.000000000e+00, v63;
	_ =	sdelay $0x1  }
0x280: {  	(erf) = vrcp.f32 v63;
	_ =	sdelay $0x8  }
0x281: {  	v63 =	vpop (erf)  }
0x282: {  	v4 =	vmul.f32 v63, v0;
	v63 =	vor.u32 $0xF, v46;
	_ =	sdelay $0x1  }
0x283: {  	v45 =	vsub.f32 $0.0e+00, v4;
	_ =	sdelay $0x1  }
0x284: {  	v45 =	vmul.f32 $1.442695020e+00, v45  }
0x285: {  	v1 =	vld.idx.msk [tilespmem:v63+s25+$0x0], $0xffff  }
0x286: {  	v6 =	vld.idx.msk [tilespmem:v63+s26+$0x0], $0xffff;
	(erf) = vpow2.f32 v45;
	_ =	sdelay $0x1  }
0x287: {  	v44 =	vld.idx.msk [tilespmem:v63+s28+$0x0], $0xffff;
	_ =	sdelay $0x2  }
0x288: {  	v1 =	vadd.f32 v6, v1;
	_ =	sdelay $0x1  }
0x289: {  	v0 =	vadd.f32 v44, v1;
	_ =	sdelay $0x1  }
0x28a: {  	v6 =	vsub.f32 $0.0e+00, v0;
	v1 =	vpop (erf)  }
0x28b: {  	v1 =	vadd.f32 $1.000000000e+00, v1  }
0x28c: {  	v45 =	vmul.f32 $1.442695020e+00, v6  }
0x28d: {  	(erf) = vrcp.f32 v1  }
0x28e: {  	(erf) = vpow2.f32 v45;
	_ =	sdelay $0x7  }
0x28f: {  	v6 =	vpop (erf)  }
0x290: {  	v45 =	vpop (erf)  }
0x291: {  	v45 =	vadd.f32 $1.000000000e+00, v45  }
0x292: {  	v44 =	vld [tilespmem:$0x1FD90]  }
0x293: {  	(erf) = vrcp.f32 v45;
	v45 =	vld [tilespmem:$0x1FDA0];
	_ =	sdelay $0x3  }
0x294: {  	v1 =	vld [tilespmem:$0x1FDB0]  }
0x295: {  	v45 =	vmul.f32 v45, v44;
	v44 =	vld [tilespmem:$0x1FDC0];
	_ =	sdelay $0x3  }
0x296: {  	v3 =	vpop (erf)  }
0x297: {  	v2 =	vmul.f32 v44, v1;
	v1 =	vmul.f32 v3, v0;
	v3 =	vld [tilespmem:$0x1FDF0]  }
0x298: {  	v44 =	vld [tilespmem:$0x1FE00];
	_ =	sdelay $0x3  }
0x299: {  	v25 =	vmul.f32 v32, v25;
	v32 =	vld [tilespmem:$0x1FE10]  }
0x29a: {  	v3 =	vmul.f32 v44, v3;
	v44 =	vld [tilespmem:$0x1FE20]  }
0x29b: {  	v26 =	vmul.f32 v36, v26;
	v36 =	vld [tilespmem:$0x1FDE0]  }
0x29c: {  	v24 =	vmul.f32 v33, v24;
	v33 =	vld [tilespmem:$0x1FDD0];
	_ =	sdelay $0x1  }
0x29d: {  	v20 =	vmul.f32 v30, v20;
	v30 =	vld [tilespmem:$0x1FE30]  }
0x29e: {  	v32 =	vmul.f32 v44, v32;
	v44 =	vld [tilespmem:$0x1FE40];
	_ =	sdelay $0x1  }
0x29f: {  	v33 =	vmul.f32 v36, v33;
	v36 =	vadd.f32 v2, v45;
	_ =	sdelay $0x1  }
0x2a0: {  	v21 =	vmul.f32 v31, v21;
	v31 =	vsub.f32 $0.0e+00, v1;
	v36 =	vadd.f32 v33, v36  }
0x2a1: {  	v30 =	vmul.f32 v44, v30;
	v44 =	vld [tilespmem:$0x1FE50]  }
0x2a2: {  	v31 =	vmul.f32 $1.442695020e+00, v31;
	v36 =	vadd.f32 v3, v36  }
0x2a3: {  	v0 =	vadd.f32 v24, v26  }
0x2a4: {  	(erf) = vpow2.f32 v31;
	v31 =	vadd.f32 v32, v36  }
0x2a5: {  	v0 =	vadd.f32 v21, v0  }
0x2a6: {  	v36 =	vmul.f32 v44, v48;
	v48 =	vadd.f32 v30, v31  }
0x2a7: {  	v0 =	vadd.f32 v25, v0;
	v31 =	vld [tilespmem:$0x1FE60]  }
0x2a8: {  	v44 =	vadd.f32 v36, v48;
	v48 =	vld [tilespmem:$0x1FE70]  }
0x2a9: {  	v29 =	vmul.f32 v29, v18;
	v0 =	vadd.f32 v20, v0;
	_ =	sdelay $0x1  }
0x2aa: {  	v28 =	vmul.f32 v28, v17;
	v13 =	vmul.f32 v23, v13;
	v23 =	vld [tilespmem:$0x1FE80];
	v0 =	vadd.f32 v29, v0  }
0x2ab: {  	v31 =	vmul.f32 v31, v43  }
0x2ac: {  	v15 =	vmul.f32 v27, v15;
	v0 =	vadd.f32 v28, v0;
	v27 =	vmul.f32 v48, v42;
	v42 =	vld [tilespmem:$0x1FE90]  }
0x2ad: {  	v17 =	vadd.f32 v31, v44  }
0x2ae: {  	v0 =	vadd.f32 v15, v0  }
0x2af: {  	v23 =	vmul.f32 v23, v41;
	v43 =	vld [tilespmem:$0x1FEA0];
	v17 =	vadd.f32 v27, v17  }
0x2b0: {  	v12 =	vmul.f32 v19, v12;
	v0 =	vadd.f32 v13, v0;
	v41 =	vpop (erf)  }
0x2b1: {  	v18 =	vadd.f32 $1.000000000e+00, v41;
	v48 =	vld [tilespmem:$0x1FEB0];
	v17 =	vadd.f32 v23, v17;
	v40 =	vmul.f32 v42, v40  }
0x2b2: {  	v16 =	vmul.f32 v16, v10  }
0x2b3: {  	v0 =	vadd.f32 v12, v0;
	(erf) = vrcp.f32 v18;
	v44 =	vadd.f32 v40, v17;
	v17 =	vld [tilespmem:$0x1FEC0]  }
0x2b4: {  	v39 =	vmul.f32 v43, v39  }
0x2b5: {  	v8 =	vmul.f32 v14, v8;
	v0 =	vadd.f32 v16, v0;
	v18 =	vld [tilespmem:$0x1FED0]  }
0x2b6: {  	v14 =	vmul.f32 v48, v38;
	v10 =	vadd.f32 v39, v44  }
0x2b7: {  	v19 =	vld [tilespmem:$0x1FEE0];
	v7 =	vmul.f32 v11, v7;
	v0 =	vadd.f32 v8, v0  }
0x2b8: {  	v10 =	vadd.f32 v14, v10;
	v37 =	vmul.f32 v17, v37  }
0x2b9: {  	v5 =	vmul.f32 v9, v5;
	v0 =	vadd.f32 v7, v0  }
0x2ba: {  	v9 =	vmul.f32 v18, v35;
	v10 =	vadd.f32 v37, v10  }
0x2bb: {  	v4 =	vmul.f32 v6, v4;
	v0 =	vadd.f32 v5, v0  }
0x2bc: {  	v6 =	vmul.f32 v19, v34;
	v34 =	vpop (erf);
	v10 =	vadd.f32 v9, v10  }
0x2bd: {  	v0 =	vadd.f32 v4, v0;
	v1 =	vmul.f32 v34, v1  }
0x2be: {  	v10 =	vadd.f32 v6, v10  }
0x2bf: {  	v0 =	vadd.f32 v1, v0  }
0x2c0: {  	v34 =	vmul.f32 $6.250000000e-02, v10  }
0x2c1: {  	v0 =	vmul.f32 $6.250000000e-02, v0  }
0x2c2: {  	v10 =	vsub.f32 v45, v34;
	v18 =	vsub.f32 v2, v34  }
0x2c3: {  	v11 =	vsub.f32 v26, v0;
	v19 =	vsub.f32 v24, v0  }
0x2c4: {  	v48 =	vsub.f32 v33, v34;
	v35 =	vmul.f32 v10, v10;
	v38 =	vmul.f32 v18, v18  }
0x2c5: {  	v41 =	vmul.f32 v11, v11;
	v17 =	vsub.f32 v21, v0;
	v33 =	vmul.f32 v19, v19  }
0x2c6: {  	v44 =	vsub.f32 v3, v34;
	v2 =	vadd.f32 v38, v35;
	v35 =	vmul.f32 v48, v48  }
0x2c7: {  	v45 =	vsub.f32 v25, v0;
	v21 =	vadd.f32 v33, v41;
	v38 =	vmul.f32 v17, v17  }
0x2c8: {  	v42 =	vsub.f32 v32, v34;
	v33 =	vmul.f32 v44, v44;
	v2 =	vadd.f32 v2, v35  }
0x2c9: {  	v43 =	vsub.f32 v20, v0;
	v21 =	vadd.f32 v21, v38;
	v35 =	vmul.f32 v45, v45  }
0x2ca: {  	v20 =	vsub.f32 v30, v34;
	v38 =	vmul.f32 v42, v42;
	v2 =	vadd.f32 v2, v33  }
0x2cb: {  	v41 =	vsub.f32 v29, v0;
	v29 =	vmul.f32 v43, v43;
	v21 =	vadd.f32 v21, v35  }
0x2cc: {  	v30 =	vmul.f32 v20, v20;
	v2 =	vadd.f32 v2, v38;
	v38 =	vsub.f32 v36, v34  }
0x2cd: {  	v24 =	vsub.f32 v28, v0;
	v32 =	vmul.f32 v41, v41;
	v21 =	vadd.f32 v21, v29  }
0x2ce: {  	v36 =	vsub.f32 v31, v34;
	v2 =	vadd.f32 v2, v30;
	v33 =	vmul.f32 v38, v38  }
0x2cf: {  	v25 =	vsub.f32 v15, v0;
	v35 =	vmul.f32 v24, v24;
	v21 =	vadd.f32 v21, v32  }
0x2d0: {  	v26 =	vsub.f32 v27, v34;
	v27 =	vmul.f32 v36, v36;
	v2 =	vadd.f32 v2, v33  }
0x2d1: {  	v28 =	vmul.f32 v25, v25;
	v15 =	vadd.f32 v21, v35;
	v35 =	vsub.f32 v13, v0  }
0x2d2: {  	v29 =	vmul.f32 v26, v26;
	v21 =	vsub.f32 v23, v34;
	v2 =	vadd.f32 v2, v27  }
0x2d3: {  	v33 =	vsub.f32 v12, v0;
	v13 =	vadd.f32 v15, v28;
	v30 =	vmul.f32 v35, v35  }
0x2d4: {  	v23 =	vsub.f32 v40, v34;
	v31 =	vmul.f32 v21, v21;
	v2 =	vadd.f32 v2, v29  }
0x2d5: {  	v15 =	vsub.f32 v16, v0;
	v32 =	vmul.f32 v33, v33;
	v13 =	vadd.f32 v13, v30  }
0x2d6: {  	v12 =	vsub.f32 v39, v34;
	v39 =	vmul.f32 v23, v23;
	v2 =	vadd.f32 v2, v31  }
0x2d7: {  	v30 =	vmul.f32 v15, v15;
	v40 =	vadd.f32 v13, v32;
	v13 =	vsub.f32 v8, v0  }
0x2d8: {  	v16 =	vsub.f32 v14, v34;
	v31 =	vmul.f32 v12, v12;
	v2 =	vadd.f32 v2, v39  }
0x2d9: {  	v7 =	vsub.f32 v7, v0;
	v8 =	vadd.f32 v40, v30;
	v32 =	vmul.f32 v13, v13  }
0x2da: {  	v14 =	vsub.f32 v37, v34;
	v37 =	vmul.f32 v16, v16;
	v2 =	vadd.f32 v2, v31  }
0x2db: {  	v5 =	vsub.f32 v5, v0;
	v39 =	vmul.f32 v7, v7;
	v8 =	vadd.f32 v8, v32  }
0x2dc: {  	v31 =	vmul.f32 v14, v14;
	v40 =	vadd.f32 v2, v37;
	v2 =	vsub.f32 v9, v34  }
0x2dd: {  	v3 =	vsub.f32 v4, v0;
	v4 =	vsub.f32 v6, v34  }
0x2de: {  	v8 =	vadd.f32 v8, v39;
	v37 =	vadd.f32 v40, v31;
	v39 =	vmul.f32 v2, v2  }
0x2df: {  	v32 =	vmul.f32 v5, v5  }
0x2e0: {  	v28 =	vmul.f32 v4, v4;
	v6 =	vadd.f32 v37, v39  }
0x2e1: {  	v1 =	vsub.f32 v1, v0;
	v27 =	vmul.f32 v3, v3;
	v40 =	vadd.f32 v8, v32  }
0x2e2: {  	v6 =	vadd.f32 v6, v28  }
0x2e3: {  	v29 =	vmul.f32 v1, v1;
	v0 =	vadd.f32 v40, v27  }
0x2e4: {  	v6 =	vmul.f32 $6.250000000e-02, v6  }
0x2e5: {  	v0 =	vadd.f32 v0, v29  }
0x2e6: {  	v6 =	vadd.f32 $9.999999740e-06, v6  }
0x2e7: {  	v0 =	vmul.f32 $6.250000000e-02, v0  }
0x2e8: {  	v30 =	vshra.s32 v6, $0x1  }
0x2e9: {  	v0 =	vadd.f32 $9.999999740e-06, v0;
	v8 =	vsub.s32 $0x5F3759DF, v30  }
0x2ea: {  	v6 =	vmul.f32 $-5.000000000e-01, v6;
	v32 =	vmul.f32 v8, v8  }
0x2eb: {  	v31 =	vshra.s32 v0, $0x1  }
0x2ec: {  	v9 =	vsub.s32 $0x5F3759DF, v31;
	v27 =	vmul.f32 v32, v6  }
0x2ed: {  	v0 =	vmul.f32 $-5.000000000e-01, v0;
	v34 =	vmul.f32 v9, v9  }
0x2ee: {  	v27 =	vadd.f32 $1.500000000e+00, v27  }
0x2ef: {  	v28 =	vmul.f32 v34, v0  }
0x2f0: {  	v8 =	vmul.f32 v8, v27  }
0x2f1: {  	v28 =	vadd.f32 $1.500000000e+00, v28  }
0x2f2: {  	v27 =	vmul.f32 v8, v8  }
0x2f3: {  	v9 =	vmul.f32 v9, v28  }
0x2f4: {  	v27 =	vmul.f32 v27, v6  }
0x2f5: {  	v28 =	vmul.f32 v9, v9  }
0x2f6: {  	v27 =	vadd.f32 $1.500000000e+00, v27  }
0x2f7: {  	v28 =	vmul.f32 v28, v0  }
0x2f8: {  	v8 =	vmul.f32 v27, v8  }
0x2f9: {  	v28 =	vadd.f32 $1.500000000e+00, v28  }
0x2fa: {  	v39 =	vmul.f32 v8, v8  }
0x2fb: {  	v37 =	vmul.f32 v28, v9  }
0x2fc: {  	v6 =	vmul.f32 v39, v6  }
0x2fd: {  	v28 =	vmul.f32 v37, v37  }
0x2fe: {  	v31 =	vld [tilespmem:$0x1FEF0];
	v6 =	vadd.f32 $1.500000000e+00, v6  }
0x2ff: {  	v40 =	vld.msk [tilespmem:s20+$0x0], $0xffff;
	v0 =	vmul.f32 v28, v0  }
0x300: {  	v30 =	vld.msk [tilespmem:s22+$0x0], $0xffff;
	v9 =	vmul.f32 v6, v8  }
0x301: {  	v32 =	vld [tilespmem:$0x1FF00];
	v0 =	vadd.f32 $1.500000000e+00, v0  }
0x302: {  	v6 =	vmul.f32 v9, v10  }
0x303: {  	v8 =	vmul.f32 v0, v37;
	v10 =	vshll.u32 v31, $0x4  }
0x304: {  	v6 =	vmul.f32 v6, v40  }
0x305: {  	v27 =	vmul.f32 v8, v11  }
0x306: {  	v11 =	vshll.u32 v32, $0x4;
	v6 =	vadd.f32 v6, v30  }
0x307: {  	v27 =	vmul.f32 v27, v40  }
0x308: {  	[tilespmem:v10+s31+$0x0] =	vst.idx.msk $0xffff, v6  }
0x309: {  	v0 =	vadd.f32 v27, v30;
	v34 =	vld.idx.msk [tilespmem:v22+s29+$0x0], $0xffff;
	_ =	sdelay $0x1  }
0x30a: {  	[tilespmem:v11+s31+$0x0] =	vst.idx.msk $0xffff, v0  }
0x30b: {  	v39 =	vimm.s32 $0x1;
	v37 =	vld.idx.msk [tilespmem:v46+s29+$0x0], $0xffff;
	_ =	sdelay $0x1  }
0x30c: {  	v6 =	vadd.f32 v6, v34;
	_ =	sdelay $0x1  }
0x30d: {  	[tilespmem:v22+s29+$0x0] =	vst.idx.msk $0xffff, v6  }
0x30e: {  	v0 =	vadd.f32 v0, v37;
	v40 =	vld.idx.msk [tilespmem:v39+s20+$0x0], $0xffff  }
0x30f: {  	v37 =	vld [tilespmem:$0x1FF10]  }
0x310: {  	[tilespmem:v46+s29+$0x0] =	vst.idx.msk $0xffff, v0;
	v22 =	vld.idx.msk [tilespmem:v39+s22+$0x0], $0xffff  }
0x311: {  	v18 =	vmul.f32 v9, v18;
	v46 =	vld.idx.msk [tilespmem:v39+s20+$0x0], $0xffff  }
0x312: {  	v32 =	vor.u32 $0x1, v10  }
0x313: {  	v27 =	vld.idx.msk [tilespmem:v39+s22+$0x0], $0xffff;
	v0 =	vmul.f32 v18, v40  }
0x314: {  	v19 =	vmul.f32 v8, v19  }
0x315: {  	v34 =	vor.u32 $0x1, v11;
	v0 =	vadd.f32 v0, v22  }
0x316: {  	v6 =	vmul.f32 v19, v46  }
0x317: {  	[tilespmem:v32+s31+$0x0] =	vst.idx.msk $0xffff, v0  }
0x318: {  	v6 =	vadd.f32 v6, v27;
	v39 =	vld.idx.msk [tilespmem:v37+s29+$0x0], $0xffff;
	_ =	sdelay $0x1  }
0x319: {  	[tilespmem:v34+s31+$0x0] =	vst.idx.msk $0xffff, v6  }
0x31a: {  	v46 =	vimm.s32 $0x2;
	v40 =	vld.idx.msk [tilespmem:v47+s29+$0x0], $0xffff;
	_ =	sdelay $0x1  }
0x31b: {  	v0 =	vadd.f32 v0, v39;
	_ =	sdelay $0x1  }
0x31c: {  	[tilespmem:v37+s29+$0x0] =	vst.idx.msk $0xffff, v0  }
0x31d: {  	v6 =	vadd.f32 v6, v40;
	v0 =	vld.idx.msk [tilespmem:v46+s20+$0x0], $0xffff  }
0x31e: {  	v34 =	vld [tilespmem:$0x1FF20]  }
0x31f: {  	[tilespmem:v47+s29+$0x0] =	vst.idx.msk $0xffff, v6;
	v47 =	vld.idx.msk [tilespmem:v46+s22+$0x0], $0xffff  }
0x320: {  	v30 =	vmul.f32 v9, v48  }
0x321: {  	v31 =	vor.u32 $0x2, v10  }
0x322: {  	v6 =	vld.idx.msk [tilespmem:v46+s20+$0x0], $0xffff;
	v0 =	vmul.f32 v30, v0;
	_ =	sdelay $0x1  }
0x323: {  	v22 =	vld.idx.msk [tilespmem:v46+s22+$0x0], $0xffff;
	v0 =	vadd.f32 v0, v47  }
0x324: {  	v17 =	vmul.f32 v8, v17  }
0x325: {  	v32 =	vor.u32 $0x2, v11;
	[tilespmem:v31+s31+$0x0] =	vst.idx.msk $0xffff, v0  }
0x326: {  	v6 =	vmul.f32 v17, v6;
	v37 =	vld.idx.msk [tilespmem:v34+s29+$0x0], $0xffff;
	_ =	sdelay $0x1  }
0x327: {  	v6 =	vadd.f32 v6, v22  }
0x328: {  	v40 =	vimm.s32 $0x3  }
0x329: {  	[tilespmem:v32+s31+$0x0] =	vst.idx.msk $0xffff, v6  }
0x32a: {  	v39 =	vld.idx.msk [tilespmem:v49+s29+$0x0], $0xffff;
	v0 =	vadd.f32 v0, v37;
	_ =	sdelay $0x1  }
0x32b: {  	[tilespmem:v34+s29+$0x0] =	vst.idx.msk $0xffff, v0  }
0x32c: {  	v0 =	vld.idx.msk [tilespmem:v40+s20+$0x0], $0xffff  }
0x32d: {  	v30 =	vld [tilespmem:$0x1FF30]  }
0x32e: {  	v6 =	vadd.f32 v6, v39;
	v46 =	vld.idx.msk [tilespmem:v40+s22+$0x0], $0xffff  }
0x32f: {  	v47 =	vmul.f32 v9, v44  }
0x330: {  	v48 =	vor.u32 $0x3, v10;
	[tilespmem:v49+s29+$0x0] =	vst.idx.msk $0xffff, v6  }
0x331: {  	v6 =	vld.idx.msk [tilespmem:v40+s20+$0x0], $0xffff;
	v0 =	vmul.f32 v47, v0;
	_ =	sdelay $0x1  }
0x332: {  	v19 =	vld.idx.msk [tilespmem:v40+s22+$0x0], $0xffff;
	v0 =	vadd.f32 v0, v46  }
0x333: {  	v49 =	vmul.f32 v8, v45  }
0x334: {  	v29 =	vor.u32 $0x3, v11;
	[tilespmem:v48+s31+$0x0] =	vst.idx.msk $0xffff, v0  }
0x335: {  	v6 =	vmul.f32 v49, v6;
	v31 =	vld.idx.msk [tilespmem:v30+s29+$0x0], $0xffff;
	_ =	sdelay $0x1  }
0x336: {  	v6 =	vadd.f32 v6, v19  }
0x337: {  	v32 =	vimm.s32 $0x4  }
0x338: {  	[tilespmem:v29+s31+$0x0] =	vst.idx.msk $0xffff, v6  }
0x339: {  	v18 =	vld.idx.msk [tilespmem:v50+s29+$0x0], $0xffff;
	v0 =	vadd.f32 v0, v31;
	_ =	sdelay $0x1  }
0x33a: {  	[tilespmem:v30+s29+$0x0] =	vst.idx.msk $0xffff, v0  }
0x33b: {  	v0 =	vld.idx.msk [tilespmem:v32+s20+$0x0], $0xffff  }
0x33c: {  	v40 =	vmul.f32 v8, v43;
	v43 =	vld [tilespmem:$0x1FF40]  }
0x33d: {  	v6 =	vadd.f32 v6, v18;
	v34 =	vld.idx.msk [tilespmem:v32+s22+$0x0], $0xffff  }
0x33e: {  	v37 =	vmul.f32 v9, v42  }
0x33f: {  	v39 =	vor.u32 $0x4, v10;
	[tilespmem:v50+s29+$0x0] =	vst.idx.msk $0xffff, v6  }
0x340: {  	v6 =	vld.idx.msk [tilespmem:v32+s20+$0x0], $0xffff;
	v0 =	vmul.f32 v37, v0;
	_ =	sdelay $0x1  }
0x341: {  	v19 =	vld.idx.msk [tilespmem:v32+s22+$0x0], $0xffff;
	v0 =	vadd.f32 v0, v34;
	_ =	sdelay $0x1  }
0x342: {  	v42 =	vor.u32 $0x4, v11;
	[tilespmem:v39+s31+$0x0] =	vst.idx.msk $0xffff, v0  }
0x343: {  	v6 =	vmul.f32 v40, v6;
	v44 =	vld.idx.msk [tilespmem:v43+s29+$0x0], $0xffff;
	_ =	sdelay $0x1  }
0x344: {  	v6 =	vadd.f32 v6, v19  }
0x345: {  	v45 =	vimm.s32 $0x5  }
0x346: {  	[tilespmem:v42+s31+$0x0] =	vst.idx.msk $0xffff, v6  }
0x347: {  	v18 =	vld.idx.msk [tilespmem:v51+s29+$0x0], $0xffff;
	v0 =	vadd.f32 v0, v44;
	_ =	sdelay $0x1  }
0x348: {  	[tilespmem:v43+s29+$0x0] =	vst.idx.msk $0xffff, v0  }
0x349: {  	v0 =	vld.idx.msk [tilespmem:v45+s20+$0x0], $0xffff  }
0x34a: {  	v28 =	vld [tilespmem:$0x1FF50]  }
0x34b: {  	v6 =	vadd.f32 v6, v18;
	v46 =	vld.idx.msk [tilespmem:v45+s22+$0x0], $0xffff  }
0x34c: {  	v47 =	vmul.f32 v9, v20  }
0x34d: {  	v48 =	vor.u32 $0x5, v10;
	[tilespmem:v51+s29+$0x0] =	vst.idx.msk $0xffff, v6  }
0x34e: {  	v6 =	vld.idx.msk [tilespmem:v45+s20+$0x0], $0xffff;
	v0 =	vmul.f32 v47, v0;
	_ =	sdelay $0x1  }
0x34f: {  	v19 =	vld.idx.msk [tilespmem:v45+s22+$0x0], $0xffff;
	v0 =	vadd.f32 v0, v46  }
0x350: {  	v49 =	vmul.f32 v8, v41  }
0x351: {  	v27 =	vor.u32 $0x5, v11;
	[tilespmem:v48+s31+$0x0] =	vst.idx.msk $0xffff, v0  }
0x352: {  	v6 =	vmul.f32 v49, v6;
	v29 =	vld.idx.msk [tilespmem:v28+s29+$0x0], $0xffff;
	_ =	sdelay $0x1  }
0x353: {  	v6 =	vadd.f32 v6, v19  }
0x354: {  	v51 =	vimm.s32 $0x6  }
0x355: {  	[tilespmem:v27+s31+$0x0] =	vst.idx.msk $0xffff, v6  }
0x356: {  	v18 =	vld.idx.msk [tilespmem:v52+s29+$0x0], $0xffff;
	v0 =	vadd.f32 v0, v29;
	_ =	sdelay $0x1  }
0x357: {  	[tilespmem:v28+s29+$0x0] =	vst.idx.msk $0xffff, v0  }
0x358: {  	v0 =	vld.idx.msk [tilespmem:v51+s20+$0x0], $0xffff  }
0x359: {  	v39 =	vld [tilespmem:$0x1FF60]  }
0x35a: {  	v6 =	vadd.f32 v6, v18;
	v30 =	vld.idx.msk [tilespmem:v51+s22+$0x0], $0xffff  }
0x35b: {  	v31 =	vmul.f32 v9, v38  }
0x35c: {  	v34 =	vor.u32 $0x6, v10;
	[tilespmem:v52+s29+$0x0] =	vst.idx.msk $0xffff, v6  }
0x35d: {  	v6 =	vld.idx.msk [tilespmem:v51+s20+$0x0], $0xffff;
	v0 =	vmul.f32 v31, v0;
	_ =	sdelay $0x1  }
0x35e: {  	v32 =	vld.idx.msk [tilespmem:v51+s22+$0x0], $0xffff;
	v0 =	vadd.f32 v0, v30  }
0x35f: {  	v37 =	vmul.f32 v8, v24  }
0x360: {  	v38 =	vor.u32 $0x6, v11;
	[tilespmem:v34+s31+$0x0] =	vst.idx.msk $0xffff, v0  }
0x361: {  	v6 =	vmul.f32 v37, v6;
	v40 =	vld.idx.msk [tilespmem:v39+s29+$0x0], $0xffff;
	_ =	sdelay $0x1  }
0x362: {  	v6 =	vadd.f32 v6, v32  }
0x363: {  	v52 =	vimm.s32 $0x7  }
0x364: {  	[tilespmem:v38+s31+$0x0] =	vst.idx.msk $0xffff, v6  }
0x365: {  	v18 =	vld.idx.msk [tilespmem:v53+s29+$0x0], $0xffff;
	v0 =	vadd.f32 v0, v40;
	_ =	sdelay $0x1  }
0x366: {  	[tilespmem:v39+s29+$0x0] =	vst.idx.msk $0xffff, v0  }
0x367: {  	v0 =	vld.idx.msk [tilespmem:v52+s20+$0x0], $0xffff  }
0x368: {  	v47 =	vld [tilespmem:$0x1FF70]  }
0x369: {  	v6 =	vadd.f32 v6, v18;
	v41 =	vld.idx.msk [tilespmem:v52+s22+$0x0], $0xffff  }
0x36a: {  	v42 =	vmul.f32 v9, v36  }
0x36b: {  	v44 =	vor.u32 $0x7, v10;
	[tilespmem:v53+s29+$0x0] =	vst.idx.msk $0xffff, v6  }
0x36c: {  	v6 =	vld.idx.msk [tilespmem:v52+s20+$0x0], $0xffff;
	v0 =	vmul.f32 v42, v0;
	_ =	sdelay $0x1  }
0x36d: {  	v43 =	vld.idx.msk [tilespmem:v52+s22+$0x0], $0xffff;
	v0 =	vadd.f32 v0, v41  }
0x36e: {  	v45 =	vmul.f32 v8, v25  }
0x36f: {  	v46 =	vor.u32 $0x7, v11;
	[tilespmem:v44+s31+$0x0] =	vst.idx.msk $0xffff, v0  }
0x370: {  	v6 =	vmul.f32 v45, v6;
	v48 =	vld.idx.msk [tilespmem:v47+s29+$0x0], $0xffff;
	_ =	sdelay $0x1  }
0x371: {  	v6 =	vadd.f32 v6, v43  }
0x372: {  	v53 =	vimm.s32 $0x8  }
0x373: {  	[tilespmem:v46+s31+$0x0] =	vst.idx.msk $0xffff, v6  }
0x374: {  	v18 =	vld.idx.msk [tilespmem:v54+s29+$0x0], $0xffff;
	v0 =	vadd.f32 v0, v48;
	_ =	sdelay $0x1  }
0x375: {  	[tilespmem:v47+s29+$0x0] =	vst.idx.msk $0xffff, v0  }
0x376: {  	v0 =	vld.idx.msk [tilespmem:v53+s20+$0x0], $0xffff  }
0x377: {  	v29 =	vld [tilespmem:$0x1FF80]  }
0x378: {  	v6 =	vadd.f32 v6, v18;
	v49 =	vld.idx.msk [tilespmem:v53+s22+$0x0], $0xffff  }
0x379: {  	v24 =	vmul.f32 v9, v26  }
0x37a: {  	v26 =	vor.u32 $0x8, v10;
	[tilespmem:v54+s29+$0x0] =	vst.idx.msk $0xffff, v6  }
0x37b: {  	v6 =	vld.idx.msk [tilespmem:v53+s20+$0x0], $0xffff;
	v0 =	vmul.f32 v24, v0;
	_ =	sdelay $0x1  }
0x37c: {  	v25 =	vld.idx.msk [tilespmem:v53+s22+$0x0], $0xffff;
	v0 =	vadd.f32 v0, v49  }
0x37d: {  	v27 =	vmul.f32 v8, v35  }
0x37e: {  	v28 =	vor.u32 $0x8, v11;
	[tilespmem:v26+s31+$0x0] =	vst.idx.msk $0xffff, v0  }
0x37f: {  	v6 =	vmul.f32 v27, v6;
	v30 =	vld.idx.msk [tilespmem:v29+s29+$0x0], $0xffff;
	_ =	sdelay $0x1  }
0x380: {  	v6 =	vadd.f32 v6, v25  }
0x381: {  	v54 =	vimm.s32 $0x9  }
0x382: {  	[tilespmem:v28+s31+$0x0] =	vst.idx.msk $0xffff, v6  }
0x383: {  	v18 =	vld.idx.msk [tilespmem:v56+s29+$0x0], $0xffff;
	v0 =	vadd.f32 v0, v30;
	_ =	sdelay $0x1  }
0x384: {  	[tilespmem:v29+s29+$0x0] =	vst.idx.msk $0xffff, v0  }
0x385: {  	v0 =	vld.idx.msk [tilespmem:v54+s20+$0x0], $0xffff  }
0x386: {  	v38 =	vld [tilespmem:$0x1FF90]  }
0x387: {  	v6 =	vadd.f32 v6, v18;
	v31 =	vld.idx.msk [tilespmem:v54+s22+$0x0], $0xffff  }
0x388: {  	v32 =	vmul.f32 v9, v21  }
0x389: {  	v35 =	vor.u32 $0x9, v10;
	[tilespmem:v56+s29+$0x0] =	vst.idx.msk $0xffff, v6  }
0x38a: {  	v6 =	vld.idx.msk [tilespmem:v54+s20+$0x0], $0xffff;
	v0 =	vmul.f32 v32, v0;
	_ =	sdelay $0x1  }
0x38b: {  	v34 =	vld.idx.msk [tilespmem:v54+s22+$0x0], $0xffff;
	v0 =	vadd.f32 v0, v31  }
0x38c: {  	v36 =	vmul.f32 v8, v33  }
0x38d: {  	v37 =	vor.u32 $0x9, v11;
	[tilespmem:v35+s31+$0x0] =	vst.idx.msk $0xffff, v0  }
0x38e: {  	v6 =	vmul.f32 v36, v6;
	v39 =	vld.idx.msk [tilespmem:v38+s29+$0x0], $0xffff;
	_ =	sdelay $0x1  }
0x38f: {  	v6 =	vadd.f32 v6, v34  }
0x390: {  	v56 =	vimm.s32 $0xA  }
0x391: {  	[tilespmem:v37+s31+$0x0] =	vst.idx.msk $0xffff, v6  }
0x392: {  	v18 =	vld.idx.msk [tilespmem:v57+s29+$0x0], $0xffff;
	v0 =	vadd.f32 v0, v39;
	_ =	sdelay $0x1  }
0x393: {  	[tilespmem:v38+s29+$0x0] =	vst.idx.msk $0xffff, v0  }
0x394: {  	v0 =	vld.idx.msk [tilespmem:v56+s20+$0x0], $0xffff  }
0x395: {  	v45 =	vld [tilespmem:$0x1FFA0]  }
0x396: {  	v6 =	vadd.f32 v6, v18;
	v40 =	vld.idx.msk [tilespmem:v56+s22+$0x0], $0xffff  }
0x397: {  	v41 =	vmul.f32 v9, v23  }
0x398: {  	v43 =	vor.u32 $0xA, v10;
	[tilespmem:v57+s29+$0x0] =	vst.idx.msk $0xffff, v6  }
0x399: {  	v6 =	vld.idx.msk [tilespmem:v56+s20+$0x0], $0xffff;
	v0 =	vmul.f32 v0, v41;
	_ =	sdelay $0x1  }
0x39a: {  	v42 =	vld.idx.msk [tilespmem:v56+s22+$0x0], $0xffff;
	v0 =	vadd.f32 v40, v0  }
0x39b: {  	v15 =	vmul.f32 v8, v15  }
0x39c: {  	v44 =	vor.u32 $0xA, v11;
	[tilespmem:v43+s31+$0x0] =	vst.idx.msk $0xffff, v0  }
0x39d: {  	v6 =	vmul.f32 v15, v6;
	v46 =	vld.idx.msk [tilespmem:v45+s29+$0x0], $0xffff;
	_ =	sdelay $0x1  }
0x39e: {  	v6 =	vadd.f32 v6, v42  }
0x39f: {  	v57 =	vimm.s32 $0xB  }
0x3a0: {  	[tilespmem:v44+s31+$0x0] =	vst.idx.msk $0xffff, v6  }
0x3a1: {  	v47 =	vld.idx.msk [tilespmem:v58+s29+$0x0], $0xffff;
	v0 =	vadd.f32 v46, v0;
	_ =	sdelay $0x1  }
0x3a2: {  	[tilespmem:v45+s29+$0x0] =	vst.idx.msk $0xffff, v0  }
0x3a3: {  	v0 =	vld.idx.msk [tilespmem:v57+s20+$0x0], $0xffff  }
0x3a4: {  	v23 =	vld [tilespmem:$0x1FFB0]  }
0x3a5: {  	v6 =	vadd.f32 v6, v47;
	v48 =	vld.idx.msk [tilespmem:v57+s22+$0x0], $0xffff  }
0x3a6: {  	v12 =	vmul.f32 v9, v12  }
0x3a7: {  	v21 =	vor.u32 $0xB, v10;
	[tilespmem:v58+s29+$0x0] =	vst.idx.msk $0xffff, v6  }
0x3a8: {  	v6 =	vld.idx.msk [tilespmem:v57+s20+$0x0], $0xffff;
	v0 =	vmul.f32 v0, v12;
	_ =	sdelay $0x1  }
0x3a9: {  	v49 =	vld.idx.msk [tilespmem:v57+s22+$0x0], $0xffff;
	v0 =	vadd.f32 v48, v0  }
0x3aa: {  	v13 =	vmul.f32 v8, v13  }
0x3ab: {  	v22 =	vor.u32 $0xB, v11;
	[tilespmem:v21+s31+$0x0] =	vst.idx.msk $0xffff, v0  }
0x3ac: {  	v6 =	vmul.f32 v6, v13;
	v24 =	vld.idx.msk [tilespmem:v23+s29+$0x0], $0xffff;
	_ =	sdelay $0x1  }
0x3ad: {  	v6 =	vadd.f32 v49, v6  }
0x3ae: {  	v58 =	vimm.s32 $0xC  }
0x3af: {  	[tilespmem:v22+s31+$0x0] =	vst.idx.msk $0xffff, v6  }
0x3b0: {  	v12 =	vld.idx.msk [tilespmem:v59+s29+$0x0], $0xffff;
	v0 =	vadd.f32 v24, v0;
	_ =	sdelay $0x1  }
0x3b1: {  	[tilespmem:v23+s29+$0x0] =	vst.idx.msk $0xffff, v0  }
0x3b2: {  	v0 =	vld.idx.msk [tilespmem:v58+s20+$0x0], $0xffff  }
0x3b3: {  	v30 =	vld [tilespmem:$0x1FFC0]  }
0x3b4: {  	v6 =	vadd.f32 v12, v6;
	v25 =	vld.idx.msk [tilespmem:v58+s22+$0x0], $0xffff  }
0x3b5: {  	v26 =	vmul.f32 v9, v16  }
0x3b6: {  	v28 =	vor.u32 $0xC, v10;
	[tilespmem:v59+s29+$0x0] =	vst.idx.msk $0xffff, v6  }
0x3b7: {  	v6 =	vld.idx.msk [tilespmem:v58+s20+$0x0], $0xffff;
	v0 =	vmul.f32 v0, v26;
	_ =	sdelay $0x1  }
0x3b8: {  	v27 =	vld.idx.msk [tilespmem:v58+s22+$0x0], $0xffff;
	v0 =	vadd.f32 v25, v0  }
0x3b9: {  	v7 =	vmul.f32 v8, v7  }
0x3ba: {  	v29 =	vor.u32 $0xC, v11;
	[tilespmem:v28+s31+$0x0] =	vst.idx.msk $0xffff, v0  }
0x3bb: {  	v6 =	vmul.f32 v6, v7;
	v31 =	vld.idx.msk [tilespmem:v30+s29+$0x0], $0xffff;
	_ =	sdelay $0x1  }
0x3bc: {  	v6 =	vadd.f32 v27, v6  }
0x3bd: {  	v59 =	vimm.s32 $0xD  }
0x3be: {  	[tilespmem:v29+s31+$0x0] =	vst.idx.msk $0xffff, v6  }
0x3bf: {  	v32 =	vld.idx.msk [tilespmem:v60+s29+$0x0], $0xffff;
	v0 =	vadd.f32 v31, v0;
	_ =	sdelay $0x1  }
0x3c0: {  	[tilespmem:v30+s29+$0x0] =	vst.idx.msk $0xffff, v0  }
0x3c1: {  	v0 =	vld.idx.msk [tilespmem:v59+s20+$0x0], $0xffff  }
0x3c2: {  	v37 =	vld [tilespmem:$0x1FFD0]  }
0x3c3: {  	v6 =	vadd.f32 v32, v6;
	v33 =	vld.idx.msk [tilespmem:v59+s22+$0x0], $0xffff  }
0x3c4: {  	v34 =	vmul.f32 v9, v14  }
0x3c5: {  	v35 =	vor.u32 $0xD, v10;
	[tilespmem:v60+s29+$0x0] =	vst.idx.msk $0xffff, v6  }
0x3c6: {  	v6 =	vld.idx.msk [tilespmem:v59+s20+$0x0], $0xffff;
	v0 =	vmul.f32 v0, v34;
	_ =	sdelay $0x1  }
0x3c7: {  	v13 =	vld.idx.msk [tilespmem:v59+s22+$0x0], $0xffff;
	v0 =	vadd.f32 v33, v0  }
0x3c8: {  	v5 =	vmul.f32 v8, v5  }
0x3c9: {  	v36 =	vor.u32 $0xD, v11;
	[tilespmem:v35+s31+$0x0] =	vst.idx.msk $0xffff, v0  }
0x3ca: {  	v5 =	vmul.f32 v6, v5;
	v38 =	vld.idx.msk [tilespmem:v37+s29+$0x0], $0xffff;
	_ =	sdelay $0x1  }
0x3cb: {  	v5 =	vadd.f32 v13, v5  }
0x3cc: {  	v60 =	vimm.s32 $0xE  }
0x3cd: {  	[tilespmem:v36+s31+$0x0] =	vst.idx.msk $0xffff, v5  }
0x3ce: {  	v39 =	vld.idx.msk [tilespmem:v61+s29+$0x0], $0xffff;
	v0 =	vadd.f32 v38, v0;
	_ =	sdelay $0x1  }
0x3cf: {  	[tilespmem:v37+s29+$0x0] =	vst.idx.msk $0xffff, v0  }
0x3d0: {  	v0 =	vld.idx.msk [tilespmem:v60+s20+$0x0], $0xffff;
	_ =	sdelay $0x1  }
0x3d1: {  	v5 =	vadd.f32 v39, v5;
	v40 =	vld.idx.msk [tilespmem:v60+s22+$0x0], $0xffff  }
0x3d2: {  	v2 =	vmul.f32 v9, v2  }
0x3d3: {  	v42 =	vor.u32 $0xE, v10;
	[tilespmem:v61+s29+$0x0] =	vst.idx.msk $0xffff, v5  }
0x3d4: {  	v5 =	vld.idx.msk [tilespmem:v60+s20+$0x0], $0xffff;
	v0 =	vmul.f32 v0, v2;
	_ =	sdelay $0x1  }
0x3d5: {  	v41 =	vld.idx.msk [tilespmem:v60+s22+$0x0], $0xffff;
	v0 =	vadd.f32 v40, v0  }
0x3d6: {  	v3 =	vmul.f32 v8, v3  }
0x3d7: {  	v43 =	vor.u32 $0xE, v11;
	[tilespmem:v42+s31+$0x0] =	vst.idx.msk $0xffff, v0  }
0x3d8: {  	v3 =	vmul.f32 v5, v3;
	v44 =	vld.idx.msk [tilespmem:v55+s29+$0x0], $0xffff;
	_ =	sdelay $0x1  }
0x3d9: {  	v3 =	vadd.f32 v41, v3;
	_ =	sdelay $0x1  }
0x3da: {  	[tilespmem:v43+s31+$0x0] =	vst.idx.msk $0xffff, v3  }
0x3db: {  	v2 =	vld.idx.msk [tilespmem:v62+s29+$0x0], $0xffff;
	v0 =	vadd.f32 v44, v0;
	_ =	sdelay $0x1  }
0x3dc: {  	[tilespmem:v55+s29+$0x0] =	vst.idx.msk $0xffff, v0;
	v55 =	vimm.s32 $0xF;
	_ =	sdelay $0x2  }
0x3dd: {  	v2 =	vadd.f32 v2, v3  }
0x3de: {  	v49 =	vld [tilespmem:$0x1FFE0]  }
0x3df: {  	[tilespmem:v62+s29+$0x0] =	vst.idx.msk $0xffff, v2;
	v0 =	vld.idx.msk [tilespmem:v55+s20+$0x0], $0xffff  }
0x3e0: {  	v2 =	vld.idx.msk [tilespmem:v55+s20+$0x0], $0xffff  }
0x3e1: {  	v45 =	vld.idx.msk [tilespmem:v55+s22+$0x0], $0xffff  }
0x3e2: {  	v4 =	vmul.f32 v9, v4;
	v46 =	vld.idx.msk [tilespmem:v55+s22+$0x0], $0xffff  }
0x3e3: {  	v1 =	vmul.f32 v8, v1;
	v47 =	vor.u32 $0xF, v10  }
0x3e4: {  	v48 =	vor.u32 $0xF, v11;
	v0 =	vmul.f32 v0, v4  }
0x3e5: {  	v1 =	vmul.f32 v2, v1  }
0x3e6: {  	v0 =	vadd.f32 v45, v0  }
0x3e7: {  	v1 =	vadd.f32 v46, v1  }
0x3e8: {  	[tilespmem:v47+s31+$0x0] =	vst.idx.msk $0xffff, v0  }
0x3e9: {  	[tilespmem:v48+s31+$0x0] =	vst.idx.msk $0xffff, v1;
	v61 =	vld.idx.msk [tilespmem:v49+s29+$0x0], $0xffff  }
0x3ea: {  	v62 =	vld.idx.msk [tilespmem:v63+s29+$0x0], $0xffff  }
0x3eb: {  	s15 =	sadd.s32 $0x2, s15  }
0x3ec: {  	p0 =	slt.u32 s15, $0x16  }
.Ltmp0:
0x3ed: {  	_ = 	snop;
	(pc) =	sbr.rel @p0 .LBB2_3-.Ltmp0, $4  }
0x3ee: {  	v0 =	vadd.f32 v61, v0  }
0x3ef: {  	v1 =	vadd.f32 v62, v1  }
0x3f0: {  	[tilespmem:v49+s29+$0x0] =	vst.idx.msk $0xffff, v0  }
0x3f1: {  	s16 =	sadd.s32 $0x20, s16;
	v50 =	vlaneseq.u32;
	[tilespmem:v63+s29+$0x0] =	vst.idx.msk $0xffff, v1  }
0x3f2: {  	v0 =	vld [tilespmem:$0x1FFF0];
	_ =	sdelay $0x2  }
0x3f3: {  	v17 =	vmul.u32 $0x10, v50;
	_ =	sdelay $0x1  }
0x3f4: {  	v1 =	vor.u32 $0x1800, v17;
	v0 =	vshll.u32 v0, $0x4  }
0x3f5: {  	v0 =	vadd.s32 v1, v0;
	_ =	sdelay $0x4  }
0x3f6: {  	v2 =	vld.idx.msk [tilespmem:v0+s25+$0x0], $0xffff  }
0x3f7: {  	v3 =	vld.idx.msk [tilespmem:v0+s26+$0x0], $0xffff;
	_ =	sdelay $0x1  }
0x3f8: {  	v4 =	vld.idx.msk [tilespmem:v0+s28+$0x0], $0xffff;
	_ =	sdelay $0x2  }
0x3f9: {  	v2 =	vadd.f32 v3, v2;
	_ =	sdelay $0x1  }
0x3fa: {  	v2 =	vadd.f32 v4, v2;
	_ =	sdelay $0x1  }
0x3fb: {  	v47 =	vsub.f32 $0.0e+00, v2;
	_ =	sdelay $0x1  }
0x3fc: {  	v3 =	vmul.f32 $1.442695020e+00, v47;
	_ =	sdelay $0x1  }
0x3fd: {  	(erf) = vpow2.f32 v3;
	_ =	sdelay $0x8  }
0x3fe: {  	v3 =	vpop (erf)  }
0x3ff: {  	v3 =	vadd.f32 $1.000000000e+00, v3;
	_ =	sdelay $0x1  }
0x400: {  	(erf) = vrcp.f32 v3;
	_ =	sdelay $0x8  }
0x401: {  	v3 =	vpop (erf)  }
0x402: {  	v14 =	vmul.f32 v3, v2;
	v2 =	vor.u32 $0x1, v0;
	_ =	sdelay $0x1  }
0x403: {  	v3 =	vsub.f32 $0.0e+00, v14;
	_ =	sdelay $0x1  }
0x404: {  	v3 =	vmul.f32 $1.442695020e+00, v3  }
0x405: {  	v48 =	vld.idx.msk [tilespmem:v2+s25+$0x0], $0xffff  }
0x406: {  	v49 =	vld.idx.msk [tilespmem:v2+s26+$0x0], $0xffff;
	(erf) = vpow2.f32 v3;
	_ =	sdelay $0x1  }
0x407: {  	v5 =	vld.idx.msk [tilespmem:v2+s28+$0x0], $0xffff;
	_ =	sdelay $0x2  }
0x408: {  	v3 =	vadd.f32 v49, v48;
	_ =	sdelay $0x1  }
0x409: {  	v3 =	vadd.f32 v5, v3;
	_ =	sdelay $0x1  }
0x40a: {  	v5 =	vsub.f32 $0.0e+00, v3;
	v61 =	vpop (erf)  }
0x40b: {  	v4 =	vadd.f32 $1.000000000e+00, v61  }
0x40c: {  	v5 =	vmul.f32 $1.442695020e+00, v5  }
0x40d: {  	(erf) = vrcp.f32 v4  }
0x40e: {  	(erf) = vpow2.f32 v5;
	_ =	sdelay $0x7  }
0x40f: {  	v16 =	vpop (erf)  }
0x410: {  	v62 =	vpop (erf)  }
0x411: {  	v4 =	vadd.f32 $1.000000000e+00, v62;
	_ =	sdelay $0x1  }
0x412: {  	(erf) = vrcp.f32 v4;
	_ =	sdelay $0x8  }
0x413: {  	v4 =	vpop (erf)  }
0x414: {  	v18 =	vmul.f32 v4, v3;
	v3 =	vor.u32 $0x2, v0;
	_ =	sdelay $0x1  }
0x415: {  	v4 =	vsub.f32 $0.0e+00, v18;
	_ =	sdelay $0x1  }
0x416: {  	v4 =	vmul.f32 $1.442695020e+00, v4  }
0x417: {  	v63 =	vld.idx.msk [tilespmem:v3+s25+$0x0], $0xffff  }
0x418: {  	v9 =	vld.idx.msk [tilespmem:v3+s26+$0x0], $0xffff;
	(erf) = vpow2.f32 v4;
	_ =	sdelay $0x1  }
0x419: {  	v6 =	vld.idx.msk [tilespmem:v3+s28+$0x0], $0xffff;
	_ =	sdelay $0x2  }
0x41a: {  	v4 =	vadd.f32 v9, v63;
	_ =	sdelay $0x1  }
0x41b: {  	v4 =	vadd.f32 v6, v4;
	_ =	sdelay $0x1  }
0x41c: {  	v6 =	vsub.f32 $0.0e+00, v4;
	v10 =	vpop (erf)  }
0x41d: {  	v5 =	vadd.f32 $1.000000000e+00, v10  }
0x41e: {  	v6 =	vmul.f32 $1.442695020e+00, v6  }
0x41f: {  	(erf) = vrcp.f32 v5  }
0x420: {  	(erf) = vpow2.f32 v6;
	_ =	sdelay $0x7  }
0x421: {  	v21 =	vpop (erf)  }
0x422: {  	v11 =	vpop (erf)  }
0x423: {  	v5 =	vadd.f32 $1.000000000e+00, v11;
	_ =	sdelay $0x1  }
0x424: {  	(erf) = vrcp.f32 v5;
	_ =	sdelay $0x8  }
0x425: {  	v5 =	vpop (erf)  }
0x426: {  	v22 =	vmul.f32 v5, v4;
	v4 =	vor.u32 $0x3, v0;
	_ =	sdelay $0x1  }
0x427: {  	v5 =	vsub.f32 $0.0e+00, v22;
	_ =	sdelay $0x1  }
0x428: {  	v5 =	vmul.f32 $1.442695020e+00, v5  }
0x429: {  	v12 =	vld.idx.msk [tilespmem:v4+s25+$0x0], $0xffff  }
0x42a: {  	v13 =	vld.idx.msk [tilespmem:v4+s26+$0x0], $0xffff;
	(erf) = vpow2.f32 v5;
	_ =	sdelay $0x1  }
0x42b: {  	v7 =	vld.idx.msk [tilespmem:v4+s28+$0x0], $0xffff;
	_ =	sdelay $0x2  }
0x42c: {  	v5 =	vadd.f32 v13, v12;
	_ =	sdelay $0x1  }
0x42d: {  	v5 =	vadd.f32 v7, v5;
	_ =	sdelay $0x1  }
0x42e: {  	v7 =	vsub.f32 $0.0e+00, v5;
	v15 =	vpop (erf)  }
0x42f: {  	v6 =	vadd.f32 $1.000000000e+00, v15  }
0x430: {  	v7 =	vmul.f32 $1.442695020e+00, v7  }
0x431: {  	(erf) = vrcp.f32 v6  }
0x432: {  	(erf) = vpow2.f32 v7;
	_ =	sdelay $0x7  }
0x433: {  	v23 =	vpop (erf)  }
0x434: {  	v19 =	vpop (erf)  }
0x435: {  	v6 =	vadd.f32 $1.000000000e+00, v19;
	_ =	sdelay $0x1  }
0x436: {  	(erf) = vrcp.f32 v6;
	_ =	sdelay $0x8  }
0x437: {  	v6 =	vpop (erf)  }
0x438: {  	v24 =	vmul.f32 v6, v5;
	v5 =	vor.u32 $0x4, v0;
	_ =	sdelay $0x1  }
0x439: {  	v6 =	vsub.f32 $0.0e+00, v24;
	_ =	sdelay $0x1  }
0x43a: {  	v6 =	vmul.f32 $1.442695020e+00, v6  }
0x43b: {  	v20 =	vld.idx.msk [tilespmem:v5+s25+$0x0], $0xffff  }
0x43c: {  	v25 =	vld.idx.msk [tilespmem:v5+s26+$0x0], $0xffff;
	(erf) = vpow2.f32 v6;
	_ =	sdelay $0x1  }
0x43d: {  	v8 =	vld.idx.msk [tilespmem:v5+s28+$0x0], $0xffff;
	_ =	sdelay $0x2  }
0x43e: {  	v6 =	vadd.f32 v25, v20;
	_ =	sdelay $0x1  }
0x43f: {  	v6 =	vadd.f32 v8, v6;
	_ =	sdelay $0x1  }
0x440: {  	v8 =	vsub.f32 $0.0e+00, v6;
	v26 =	vpop (erf)  }
0x441: {  	v7 =	vadd.f32 $1.000000000e+00, v26  }
0x442: {  	v8 =	vmul.f32 $1.442695020e+00, v8  }
0x443: {  	(erf) = vrcp.f32 v7  }
0x444: {  	(erf) = vpow2.f32 v8;
	_ =	sdelay $0x7  }
0x445: {  	v25 =	vpop (erf)  }
0x446: {  	v27 =	vpop (erf)  }
0x447: {  	v7 =	vadd.f32 $1.000000000e+00, v27;
	_ =	sdelay $0x1  }
0x448: {  	(erf) = vrcp.f32 v7;
	_ =	sdelay $0x8  }
0x449: {  	v7 =	vpop (erf)  }
0x44a: {  	v26 =	vmul.f32 v7, v6;
	v6 =	vor.u32 $0x5, v0;
	_ =	sdelay $0x1  }
0x44b: {  	v7 =	vsub.f32 $0.0e+00, v26;
	_ =	sdelay $0x1  }
0x44c: {  	v7 =	vmul.f32 $1.442695020e+00, v7  }
0x44d: {  	v28 =	vld.idx.msk [tilespmem:v6+s25+$0x0], $0xffff  }
0x44e: {  	v29 =	vld.idx.msk [tilespmem:v6+s26+$0x0], $0xffff;
	(erf) = vpow2.f32 v7;
	_ =	sdelay $0x1  }
0x44f: {  	v9 =	vld.idx.msk [tilespmem:v6+s28+$0x0], $0xffff;
	_ =	sdelay $0x2  }
0x450: {  	v7 =	vadd.f32 v29, v28;
	_ =	sdelay $0x1  }
0x451: {  	v7 =	vadd.f32 v9, v7;
	_ =	sdelay $0x1  }
0x452: {  	v9 =	vsub.f32 $0.0e+00, v7;
	v30 =	vpop (erf)  }
0x453: {  	v8 =	vadd.f32 $1.000000000e+00, v30  }
0x454: {  	v9 =	vmul.f32 $1.442695020e+00, v9  }
0x455: {  	(erf) = vrcp.f32 v8  }
0x456: {  	(erf) = vpow2.f32 v9;
	_ =	sdelay $0x7  }
0x457: {  	v27 =	vpop (erf)  }
0x458: {  	v31 =	vpop (erf)  }
0x459: {  	v8 =	vadd.f32 $1.000000000e+00, v31;
	_ =	sdelay $0x1  }
0x45a: {  	(erf) = vrcp.f32 v8;
	_ =	sdelay $0x8  }
0x45b: {  	v8 =	vpop (erf)  }
0x45c: {  	v28 =	vmul.f32 v8, v7;
	v7 =	vor.u32 $0x6, v0;
	_ =	sdelay $0x1  }
0x45d: {  	v8 =	vsub.f32 $0.0e+00, v28;
	_ =	sdelay $0x1  }
0x45e: {  	v8 =	vmul.f32 $1.442695020e+00, v8  }
0x45f: {  	v32 =	vld.idx.msk [tilespmem:v7+s25+$0x0], $0xffff  }
0x460: {  	v33 =	vld.idx.msk [tilespmem:v7+s26+$0x0], $0xffff;
	(erf) = vpow2.f32 v8;
	_ =	sdelay $0x1  }
0x461: {  	v10 =	vld.idx.msk [tilespmem:v7+s28+$0x0], $0xffff;
	_ =	sdelay $0x2  }
0x462: {  	v8 =	vadd.f32 v33, v32;
	_ =	sdelay $0x1  }
0x463: {  	v8 =	vadd.f32 v10, v8;
	_ =	sdelay $0x1  }
0x464: {  	v10 =	vsub.f32 $0.0e+00, v8;
	v34 =	vpop (erf)  }
0x465: {  	v9 =	vadd.f32 $1.000000000e+00, v34  }
0x466: {  	v10 =	vmul.f32 $1.442695020e+00, v10  }
0x467: {  	(erf) = vrcp.f32 v9  }
0x468: {  	(erf) = vpow2.f32 v10;
	_ =	sdelay $0x7  }
0x469: {  	v29 =	vpop (erf)  }
0x46a: {  	v35 =	vpop (erf)  }
0x46b: {  	v9 =	vadd.f32 $1.000000000e+00, v35;
	_ =	sdelay $0x1  }
0x46c: {  	(erf) = vrcp.f32 v9;
	_ =	sdelay $0x8  }
0x46d: {  	v9 =	vpop (erf)  }
0x46e: {  	v30 =	vmul.f32 v9, v8;
	v8 =	vor.u32 $0x7, v0;
	_ =	sdelay $0x1  }
0x46f: {  	v9 =	vsub.f32 $0.0e+00, v30;
	_ =	sdelay $0x1  }
0x470: {  	v9 =	vmul.f32 $1.442695020e+00, v9  }
0x471: {  	v36 =	vld.idx.msk [tilespmem:v8+s25+$0x0], $0xffff  }
0x472: {  	v37 =	vld.idx.msk [tilespmem:v8+s26+$0x0], $0xffff;
	(erf) = vpow2.f32 v9;
	_ =	sdelay $0x1  }
0x473: {  	v11 =	vld.idx.msk [tilespmem:v8+s28+$0x0], $0xffff;
	_ =	sdelay $0x2  }
0x474: {  	v9 =	vadd.f32 v37, v36;
	_ =	sdelay $0x1  }
0x475: {  	v9 =	vadd.f32 v11, v9;
	_ =	sdelay $0x1  }
0x476: {  	v11 =	vsub.f32 $0.0e+00, v9;
	v38 =	vpop (erf)  }
0x477: {  	v10 =	vadd.f32 $1.000000000e+00, v38  }
0x478: {  	v11 =	vmul.f32 $1.442695020e+00, v11  }
0x479: {  	(erf) = vrcp.f32 v10  }
0x47a: {  	(erf) = vpow2.f32 v11;
	_ =	sdelay $0x7  }
0x47b: {  	v31 =	vpop (erf)  }
0x47c: {  	v39 =	vpop (erf)  }
0x47d: {  	v10 =	vadd.f32 $1.000000000e+00, v39;
	_ =	sdelay $0x1  }
0x47e: {  	(erf) = vrcp.f32 v10;
	_ =	sdelay $0x8  }
0x47f: {  	v10 =	vpop (erf)  }
0x480: {  	v32 =	vmul.f32 v10, v9;
	v9 =	vor.u32 $0x8, v0;
	_ =	sdelay $0x1  }
0x481: {  	v10 =	vsub.f32 $0.0e+00, v32;
	_ =	sdelay $0x1  }
0x482: {  	v10 =	vmul.f32 $1.442695020e+00, v10  }
0x483: {  	v40 =	vld.idx.msk [tilespmem:v9+s25+$0x0], $0xffff  }
0x484: {  	v41 =	vld.idx.msk [tilespmem:v9+s26+$0x0], $0xffff;
	(erf) = vpow2.f32 v10;
	_ =	sdelay $0x1  }
0x485: {  	v12 =	vld.idx.msk [tilespmem:v9+s28+$0x0], $0xffff;
	_ =	sdelay $0x2  }
0x486: {  	v10 =	vadd.f32 v41, v40;
	_ =	sdelay $0x1  }
0x487: {  	v10 =	vadd.f32 v12, v10;
	_ =	sdelay $0x1  }
0x488: {  	v12 =	vsub.f32 $0.0e+00, v10;
	v42 =	vpop (erf)  }
0x489: {  	v11 =	vadd.f32 $1.000000000e+00, v42  }
0x48a: {  	v12 =	vmul.f32 $1.442695020e+00, v12  }
0x48b: {  	(erf) = vrcp.f32 v11  }
0x48c: {  	(erf) = vpow2.f32 v12;
	_ =	sdelay $0x7  }
0x48d: {  	v33 =	vpop (erf)  }
0x48e: {  	v43 =	vpop (erf)  }
0x48f: {  	v11 =	vadd.f32 $1.000000000e+00, v43;
	_ =	sdelay $0x1  }
0x490: {  	(erf) = vrcp.f32 v11;
	_ =	sdelay $0x8  }
0x491: {  	v11 =	vpop (erf)  }
0x492: {  	v34 =	vmul.f32 v11, v10;
	v10 =	vor.u32 $0x9, v0;
	_ =	sdelay $0x1  }
0x493: {  	v11 =	vsub.f32 $0.0e+00, v34;
	_ =	sdelay $0x1  }
0x494: {  	v11 =	vmul.f32 $1.442695020e+00, v11  }
0x495: {  	v44 =	vld.idx.msk [tilespmem:v10+s25+$0x0], $0xffff  }
0x496: {  	v45 =	vld.idx.msk [tilespmem:v10+s26+$0x0], $0xffff;
	(erf) = vpow2.f32 v11;
	_ =	sdelay $0x1  }
0x497: {  	v13 =	vld.idx.msk [tilespmem:v10+s28+$0x0], $0xffff;
	_ =	sdelay $0x2  }
0x498: {  	v11 =	vadd.f32 v45, v44;
	_ =	sdelay $0x1  }
0x499: {  	v11 =	vadd.f32 v13, v11;
	_ =	sdelay $0x1  }
0x49a: {  	v13 =	vsub.f32 $0.0e+00, v11;
	v46 =	vpop (erf)  }
0x49b: {  	v12 =	vadd.f32 $1.000000000e+00, v46  }
0x49c: {  	v13 =	vmul.f32 $1.442695020e+00, v13  }
0x49d: {  	(erf) = vrcp.f32 v12  }
0x49e: {  	(erf) = vpow2.f32 v13;
	_ =	sdelay $0x7  }
0x49f: {  	v35 =	vpop (erf)  }
0x4a0: {  	v47 =	vpop (erf)  }
0x4a1: {  	v12 =	vadd.f32 $1.000000000e+00, v47;
	_ =	sdelay $0x1  }
0x4a2: {  	(erf) = vrcp.f32 v12;
	_ =	sdelay $0x8  }
0x4a3: {  	v12 =	vpop (erf)  }
0x4a4: {  	v36 =	vmul.f32 v12, v11;
	v11 =	vor.u32 $0xA, v0;
	_ =	sdelay $0x1  }
0x4a5: {  	v12 =	vsub.f32 $0.0e+00, v36;
	_ =	sdelay $0x1  }
0x4a6: {  	v12 =	vmul.f32 $1.442695020e+00, v12  }
0x4a7: {  	v48 =	vld.idx.msk [tilespmem:v11+s25+$0x0], $0xffff  }
0x4a8: {  	v49 =	vld.idx.msk [tilespmem:v11+s26+$0x0], $0xffff;
	(erf) = vpow2.f32 v12;
	_ =	sdelay $0x1  }
0x4a9: {  	v15 =	vld.idx.msk [tilespmem:v11+s28+$0x0], $0xffff;
	_ =	sdelay $0x2  }
0x4aa: {  	v12 =	vadd.f32 v49, v48;
	_ =	sdelay $0x1  }
0x4ab: {  	v12 =	vadd.f32 v15, v12;
	_ =	sdelay $0x1  }
0x4ac: {  	v15 =	vsub.f32 $0.0e+00, v12;
	v61 =	vpop (erf)  }
0x4ad: {  	v13 =	vadd.f32 $1.000000000e+00, v61  }
0x4ae: {  	v15 =	vmul.f32 $1.442695020e+00, v15  }
0x4af: {  	(erf) = vrcp.f32 v13  }
0x4b0: {  	(erf) = vpow2.f32 v15;
	_ =	sdelay $0x7  }
0x4b1: {  	v37 =	vpop (erf)  }
0x4b2: {  	v62 =	vpop (erf)  }
0x4b3: {  	v13 =	vadd.f32 $1.000000000e+00, v62;
	_ =	sdelay $0x1  }
0x4b4: {  	(erf) = vrcp.f32 v13;
	_ =	sdelay $0x8  }
0x4b5: {  	v13 =	vpop (erf)  }
0x4b6: {  	v38 =	vmul.f32 v13, v12;
	v12 =	vor.u32 $0xB, v0;
	_ =	sdelay $0x1  }
0x4b7: {  	v13 =	vsub.f32 $0.0e+00, v38;
	_ =	sdelay $0x1  }
0x4b8: {  	v13 =	vmul.f32 $1.442695020e+00, v13  }
0x4b9: {  	v63 =	vld.idx.msk [tilespmem:v12+s25+$0x0], $0xffff  }
0x4ba: {  	v39 =	vld.idx.msk [tilespmem:v12+s26+$0x0], $0xffff;
	(erf) = vpow2.f32 v13;
	_ =	sdelay $0x1  }
0x4bb: {  	v19 =	vld.idx.msk [tilespmem:v12+s28+$0x0], $0xffff;
	_ =	sdelay $0x2  }
0x4bc: {  	v13 =	vadd.f32 v39, v63;
	_ =	sdelay $0x1  }
0x4bd: {  	v13 =	vadd.f32 v19, v13;
	_ =	sdelay $0x1  }
0x4be: {  	v19 =	vsub.f32 $0.0e+00, v13;
	v40 =	vpop (erf)  }
0x4bf: {  	v15 =	vadd.f32 $1.000000000e+00, v40  }
0x4c0: {  	v19 =	vmul.f32 $1.442695020e+00, v19  }
0x4c1: {  	(erf) = vrcp.f32 v15  }
0x4c2: {  	(erf) = vpow2.f32 v19;
	_ =	sdelay $0x7  }
0x4c3: {  	v39 =	vpop (erf)  }
0x4c4: {  	v41 =	vpop (erf)  }
0x4c5: {  	v15 =	vadd.f32 $1.000000000e+00, v41;
	_ =	sdelay $0x1  }
0x4c6: {  	(erf) = vrcp.f32 v15;
	_ =	sdelay $0x8  }
0x4c7: {  	v15 =	vpop (erf)  }
0x4c8: {  	v40 =	vmul.f32 v15, v13;
	v13 =	vor.u32 $0xC, v0;
	_ =	sdelay $0x1  }
0x4c9: {  	v15 =	vsub.f32 $0.0e+00, v40;
	_ =	sdelay $0x1  }
0x4ca: {  	v15 =	vmul.f32 $1.442695020e+00, v15  }
0x4cb: {  	v42 =	vld.idx.msk [tilespmem:v13+s25+$0x0], $0xffff  }
0x4cc: {  	v43 =	vld.idx.msk [tilespmem:v13+s26+$0x0], $0xffff;
	(erf) = vpow2.f32 v15;
	_ =	sdelay $0x1  }
0x4cd: {  	v20 =	vld.idx.msk [tilespmem:v13+s28+$0x0], $0xffff;
	_ =	sdelay $0x2  }
0x4ce: {  	v15 =	vadd.f32 v43, v42;
	_ =	sdelay $0x1  }
0x4cf: {  	v15 =	vadd.f32 v20, v15;
	_ =	sdelay $0x1  }
0x4d0: {  	v20 =	vsub.f32 $0.0e+00, v15;
	v44 =	vpop (erf)  }
0x4d1: {  	v19 =	vadd.f32 $1.000000000e+00, v44  }
0x4d2: {  	v20 =	vmul.f32 $1.442695020e+00, v20  }
0x4d3: {  	(erf) = vrcp.f32 v19  }
0x4d4: {  	(erf) = vpow2.f32 v20;
	_ =	sdelay $0x7  }
0x4d5: {  	v41 =	vpop (erf)  }
0x4d6: {  	v45 =	vpop (erf)  }
0x4d7: {  	v19 =	vadd.f32 $1.000000000e+00, v45;
	_ =	sdelay $0x1  }
0x4d8: {  	(erf) = vrcp.f32 v19;
	_ =	sdelay $0x8  }
0x4d9: {  	v19 =	vpop (erf)  }
0x4da: {  	v42 =	vmul.f32 v19, v15;
	v15 =	vor.u32 $0xD, v0;
	_ =	sdelay $0x1  }
0x4db: {  	v19 =	vsub.f32 $0.0e+00, v42;
	_ =	sdelay $0x1  }
0x4dc: {  	v19 =	vmul.f32 $1.442695020e+00, v19  }
0x4dd: {  	v46 =	vld.idx.msk [tilespmem:v15+s25+$0x0], $0xffff  }
0x4de: {  	v47 =	vld.idx.msk [tilespmem:v15+s26+$0x0], $0xffff;
	(erf) = vpow2.f32 v19;
	_ =	sdelay $0x1  }
0x4df: {  	v43 =	vld.idx.msk [tilespmem:v15+s28+$0x0], $0xffff;
	_ =	sdelay $0x2  }
0x4e0: {  	v19 =	vadd.f32 v47, v46;
	_ =	sdelay $0x1  }
0x4e1: {  	v19 =	vadd.f32 v43, v19;
	_ =	sdelay $0x1  }
0x4e2: {  	v43 =	vsub.f32 $0.0e+00, v19;
	v48 =	vpop (erf)  }
0x4e3: {  	v20 =	vadd.f32 $1.000000000e+00, v48  }
0x4e4: {  	v43 =	vmul.f32 $1.442695020e+00, v43  }
0x4e5: {  	(erf) = vrcp.f32 v20  }
0x4e6: {  	(erf) = vpow2.f32 v43;
	_ =	sdelay $0x7  }
0x4e7: {  	v43 =	vpop (erf)  }
0x4e8: {  	v49 =	vpop (erf)  }
0x4e9: {  	v20 =	vadd.f32 $1.000000000e+00, v49;
	_ =	sdelay $0x1  }
0x4ea: {  	(erf) = vrcp.f32 v20;
	_ =	sdelay $0x8  }
0x4eb: {  	v20 =	vpop (erf)  }
0x4ec: {  	v44 =	vmul.f32 v20, v19;
	v19 =	vor.u32 $0xE, v0;
	_ =	sdelay $0x1  }
0x4ed: {  	v20 =	vsub.f32 $0.0e+00, v44;
	_ =	sdelay $0x1  }
0x4ee: {  	v20 =	vmul.f32 $1.442695020e+00, v20  }
0x4ef: {  	v45 =	vld.idx.msk [tilespmem:v19+s25+$0x0], $0xffff  }
0x4f0: {  	v61 =	vld.idx.msk [tilespmem:v19+s26+$0x0], $0xffff;
	(erf) = vpow2.f32 v20;
	_ =	sdelay $0x1  }
0x4f1: {  	v46 =	vld.idx.msk [tilespmem:v19+s28+$0x0], $0xffff;
	_ =	sdelay $0x2  }
0x4f2: {  	v20 =	vadd.f32 v61, v45;
	_ =	sdelay $0x1  }
0x4f3: {  	v20 =	vadd.f32 v46, v20;
	_ =	sdelay $0x1  }
0x4f4: {  	v46 =	vsub.f32 $0.0e+00, v20;
	v62 =	vpop (erf)  }
0x4f5: {  	v45 =	vadd.f32 $1.000000000e+00, v62  }
0x4f6: {  	v46 =	vmul.f32 $1.442695020e+00, v46  }
0x4f7: {  	(erf) = vrcp.f32 v45  }
0x4f8: {  	(erf) = vpow2.f32 v46;
	_ =	sdelay $0x7  }
0x4f9: {  	v45 =	vpop (erf)  }
0x4fa: {  	v46 =	vpop (erf)  }
0x4fb: {  	v46 =	vadd.f32 $1.000000000e+00, v46;
	_ =	sdelay $0x1  }
0x4fc: {  	(erf) = vrcp.f32 v46;
	_ =	sdelay $0x8  }
0x4fd: {  	v46 =	vpop (erf)  }
0x4fe: {  	v46 =	vmul.f32 v46, v20;
	v20 =	vor.u32 $0xF, v0;
	_ =	sdelay $0x1  }
0x4ff: {  	v47 =	vsub.f32 $0.0e+00, v46;
	_ =	sdelay $0x1  }
0x500: {  	v47 =	vmul.f32 $1.442695020e+00, v47  }
0x501: {  	v48 =	vld.idx.msk [tilespmem:v20+s25+$0x0], $0xffff  }
0x502: {  	v63 =	vld.idx.msk [tilespmem:v20+s26+$0x0], $0xffff;
	(erf) = vpow2.f32 v47;
	_ =	sdelay $0x1  }
0x503: {  	v49 =	vld.idx.msk [tilespmem:v20+s28+$0x0], $0xffff;
	_ =	sdelay $0x2  }
0x504: {  	v47 =	vadd.f32 v63, v48;
	_ =	sdelay $0x1  }
0x505: {  	v47 =	vadd.f32 v49, v47;
	_ =	sdelay $0x1  }
0x506: {  	v49 =	vsub.f32 $0.0e+00, v47;
	v61 =	vpop (erf)  }
0x507: {  	v48 =	vadd.f32 $1.000000000e+00, v61  }
0x508: {  	v49 =	vmul.f32 $1.442695020e+00, v49  }
0x509: {  	(erf) = vrcp.f32 v48  }
0x50a: {  	(erf) = vpow2.f32 v49;
	_ =	sdelay $0x7  }
0x50b: {  	v48 =	vpop (erf)  }
0x50c: {  	v49 =	vpop (erf)  }
0x50d: {  	v49 =	vadd.f32 $1.000000000e+00, v49;
	_ =	sdelay $0x1  }
0x50e: {  	(erf) = vrcp.f32 v49;
	_ =	sdelay $0x8  }
0x50f: {  	v14 =	vmul.f32 v16, v14;
	v62 =	vpop (erf)  }
0x510: {  	v18 =	vmul.f32 v21, v18;
	v16 =	vmul.f32 v62, v47;
	_ =	sdelay $0x1  }
0x511: {  	v21 =	vmul.f32 v23, v22;
	v47 =	vadd.f32 v18, v14;
	v63 =	vsub.f32 $0.0e+00, v16;
	_ =	sdelay $0x1  }
0x512: {  	v24 =	vmul.f32 v25, v24;
	v23 =	vadd.f32 v21, v47;
	v22 =	vmul.f32 $1.442695020e+00, v63;
	_ =	sdelay $0x1  }
0x513: {  	v25 =	vmul.f32 v27, v26;
	v49 =	vadd.f32 v24, v23;
	(erf) = vpow2.f32 v22;
	_ =	sdelay $0x1  }
0x514: {  	v61 =	vmul.f32 v29, v28;
	v22 =	vadd.f32 v25, v49;
	_ =	sdelay $0x1  }
0x515: {  	v62 =	vmul.f32 v31, v30;
	v22 =	vadd.f32 v61, v22;
	_ =	sdelay $0x1  }
0x516: {  	v63 =	vmul.f32 v33, v32;
	v22 =	vadd.f32 v62, v22;
	_ =	sdelay $0x1  }
0x517: {  	v28 =	vmul.f32 v35, v34;
	v22 =	vadd.f32 v63, v22  }
0x518: {  	v35 =	vpop (erf)  }
0x519: {  	v30 =	vmul.f32 v37, v36;
	v22 =	vadd.f32 v28, v22;
	v29 =	vadd.f32 $1.000000000e+00, v35;
	_ =	sdelay $0x1  }
0x51a: {  	v31 =	vmul.f32 v39, v38;
	v22 =	vadd.f32 v30, v22;
	(erf) = vrcp.f32 v29;
	_ =	sdelay $0x1  }
0x51b: {  	v29 =	vmul.f32 v41, v40;
	v22 =	vadd.f32 v31, v22;
	_ =	sdelay $0x1  }
0x51c: {  	v32 =	vmul.f32 v43, v42;
	v22 =	vadd.f32 v29, v22;
	_ =	sdelay $0x1  }
0x51d: {  	v33 =	vmul.f32 v45, v44;
	v22 =	vadd.f32 v32, v22;
	_ =	sdelay $0x1  }
0x51e: {  	v34 =	vmul.f32 v48, v46;
	v22 =	vadd.f32 v33, v22  }
0x51f: {  	v44 =	vpop (erf)  }
0x520: {  	v45 =	vadd.f32 v34, v22;
	v35 =	vmul.f32 v44, v16;
	_ =	sdelay $0x1  }
0x521: {  	v16 =	vadd.f32 v35, v45;
	_ =	sdelay $0x1  }
0x522: {  	v46 =	vmul.f32 $6.250000000e-02, v16;
	_ =	sdelay $0x1  }
0x523: {  	v36 =	vsub.f32 v14, v46;
	v37 =	vsub.f32 v18, v46;
	_ =	sdelay $0x1  }
0x524: {  	v38 =	vsub.f32 v21, v46;
	v14 =	vmul.f32 v36, v36;
	v47 =	vmul.f32 v37, v37;
	_ =	sdelay $0x1  }
0x525: {  	v39 =	vsub.f32 v24, v46;
	v48 =	vmul.f32 v38, v38;
	v14 =	vadd.f32 v47, v14;
	_ =	sdelay $0x1  }
0x526: {  	v40 =	vsub.f32 v25, v46;
	v49 =	vmul.f32 v39, v39;
	v14 =	vadd.f32 v14, v48;
	_ =	sdelay $0x1  }
0x527: {  	v41 =	vsub.f32 v61, v46;
	v61 =	vmul.f32 v40, v40;
	v14 =	vadd.f32 v14, v49;
	_ =	sdelay $0x1  }
0x528: {  	v26 =	vsub.f32 v62, v46;
	v62 =	vmul.f32 v41, v41;
	v14 =	vadd.f32 v14, v61;
	_ =	sdelay $0x1  }
0x529: {  	v27 =	vsub.f32 v63, v46;
	v63 =	vmul.f32 v26, v26;
	v14 =	vadd.f32 v14, v62;
	_ =	sdelay $0x1  }
0x52a: {  	v28 =	vsub.f32 v28, v46;
	v21 =	vmul.f32 v27, v27;
	v14 =	vadd.f32 v14, v63;
	_ =	sdelay $0x1  }
0x52b: {  	v25 =	vsub.f32 v30, v46;
	v23 =	vmul.f32 v28, v28;
	v14 =	vadd.f32 v14, v21;
	_ =	sdelay $0x1  }
0x52c: {  	v24 =	vsub.f32 v31, v46;
	v30 =	vmul.f32 v25, v25;
	v14 =	vadd.f32 v14, v23;
	_ =	sdelay $0x1  }
0x52d: {  	v31 =	vmul.f32 v24, v24;
	v23 =	vsub.f32 v29, v46;
	v14 =	vadd.f32 v14, v30;
	_ =	sdelay $0x1  }
0x52e: {  	v21 =	vsub.f32 v32, v46;
	v32 =	vmul.f32 v23, v23;
	v14 =	vadd.f32 v14, v31;
	_ =	sdelay $0x1  }
0x52f: {  	v18 =	vsub.f32 v33, v46;
	v33 =	vmul.f32 v21, v21;
	v14 =	vadd.f32 v14, v32;
	_ =	sdelay $0x1  }
0x530: {  	v16 =	vsub.f32 v34, v46;
	v34 =	vmul.f32 v18, v18;
	v29 =	vadd.f32 v14, v33;
	_ =	sdelay $0x1  }
0x531: {  	v43 =	vmul.f32 v16, v16;
	v14 =	vsub.f32 v35, v46;
	v42 =	vadd.f32 v29, v34;
	_ =	sdelay $0x1  }
0x532: {  	v44 =	vmul.f32 v14, v14;
	v22 =	vadd.f32 v42, v43;
	_ =	sdelay $0x1  }
0x533: {  	v22 =	vadd.f32 v22, v44;
	_ =	sdelay $0x1  }
0x534: {  	v22 =	vmul.f32 $6.250000000e-02, v22;
	_ =	sdelay $0x1  }
0x535: {  	v22 =	vadd.f32 $9.999999740e-06, v22;
	_ =	sdelay $0x1  }
0x536: {  	v45 =	vshra.s32 v22, $0x1  }
0x537: {  	v29 =	vsub.s32 $0x5F3759DF, v45  }
0x538: {  	v22 =	vmul.f32 $-5.000000000e-01, v22;
	v46 =	vmul.f32 v29, v29;
	_ =	sdelay $0x1  }
0x539: {  	v30 =	vmul.f32 v46, v22;
	_ =	sdelay $0x1  }
0x53a: {  	v30 =	vadd.f32 $1.500000000e+00, v30;
	_ =	sdelay $0x1  }
0x53b: {  	v29 =	vmul.f32 v29, v30;
	_ =	sdelay $0x1  }
0x53c: {  	v30 =	vmul.f32 v29, v29;
	_ =	sdelay $0x1  }
0x53d: {  	v30 =	vmul.f32 v30, v22;
	_ =	sdelay $0x1  }
0x53e: {  	v30 =	vadd.f32 $1.500000000e+00, v30;
	_ =	sdelay $0x1  }
0x53f: {  	v29 =	vmul.f32 v30, v29;
	_ =	sdelay $0x1  }
0x540: {  	v30 =	vmul.f32 v29, v29;
	_ =	sdelay $0x1  }
0x541: {  	v22 =	vmul.f32 v30, v22;
	_ =	sdelay $0x1  }
0x542: {  	v22 =	vadd.f32 $1.500000000e+00, v22  }
0x543: {  	v47 =	vld.msk [tilespmem:s20+$0x0], $0xffff  }
0x544: {  	v22 =	vmul.f32 v22, v29  }
0x545: {  	v48 =	vld.msk [tilespmem:s22+$0x0], $0xffff  }
0x546: {  	v49 =	vmul.f32 v22, v36;
	_ =	sdelay $0x1  }
0x547: {  	v30 =	vmul.f32 v49, v47;
	_ =	sdelay $0x1  }
0x548: {  	v29 =	vadd.f32 v30, v48;
	_ =	sdelay $0x1  }
0x549: {  	[tilespmem:v1+s31+$0x0] =	vst.idx.msk $0xffff, v29  }
0x54a: {  	v1 =	vld.idx.msk [tilespmem:v0+s29+$0x0], $0xffff;
	_ =	sdelay $0x2  }
0x54b: {  	v61 =	vimm.s32 $0x1;
	_ =	sdelay $0x1  }
0x54c: {  	v1 =	vadd.f32 v29, v1;
	_ =	sdelay $0x1  }
0x54d: {  	[tilespmem:v0+s29+$0x0] =	vst.idx.msk $0xffff, v1  }
0x54e: {  	v0 =	vld.idx.msk [tilespmem:v61+s20+$0x0], $0xffff;
	_ =	sdelay $0x1  }
0x54f: {  	v1 =	vld.idx.msk [tilespmem:v61+s22+$0x0], $0xffff  }
0x550: {  	v62 =	vmul.f32 v22, v37  }
0x551: {  	v63 =	vor.u32 $0x1801, v17  }
0x552: {  	v0 =	vmul.f32 v62, v0;
	_ =	sdelay $0x1  }
0x553: {  	v0 =	vadd.f32 v0, v1;
	_ =	sdelay $0x1  }
0x554: {  	[tilespmem:v63+s31+$0x0] =	vst.idx.msk $0xffff, v0  }
0x555: {  	v31 =	vld.idx.msk [tilespmem:v2+s29+$0x0], $0xffff;
	_ =	sdelay $0x2  }
0x556: {  	v32 =	vimm.s32 $0x2;
	_ =	sdelay $0x1  }
0x557: {  	v0 =	vadd.f32 v0, v31;
	_ =	sdelay $0x1  }
0x558: {  	[tilespmem:v2+s29+$0x0] =	vst.idx.msk $0xffff, v0  }
0x559: {  	v0 =	vld.idx.msk [tilespmem:v32+s20+$0x0], $0xffff;
	_ =	sdelay $0x1  }
0x55a: {  	v1 =	vld.idx.msk [tilespmem:v32+s22+$0x0], $0xffff  }
0x55b: {  	v33 =	vmul.f32 v22, v38  }
0x55c: {  	v34 =	vor.u32 $0x1802, v17  }
0x55d: {  	v0 =	vmul.f32 v33, v0;
	_ =	sdelay $0x1  }
0x55e: {  	v0 =	vadd.f32 v0, v1;
	_ =	sdelay $0x1  }
0x55f: {  	[tilespmem:v34+s31+$0x0] =	vst.idx.msk $0xffff, v0  }
0x560: {  	v35 =	vld.idx.msk [tilespmem:v3+s29+$0x0], $0xffff;
	_ =	sdelay $0x2  }
0x561: {  	v36 =	vimm.s32 $0x3;
	_ =	sdelay $0x1  }
0x562: {  	v0 =	vadd.f32 v0, v35;
	_ =	sdelay $0x1  }
0x563: {  	[tilespmem:v3+s29+$0x0] =	vst.idx.msk $0xffff, v0  }
0x564: {  	v0 =	vld.idx.msk [tilespmem:v36+s20+$0x0], $0xffff;
	_ =	sdelay $0x1  }
0x565: {  	v1 =	vld.idx.msk [tilespmem:v36+s22+$0x0], $0xffff  }
0x566: {  	v37 =	vmul.f32 v22, v39  }
0x567: {  	v38 =	vor.u32 $0x1803, v17  }
0x568: {  	v0 =	vmul.f32 v37, v0;
	_ =	sdelay $0x1  }
0x569: {  	v0 =	vadd.f32 v0, v1;
	_ =	sdelay $0x1  }
0x56a: {  	[tilespmem:v38+s31+$0x0] =	vst.idx.msk $0xffff, v0  }
0x56b: {  	v39 =	vld.idx.msk [tilespmem:v4+s29+$0x0], $0xffff;
	_ =	sdelay $0x2  }
0x56c: {  	v42 =	vimm.s32 $0x4;
	_ =	sdelay $0x1  }
0x56d: {  	v0 =	vadd.f32 v0, v39;
	_ =	sdelay $0x1  }
0x56e: {  	[tilespmem:v4+s29+$0x0] =	vst.idx.msk $0xffff, v0  }
0x56f: {  	v0 =	vld.idx.msk [tilespmem:v42+s20+$0x0], $0xffff;
	_ =	sdelay $0x1  }
0x570: {  	v1 =	vld.idx.msk [tilespmem:v42+s22+$0x0], $0xffff  }
0x571: {  	v43 =	vmul.f32 v22, v40  }
0x572: {  	v44 =	vor.u32 $0x1804, v17  }
0x573: {  	v0 =	vmul.f32 v43, v0;
	_ =	sdelay $0x1  }
0x574: {  	v0 =	vadd.f32 v0, v1;
	_ =	sdelay $0x1  }
0x575: {  	[tilespmem:v44+s31+$0x0] =	vst.idx.msk $0xffff, v0  }
0x576: {  	v45 =	vld.idx.msk [tilespmem:v5+s29+$0x0], $0xffff;
	_ =	sdelay $0x2  }
0x577: {  	v46 =	vimm.s32 $0x5;
	_ =	sdelay $0x1  }
0x578: {  	v0 =	vadd.f32 v0, v45;
	_ =	sdelay $0x1  }
0x579: {  	[tilespmem:v5+s29+$0x0] =	vst.idx.msk $0xffff, v0  }
0x57a: {  	v0 =	vld.idx.msk [tilespmem:v46+s20+$0x0], $0xffff;
	_ =	sdelay $0x1  }
0x57b: {  	v1 =	vld.idx.msk [tilespmem:v46+s22+$0x0], $0xffff  }
0x57c: {  	v47 =	vmul.f32 v22, v41  }
0x57d: {  	v48 =	vor.u32 $0x1805, v17  }
0x57e: {  	v0 =	vmul.f32 v47, v0;
	_ =	sdelay $0x1  }
0x57f: {  	v0 =	vadd.f32 v0, v1;
	_ =	sdelay $0x1  }
0x580: {  	[tilespmem:v48+s31+$0x0] =	vst.idx.msk $0xffff, v0  }
0x581: {  	v49 =	vld.idx.msk [tilespmem:v6+s29+$0x0], $0xffff;
	_ =	sdelay $0x4  }
0x582: {  	v0 =	vadd.f32 v0, v49;
	_ =	sdelay $0x1  }
0x583: {  	[tilespmem:v6+s29+$0x0] =	vst.idx.msk $0xffff, v0  }
0x584: {  	v0 =	vld.idx.msk [tilespmem:v51+s20+$0x0], $0xffff;
	_ =	sdelay $0x1  }
0x585: {  	v61 =	vld.idx.msk [tilespmem:v51+s22+$0x0], $0xffff  }
0x586: {  	v62 =	vmul.f32 v22, v26  }
0x587: {  	v63 =	vor.u32 $0x1806, v17  }
0x588: {  	v0 =	vmul.f32 v62, v0;
	_ =	sdelay $0x1  }
0x589: {  	v0 =	vadd.f32 v0, v61;
	_ =	sdelay $0x1  }
0x58a: {  	[tilespmem:v63+s31+$0x0] =	vst.idx.msk $0xffff, v0  }
0x58b: {  	v6 =	vld.idx.msk [tilespmem:v7+s29+$0x0], $0xffff;
	_ =	sdelay $0x4  }
0x58c: {  	v0 =	vadd.f32 v0, v6;
	_ =	sdelay $0x1  }
0x58d: {  	[tilespmem:v7+s29+$0x0] =	vst.idx.msk $0xffff, v0  }
0x58e: {  	v0 =	vld.idx.msk [tilespmem:v52+s20+$0x0], $0xffff;
	_ =	sdelay $0x1  }
0x58f: {  	v7 =	vld.idx.msk [tilespmem:v52+s22+$0x0], $0xffff  }
0x590: {  	v26 =	vmul.f32 v22, v27  }
0x591: {  	v27 =	vor.u32 $0x1807, v17  }
0x592: {  	v0 =	vmul.f32 v26, v0;
	_ =	sdelay $0x1  }
0x593: {  	v0 =	vadd.f32 v0, v7;
	_ =	sdelay $0x1  }
0x594: {  	[tilespmem:v27+s31+$0x0] =	vst.idx.msk $0xffff, v0  }
0x595: {  	v29 =	vld.idx.msk [tilespmem:v8+s29+$0x0], $0xffff;
	_ =	sdelay $0x4  }
0x596: {  	v0 =	vadd.f32 v0, v29;
	_ =	sdelay $0x1  }
0x597: {  	[tilespmem:v8+s29+$0x0] =	vst.idx.msk $0xffff, v0  }
0x598: {  	v0 =	vld.idx.msk [tilespmem:v53+s20+$0x0], $0xffff;
	_ =	sdelay $0x1  }
0x599: {  	v30 =	vld.idx.msk [tilespmem:v53+s22+$0x0], $0xffff  }
0x59a: {  	v31 =	vmul.f32 v22, v28  }
0x59b: {  	v32 =	vor.u32 $0x1808, v17  }
0x59c: {  	v0 =	vmul.f32 v31, v0;
	_ =	sdelay $0x1  }
0x59d: {  	v0 =	vadd.f32 v0, v30;
	_ =	sdelay $0x1  }
0x59e: {  	[tilespmem:v32+s31+$0x0] =	vst.idx.msk $0xffff, v0  }
0x59f: {  	v33 =	vld.idx.msk [tilespmem:v9+s29+$0x0], $0xffff;
	_ =	sdelay $0x4  }
0x5a0: {  	v0 =	vadd.f32 v0, v33;
	_ =	sdelay $0x1  }
0x5a1: {  	[tilespmem:v9+s29+$0x0] =	vst.idx.msk $0xffff, v0  }
0x5a2: {  	v0 =	vld.idx.msk [tilespmem:v54+s20+$0x0], $0xffff;
	_ =	sdelay $0x1  }
0x5a3: {  	v34 =	vld.idx.msk [tilespmem:v54+s22+$0x0], $0xffff  }
0x5a4: {  	v35 =	vmul.f32 v22, v25  }
0x5a5: {  	v36 =	vor.u32 $0x1809, v17  }
0x5a6: {  	v0 =	vmul.f32 v35, v0;
	_ =	sdelay $0x1  }
0x5a7: {  	v0 =	vadd.f32 v0, v34;
	_ =	sdelay $0x1  }
0x5a8: {  	[tilespmem:v36+s31+$0x0] =	vst.idx.msk $0xffff, v0  }
0x5a9: {  	v37 =	vld.idx.msk [tilespmem:v10+s29+$0x0], $0xffff;
	_ =	sdelay $0x4  }
0x5aa: {  	v0 =	vadd.f32 v0, v37;
	_ =	sdelay $0x1  }
0x5ab: {  	[tilespmem:v10+s29+$0x0] =	vst.idx.msk $0xffff, v0  }
0x5ac: {  	v0 =	vld.idx.msk [tilespmem:v56+s20+$0x0], $0xffff;
	_ =	sdelay $0x1  }
0x5ad: {  	v38 =	vld.idx.msk [tilespmem:v56+s22+$0x0], $0xffff  }
0x5ae: {  	v39 =	vmul.f32 v22, v24  }
0x5af: {  	v40 =	vor.u32 $0x180A, v17  }
0x5b0: {  	v0 =	vmul.f32 v0, v39;
	_ =	sdelay $0x1  }
0x5b1: {  	v0 =	vadd.f32 v38, v0;
	_ =	sdelay $0x1  }
0x5b2: {  	[tilespmem:v40+s31+$0x0] =	vst.idx.msk $0xffff, v0  }
0x5b3: {  	v41 =	vld.idx.msk [tilespmem:v11+s29+$0x0], $0xffff;
	_ =	sdelay $0x4  }
0x5b4: {  	v0 =	vadd.f32 v41, v0;
	_ =	sdelay $0x1  }
0x5b5: {  	[tilespmem:v11+s29+$0x0] =	vst.idx.msk $0xffff, v0  }
0x5b6: {  	v0 =	vld.idx.msk [tilespmem:v57+s20+$0x0], $0xffff;
	_ =	sdelay $0x1  }
0x5b7: {  	v42 =	vld.idx.msk [tilespmem:v57+s22+$0x0], $0xffff  }
0x5b8: {  	v43 =	vmul.f32 v22, v23  }
0x5b9: {  	v44 =	vor.u32 $0x180B, v17  }
0x5ba: {  	v0 =	vmul.f32 v0, v43;
	_ =	sdelay $0x1  }
0x5bb: {  	v0 =	vadd.f32 v42, v0;
	_ =	sdelay $0x1  }
0x5bc: {  	[tilespmem:v44+s31+$0x0] =	vst.idx.msk $0xffff, v0  }
0x5bd: {  	v45 =	vld.idx.msk [tilespmem:v12+s29+$0x0], $0xffff;
	_ =	sdelay $0x4  }
0x5be: {  	v0 =	vadd.f32 v45, v0;
	_ =	sdelay $0x1  }
0x5bf: {  	[tilespmem:v12+s29+$0x0] =	vst.idx.msk $0xffff, v0  }
0x5c0: {  	v0 =	vld.idx.msk [tilespmem:v58+s20+$0x0], $0xffff;
	_ =	sdelay $0x1  }
0x5c1: {  	v46 =	vld.idx.msk [tilespmem:v58+s22+$0x0], $0xffff  }
0x5c2: {  	v47 =	vmul.f32 v22, v21  }
0x5c3: {  	v48 =	vor.u32 $0x180C, v17  }
0x5c4: {  	v0 =	vmul.f32 v0, v47;
	_ =	sdelay $0x1  }
0x5c5: {  	v0 =	vadd.f32 v46, v0;
	_ =	sdelay $0x1  }
0x5c6: {  	[tilespmem:v48+s31+$0x0] =	vst.idx.msk $0xffff, v0  }
0x5c7: {  	v49 =	vld.idx.msk [tilespmem:v13+s29+$0x0], $0xffff;
	_ =	sdelay $0x4  }
0x5c8: {  	v0 =	vadd.f32 v49, v0;
	_ =	sdelay $0x1  }
0x5c9: {  	[tilespmem:v13+s29+$0x0] =	vst.idx.msk $0xffff, v0  }
0x5ca: {  	v0 =	vld.idx.msk [tilespmem:v59+s20+$0x0], $0xffff;
	_ =	sdelay $0x1  }
0x5cb: {  	v51 =	vld.idx.msk [tilespmem:v59+s22+$0x0], $0xffff  }
0x5cc: {  	v52 =	vmul.f32 v22, v18  }
0x5cd: {  	v53 =	vor.u32 $0x180D, v17  }
0x5ce: {  	v0 =	vmul.f32 v0, v52;
	_ =	sdelay $0x1  }
0x5cf: {  	v0 =	vadd.f32 v51, v0;
	_ =	sdelay $0x1  }
0x5d0: {  	[tilespmem:v53+s31+$0x0] =	vst.idx.msk $0xffff, v0  }
0x5d1: {  	v54 =	vld.idx.msk [tilespmem:v15+s29+$0x0], $0xffff;
	_ =	sdelay $0x4  }
0x5d2: {  	v0 =	vadd.f32 v54, v0;
	_ =	sdelay $0x1  }
0x5d3: {  	[tilespmem:v15+s29+$0x0] =	vst.idx.msk $0xffff, v0  }
0x5d4: {  	v0 =	vld.idx.msk [tilespmem:v60+s20+$0x0], $0xffff;
	_ =	sdelay $0x1  }
0x5d5: {  	v56 =	vld.idx.msk [tilespmem:v60+s22+$0x0], $0xffff  }
0x5d6: {  	v57 =	vmul.f32 v22, v16  }
0x5d7: {  	v58 =	vor.u32 $0x180E, v17  }
0x5d8: {  	v0 =	vmul.f32 v0, v57;
	_ =	sdelay $0x1  }
0x5d9: {  	v0 =	vadd.f32 v56, v0;
	_ =	sdelay $0x1  }
0x5da: {  	[tilespmem:v58+s31+$0x0] =	vst.idx.msk $0xffff, v0  }
0x5db: {  	v59 =	vld.idx.msk [tilespmem:v19+s29+$0x0], $0xffff;
	_ =	sdelay $0x4  }
0x5dc: {  	v0 =	vadd.f32 v59, v0;
	_ =	sdelay $0x1  }
0x5dd: {  	[tilespmem:v19+s29+$0x0] =	vst.idx.msk $0xffff, v0  }
0x5de: {  	v0 =	vld.idx.msk [tilespmem:v55+s20+$0x0], $0xffff;
	_ =	sdelay $0x1  }
0x5df: {  	v60 =	vld.idx.msk [tilespmem:v55+s22+$0x0], $0xffff  }
0x5e0: {  	v61 =	vmul.f32 v22, v14  }
0x5e1: {  	v62 =	vor.u32 $0x180F, v17  }
0x5e2: {  	v0 =	vmul.f32 v0, v61;
	_ =	sdelay $0x1  }
0x5e3: {  	v0 =	vadd.f32 v60, v0;
	_ =	sdelay $0x1  }
0x5e4: {  	[tilespmem:v62+s31+$0x0] =	vst.idx.msk $0xffff, v0  }
0x5e5: {  	v63 =	vld.idx.msk [tilespmem:v20+s29+$0x0], $0xffff;
	_ =	sdelay $0x4  }
0x5e6: {  	v0 =	vadd.f32 v63, v0  }
0x5e7: {  	s14 =	sshll.u32 s14, $0x1;
	s13 =	sshll.u32 s13, $0x4  }
0x5e8: {  	s14 =	sadd.s32 s11, s14;
	s13 =	sadd.s32 $0xE420, s13;
	[tilespmem:v20+s29+$0x0] =	vst.idx.msk $0xffff, v0  }
0x5e9: {  	[hbm4b:s14+s6] =	stream.linear.scatter [tilespmem:s13], [sflag:$0x2], $0x1900, $0x38;
	[tilespmem:$0x15740] =	vst v63  }
0x5ea: {  	s12 =	sadd.s32 $0x2710, s12  }
0x5eb: {  	[spmem:s5] =	stream.indirect.scatter.add.f32 [tilespmem:s31], [sflag:$0x3], $0x10, s12, s24, $0xb8;
	[tilespmem:$0x15740] =	vst v63  }
0x5ec: {  	p0 =	sne.s32 s23, $0x19;
	_ =	swait.ge [sflag:s21], $0x1900  }
.Ltmp1:
0x5ed: {  	[sflag:s21] =	ssyncset.done $0x0;
	(pc) =	sbr.rel @p0 .LBB2_2-.Ltmp1, $4  }
0x5ee: {  	[sflag:s21] =	ssyncadd.s32 $0xFFFFE700  }
0x5ef: {  	_ =	swait.ge [sflag:s3], $0x1900  }
0x5f0: {  	[sflag:s3] =	ssyncset.done $0x0  }
0x5f1: {  	[sflag:s3] =	ssyncadd.s32 $0xFFFFE700  }
0x5f2: {  	s1 =	sadd.s32 $0x1, s1  }
0x5f3: {  	p0 =	sne.s32 s1, s19  }
.Ltmp2:
0x5f4: {  	[bflag:$0x0] =	sbarrier.arrive $0xFFFF;
	(pc) =	sbr.rel @p0 .LBB2_1-.Ltmp2, $4  }
0x5f5: {  	[hbm:s18], [sflag:s2] =	dma.local [spmem:s4], $0x500  }
0x5f6: {  	_ =	swait.ge [sflag:s21], $0x500  }
0x5f7: {  	[sflag:s21] =	ssyncset.done $0x0  }
0x5f8: {  	[sflag:s21] =	ssyncadd.s32 $0xFFFFFB00  }
0x5f9: {  	_ =	sfence.sel $0x180000  }
0x5fa: {  	[bflag:$0x0] =	sbarrier.arrive $0xFFFF  }
0x5fb: {  	_ =	strace $0x90000047  }
0x5fc: {  	s0 =	stileid.u32;
	[bflag:$0x2] =	sbarrier.arrive $0xFFFF  }
0x5fd: {  	p0 =	sne.s32 s0, $0x0;
	s0 =	rddreg [dreg:$0x6]  }
0x5fe: {  	s0 =	sadd.s32 @!p0 $0x100000, s0  }
0x5ff: {  	[sflag:s0] =	ssyncadd.tile.s32 @!p0 $0x1;
	_ =	shalt  }
.Lfunc_end2:
_tile_overlayer_lowered:
.L_overlay_start_2:
0x600: {  	(tag) =	ssettag $0x2  }
0x601: {  	s0 =	rddreg [dreg:$0x0];
	s2 =	stileid.u32  }
0x602: {  	s1 =	rddreg [dreg:$0x1];
	p0 =	sne.s32 s2, $0x0  }
0x603: {  	s3 =	rddreg [dreg:$0x2];
	[bflag:$0x3] =	sbarrier.arrive $0xFFFF;
	s2 =	simm.s32 @!p0 $0x1C03  }
0x604: {  	[timem:s3], [sflag:s2] =	dma.local @!p0 [hbm:s0], s1  }
0x605: {  	s0 =	simm.s32 @!p0 $0x3  }
0x606: {  	_ =	swait.ge @!p0 [sflag:s0], s1  }
0x607: {  	s1 =	ssub.s32 @!p0 $0x0, s1;
	[sflag:s0] =	ssyncset.done @!p0 $0x0  }
0x608: {  	[sflag:s0] =	ssyncadd.s32 @!p0 s1  }
0x609: {  	[bflag:$0x3] =	sbarrier.arrive $0xFFFF  }
0x60a: {  	_ =	shalt  }

</sc_bundles>
